<compile_context>
chip_gen: v7x
topology: tpu7x:2x2x1
jax: 0.10.2.dev20260603
libtpu: 0.0.44.dev20260713+nightly
codegen_flags: <defaults>
</compile_context>

<pallas_src>
import functools
import jax
import jax.numpy as jnp
from jax.experimental import pallas as pl

_NB = 2000


def _mm_body(x_ref, w_ref, o_ref):
    o_ref[...] = jnp.dot(x_ref[...], w_ref[...],
                         preferred_element_type=jnp.float32)


def _mm(x, w):
    n, k = x.shape
    f = w.shape[1]
    return pl.pallas_call(
        _mm_body,
        grid=(n // _NB,),
        in_specs=[pl.BlockSpec((_NB, k), lambda i: (i, 0)),
                  pl.BlockSpec((k, f), lambda i: (0, 0))],
        out_specs=pl.BlockSpec((_NB, f), lambda i: (i, 0)),
        out_shape=jax.ShapeDtypeStruct((n, f), jnp.float32),
    )(x, w)


def _stats_body(c_ref, o_ref):
    @pl.when(pl.program_id(0) == 0)
    def _():
        o_ref[...] = jnp.zeros_like(o_ref)
    c = c_ref[...]
    o_ref[0, :] += jnp.sum(c, axis=0)
    o_ref[1, :] += jnp.sum(c * c, axis=0)


def _stats(c):
    n, f = c.shape
    return pl.pallas_call(
        _stats_body,
        grid=(n // _NB,),
        in_specs=[pl.BlockSpec((_NB, f), lambda i: (i, 0))],
        out_specs=pl.BlockSpec((2, f), lambda i: (0, 0)),
        out_shape=jax.ShapeDtypeStruct((2, f), jnp.float32),
    )(c)


def _bnmm_body(n, c_ref, s_ref, g_ref, be_ref, w_ref, o_ref):
    mu = s_ref[0, :] / n
    var = s_ref[1, :] / n - mu * mu
    rstd = jax.lax.rsqrt(var + 1e-5)
    h = (c_ref[...] - mu[None, :]) * (rstd * g_ref[0, :])[None, :] \
        + be_ref[0, :][None, :]
    h = jnp.maximum(h, 0.0)
    o_ref[...] = jnp.dot(h, w_ref[...], preferred_element_type=jnp.float32)


def _bnmm(c, s, g, be, w):
    n, f = c.shape
    fo = w.shape[1]
    return pl.pallas_call(
        functools.partial(_bnmm_body, float(n)),
        grid=(n // _NB,),
        in_specs=[pl.BlockSpec((_NB, f), lambda i: (i, 0)),
                  pl.BlockSpec((2, f), lambda i: (0, 0)),
                  pl.BlockSpec((1, f), lambda i: (0, 0)),
                  pl.BlockSpec((1, f), lambda i: (0, 0)),
                  pl.BlockSpec((f, fo), lambda i: (0, 0))],
        out_specs=pl.BlockSpec((_NB, fo), lambda i: (i, 0)),
        out_shape=jax.ShapeDtypeStruct((n, fo), jnp.float32),
    )(c, s, g.reshape(1, f), be.reshape(1, f), w)


def _pool_body(g_count, h_ref, b_ref, o_ref):
    @pl.when(pl.program_id(0) == 0)
    def _():
        o_ref[...] = jnp.zeros_like(o_ref)
    h = h_ref[...]
    ones = jnp.ones((h.shape[0], 1), jnp.float32)
    ha = jnp.concatenate([h, ones], axis=1)
    gid = jax.lax.broadcasted_iota(jnp.int32, (h.shape[0], g_count), 1)
    onehot = (b_ref[...] == gid).astype(jnp.float32)
    o_ref[...] += jax.lax.dot_general(
        onehot, ha, (((0,), (0,)), ((), ())),
        preferred_element_type=jnp.float32)


def _pool(h, batch, g_count):
    n, f = h.shape
    return pl.pallas_call(
        functools.partial(_pool_body, g_count),
        grid=(n // _NB,),
        in_specs=[pl.BlockSpec((_NB, f), lambda i: (i, 0)),
                  pl.BlockSpec((_NB, 1), lambda i: (i, 0))],
        out_specs=pl.BlockSpec((g_count, f + 1), lambda i: (0, 0)),
        out_shape=jax.ShapeDtypeStruct((g_count, f + 1), jnp.float32),
    )(h, batch.astype(jnp.int32).reshape(n, 1))


def kernel(x, ei, batch, W1, b1, g1, be1, W2, b2, g2, be2, W3, b3, g3, be3):
    n = x.shape[0]
    g_count = 1024
    loop = jnp.arange(n, dtype=ei.dtype)
    src = jnp.concatenate([ei[0], loop])
    dst = jnp.concatenate([ei[1], loop])
    deg = jnp.zeros((n,), jnp.float32).at[dst].add(1.0)
    dinv = jnp.where(deg > 0, jax.lax.rsqrt(deg), 0.0)
    norm = dinv[src] * dinv[dst]

    def mp(m):
        msg = m[src] * norm[:, None]
        return jnp.zeros((n, m.shape[1]), m.dtype).at[dst].add(msg)

    m1 = _mm(x, W1)
    c1 = mp(m1)
    s1 = _stats(c1)
    m2 = _bnmm(c1, s1, g1, be1, W2)
    c2 = mp(m2)
    s2 = _stats(c2)
    m3 = _bnmm(c2, s2, g2, be2, W3)
    c3 = mp(m3)
    s3 = _stats(c3)
    h3 = _bnmm(c3, s3, g3, be3, jnp.eye(128, dtype=jnp.float32))
    pooled = _pool(h3, batch, g_count)
    return pooled[:, :128] / jnp.maximum(pooled[:, 128:], 1.0)

# --- scband reference (transcript-rebuilt; emitter-appended) ---
"""Pipeline reference for scband-drug-encoder-14181982011973 (READ-ONLY COPY).

The authoritative reference and input builder live on the scoring server;
editing this copy changes nothing except your own understanding.
"""

import jax, jax.numpy as jnp
import numpy as np

N = 50000
E = 1600000
G = 1024


def _glorot(k, shape):
    lim = float(np.sqrt(6.0 / (shape[0] + shape[1])))
    return jax.random.uniform(k, shape, jnp.float32, -lim, lim)


def setup_inputs(seed: int = 0):
    key = jax.random.key(seed)
    ks = jax.random.split(key, 8)
    x = jax.random.normal(ks[0], (N, 9), dtype=jnp.float32)
    ei = jax.random.randint(ks[1], (2, E), 0, N)
    batch = jnp.sort(jax.random.randint(ks[2], (N,), 0, G))
    W1 = _glorot(ks[3], (9, 64)); b1 = jnp.zeros((64,), jnp.float32)
    g1 = jnp.ones((64,), jnp.float32); be1 = jnp.zeros((64,), jnp.float32)
    W2 = _glorot(ks[4], (64, 128)); b2 = jnp.zeros((128,), jnp.float32)
    g2 = jnp.ones((128,), jnp.float32); be2 = jnp.zeros((128,), jnp.float32)
    W3 = _glorot(ks[5], (128, 128)); b3 = jnp.zeros((128,), jnp.float32)
    g3 = jnp.ones((128,), jnp.float32); be3 = jnp.zeros((128,), jnp.float32)
    return {"x": x, "ei": ei, "batch": batch,
            "W1": W1, "b1": b1, "g1": g1, "be1": be1,
            "W2": W2, "b2": b2, "g2": g2, "be2": be2,
            "W3": W3, "b3": b3, "g3": g3, "be3": be3}


def reference(x, ei, batch, W1, b1, g1, be1, W2, b2, g2, be2, W3, b3, g3, be3):
    # GCNConv with self-loops and symmetric normalization (PyG semantics)
    loop = jnp.arange(N, dtype=ei.dtype)
    src = jnp.concatenate([ei[0], loop])
    dst = jnp.concatenate([ei[1], loop])
    deg = jnp.zeros((N,), jnp.float32).at[dst].add(1.0)
    dinv = jnp.where(deg > 0, 1.0 / jnp.sqrt(deg), 0.0)
    norm = dinv[src] * dinv[dst]

    def conv(h, W, b):
        h = h @ W
        msg = h[src] * norm[:, None]
        out = jnp.zeros((N, W.shape[1]), h.dtype).at[dst].add(msg)
        return out + b

    def bn(h, g, b, eps=1e-5):
        mu = h.mean(axis=0)
        var = h.var(axis=0)
        return (h - mu) / jnp.sqrt(var + eps) * g + b

    h = jax.nn.relu(bn(conv(x, W1, b1), g1, be1))
    h = jax.nn.relu(bn(conv(h, W2, b2), g2, be2))
    h = jax.nn.relu(bn(conv(h, W3, b3), g3, be3))

    sums = jax.ops.segment_sum(h, batch, num_segments=G)
    cnt = jax.ops.segment_sum(jnp.ones((N, 1), h.dtype), batch, num_segments=G)
    return sums / jnp.maximum(cnt, 1.0)

if __name__ == "__main__":
    import jax
    _d = setup_inputs()
    print(jax.jit(kernel)(*tuple(_d.values())))

</pallas_src>

<mosaic_0001>
module attributes {stable_mosaic.version = 14 : i64} {
  func.func @_mm_body(%arg0: i32, %arg1: memref<2000x9xf32, #tpu.memory_space<vmem>>, %arg2: memref<9x64xf32, #tpu.memory_space<vmem>>, %arg3: memref<2000x64xf32, #tpu.memory_space<vmem>>) attributes {dimension_semantics = [#tpu.dimension_semantics<arbitrary>], iteration_bounds = array<i64: 25>, scalar_prefetch = 0 : i64, scratch_operands = 0 : i64, tpu.core_type = #tpu.core_type<tc>, window_params = [{transform_indices = @transform_0, window_bounds = array<i64: 2000, 9>}, {pipeline_mode = #tpu.pipeline_mode<synchronous>, transform_indices = @transform_1, window_bounds = array<i64: 9, 64>}, {transform_indices = @transform_2, window_bounds = array<i64: 2000, 64>}]} {
    %get3A = arith.constant 0 : index
    %get3A_0 = arith.constant 0 : index
    %get3A_1 = vector.load %arg1[%get3A, %get3A_0] : memref<2000x9xf32, #tpu.memory_space<vmem>>, vector<2000x9xf32>
    %get3A_2 = arith.constant 0 : index
    %get3A_3 = arith.constant 0 : index
    %get3A_4 = vector.load %arg2[%get3A_2, %get3A_3] : memref<9x64xf32, #tpu.memory_space<vmem>>, vector<9x64xf32>
    %dot_general3A = arith.constant dense<0.000000e+00> : vector<2000x64xf32>
    %dot_general3A_5 = tpu.matmul %get3A_1, %get3A_4, %dot_general3A {dimension_numbers = #tpu.dot_dimension_numbers<[1], [0], [0], [1], [0, 0, 1, 1], [], []>, transpose_lhs_hint = false} : vector<2000x9xf32>, vector<9x64xf32>, vector<2000x64xf32> -> vector<2000x64xf32>
    %swap3A = arith.constant 0 : index
    %swap3A_6 = arith.constant 0 : index
    %swap3A_7 = vector.load %arg3[%swap3A, %swap3A_6] : memref<2000x64xf32, #tpu.memory_space<vmem>>, vector<2000x64xf32>
    tpu.vector_store %arg3[%swap3A, %swap3A_6], %dot_general3A_5 {strides = array<i32>} : memref<2000x64xf32, #tpu.memory_space<vmem>>, vector<2000x64xf32>,
    return
  }
  func.func @transform_0(%arg0: i32) -> (i32, i32) {
    %c0_i32 = arith.constant 0 : i32
    %c0_i32_0 = arith.constant 0 : i32
    return %arg0, %c0_i32 : i32, i32
  }
  func.func @transform_1(%arg0: i32) -> (i32, i32) {
    %c0_i32 = arith.constant 0 : i32
    %c0_i32_0 = arith.constant 0 : i32
    %c0_i32_1 = arith.constant 0 : i32
    return %c0_i32, %c0_i32_0 : i32, i32
  }
  func.func @transform_2(%arg0: i32) -> (i32, i32) {
    %c0_i32 = arith.constant 0 : i32
    %c0_i32_0 = arith.constant 0 : i32
    return %arg0, %c0_i32 : i32, i32
  }
}

module attributes {stable_mosaic.version = 14 : i64} {
  func.func @_stats_body(%arg0: i32, %arg1: memref<2000x64xf32, #tpu.memory_space<vmem>>, %arg2: memref<2x64xf32, #tpu.memory_space<vmem>>) attributes {dimension_semantics = [#tpu.dimension_semantics<arbitrary>], iteration_bounds = array<i64: 25>, scalar_prefetch = 0 : i64, scratch_operands = 0 : i64, tpu.core_type = #tpu.core_type<tc>, window_params = [{transform_indices = @transform_0, window_bounds = array<i64: 2000, 64>}, {pipeline_mode = #tpu.pipeline_mode<synchronous>, transform_indices = @transform_1, window_bounds = array<i64: 2, 64>}]} {
    %eq3A = arith.constant 0 : i32
    %eq3A_0 = arith.cmpi eq, %arg0, %eq3A : i32
    %convert_element_type3A = arith.extui %eq3A_0 : i1 to i32
    %cond3A = arith.constant 0 : i32
    %cond3A_1 = arith.cmpi ne, %convert_element_type3A, %cond3A : i32
    scf.if %cond3A_1 {
      %broadcast_in_dim3A = arith.constant 0.000000e+00 : f32
      %broadcast_in_dim3A_25 = vector.broadcast %broadcast_in_dim3A : f32 to vector<2x64xf32>
      %swap3A_26 = arith.constant 0 : index
      %swap3A_27 = arith.constant 0 : index
      %swap3A_28 = vector.load %arg2[%swap3A_26, %swap3A_27] : memref<2x64xf32, #tpu.memory_space<vmem>>, vector<2x64xf32>
      tpu.vector_store %arg2[%swap3A_26, %swap3A_27], %broadcast_in_dim3A_25 {strides = array<i32>} : memref<2x64xf32, #tpu.memory_space<vmem>>, vector<2x64xf32>,
    } else {
    }
    %get3A = arith.constant 0 : index
    %get3A_2 = arith.constant 0 : index
    %get3A_3 = vector.load %arg1[%get3A, %get3A_2] : memref<2000x64xf32, #tpu.memory_space<vmem>>, vector<2000x64xf32>
    %get3A_4 = arith.constant 0 : index
    %get3A_5 = arith.constant 0 : index
    %get3A_6 = vector.load %arg2[%get3A_4, %get3A_5] : memref<2x64xf32, #tpu.memory_space<vmem>>, vector<1x64xf32>
    %get3A_7 = vector.shape_cast %get3A_6 : vector<1x64xf32> to vector<64xf32>
    %reduce_sum3A = arith.constant dense<0.000000e+00> : vector<64xf32>
    %reduce_sum3A_8 = vector.multi_reduction <add>, %get3A_3, %reduce_sum3A [0] : vector<2000x64xf32> to vector<64xf32>
    %add3A = arith.addf %get3A_7, %reduce_sum3A_8 : vector<64xf32>
    %swap3A = arith.constant 0 : index
    %swap3A_9 = arith.constant 0 : index
    %swap3A_10 = vector.load %arg2[%swap3A, %swap3A_9] : memref<2x64xf32, #tpu.memory_space<vmem>>, vector<1x64xf32>
    %swap3A_11 = vector.shape_cast %swap3A_10 : vector<1x64xf32> to vector<64xf32>
    %swap3A_12 = vector.shape_cast %add3A : vector<64xf32> to vector<1x64xf32>
    tpu.vector_store %arg2[%swap3A, %swap3A_9], %swap3A_12 {strides = array<i32>} : memref<2x64xf32, #tpu.memory_space<vmem>>, vector<1x64xf32>,
    %get3A_13 = arith.constant 1 : index
    %get3A_14 = arith.constant 0 : index
    %get3A_15 = vector.load %arg2[%get3A_13, %get3A_14] : memref<2x64xf32, #tpu.memory_space<vmem>>, vector<1x64xf32>
    %get3A_16 = vector.shape_cast %get3A_15 : vector<1x64xf32> to vector<64xf32>
    %mul3A = arith.mulf %get3A_3, %get3A_3 : vector<2000x64xf32>
    %reduce_sum3A_17 = arith.constant dense<0.000000e+00> : vector<64xf32>
    %reduce_sum3A_18 = vector.multi_reduction <add>, %mul3A, %reduce_sum3A_17 [0] : vector<2000x64xf32> to vector<64xf32>
    %add3A_19 = arith.addf %get3A_16, %reduce_sum3A_18 : vector<64xf32>
    %swap3A_20 = arith.constant 1 : index
    %swap3A_21 = arith.constant 0 : index
    %swap3A_22 = vector.load %arg2[%swap3A_20, %swap3A_21] : memref<2x64xf32, #tpu.memory_space<vmem>>, vector<1x64xf32>
    %swap3A_23 = vector.shape_cast %swap3A_22 : vector<1x64xf32> to vector<64xf32>
    %swap3A_24 = vector.shape_cast %add3A_19 : vector<64xf32> to vector<1x64xf32>
    tpu.vector_store %arg2[%swap3A_20, %swap3A_21], %swap3A_24 {strides = array<i32>} : memref<2x64xf32, #tpu.memory_space<vmem>>, vector<1x64xf32>,
    return
  }
  func.func @transform_0(%arg0: i32) -> (i32, i32) {
    %c0_i32 = arith.constant 0 : i32
    %c0_i32_0 = arith.constant 0 : i32
    return %arg0, %c0_i32 : i32, i32
  }
  func.func @transform_1(%arg0: i32) -> (i32, i32) {
    %c0_i32 = arith.constant 0 : i32
    %c0_i32_0 = arith.constant 0 : i32
    %c0_i32_1 = arith.constant 0 : i32
    return %c0_i32, %c0_i32_0 : i32, i32
  }
}

module attributes {stable_mosaic.version = 14 : i64} {
  func.func @_bnmm_body(%arg0: i32, %arg1: memref<2000x64xf32, #tpu.memory_space<vmem>>, %arg2: memref<2x64xf32, #tpu.memory_space<vmem>>, %arg3: memref<1x64xf32, #tpu.memory_space<vmem>>, %arg4: memref<1x64xf32, #tpu.memory_space<vmem>>, %arg5: memref<64x128xf32, #tpu.memory_space<vmem>>, %arg6: memref<2000x128xf32, #tpu.memory_space<vmem>>) attributes {dimension_semantics = [#tpu.dimension_semantics<arbitrary>], iteration_bounds = array<i64: 25>, scalar_prefetch = 0 : i64, scratch_operands = 0 : i64, tpu.core_type = #tpu.core_type<tc>, window_params = [{transform_indices = @transform_0, window_bounds = array<i64: 2000, 64>}, {pipeline_mode = #tpu.pipeline_mode<synchronous>, transform_indices = @transform_1, window_bounds = array<i64: 2, 64>}, {pipeline_mode = #tpu.pipeline_mode<synchronous>, transform_indices = @transform_2, window_bounds = array<i64: 1, 64>}, {pipeline_mode = #tpu.pipeline_mode<synchronous>, transform_indices = @transform_3, window_bounds = array<i64: 1, 64>}, {pipeline_mode = #tpu.pipeline_mode<synchronous>, transform_indices = @transform_4, window_bounds = array<i64: 64, 128>}, {transform_indices = @transform_5, window_bounds = array<i64: 2000, 128>}]} {
    %get3A = arith.constant 0 : index
    %get3A_0 = arith.constant 0 : index
    %get3A_1 = vector.load %arg2[%get3A, %get3A_0] : memref<2x64xf32, #tpu.memory_space<vmem>>, vector<1x64xf32>
    %get3A_2 = vector.shape_cast %get3A_1 : vector<1x64xf32> to vector<64xf32>
    %div3A = arith.constant 5.000000e+04 : f32
    %div3A_3 = vector.broadcast %div3A : f32 to vector<64xf32>
    %div3A_4 = arith.divf %get3A_2, %div3A_3 : vector<64xf32>
    %get3A_5 = arith.constant 1 : index
    %get3A_6 = arith.constant 0 : index
    %get3A_7 = vector.load %arg2[%get3A_5, %get3A_6] : memref<2x64xf32, #tpu.memory_space<vmem>>, vector<1x64xf32>
    %get3A_8 = vector.shape_cast %get3A_7 : vector<1x64xf32> to vector<64xf32>
    %div3A_9 = arith.constant 5.000000e+04 : f32
    %div3A_10 = vector.broadcast %div3A_9 : f32 to vector<64xf32>
    %div3A_11 = arith.divf %get3A_8, %div3A_10 : vector<64xf32>
    %mul3A = arith.mulf %div3A_4, %div3A_4 : vector<64xf32>
    %sub3A = arith.subf %div3A_11, %mul3A : vector<64xf32>
    %add3A = arith.constant 9.99999974E-6 : f32
    %add3A_12 = vector.broadcast %add3A : f32 to vector<64xf32>
    %add3A_13 = arith.addf %sub3A, %add3A_12 : vector<64xf32>
    %rsqrt3A = math.rsqrt %add3A_13 : vector<64xf32>
    %get3A_14 = arith.constant 0 : index
    %get3A_15 = arith.constant 0 : index
    %get3A_16 = vector.load %arg1[%get3A_14, %get3A_15] : memref<2000x64xf32, #tpu.memory_space<vmem>>, vector<2000x64xf32>
    %broadcast_in_dim3A = vector.shape_cast %div3A_4 : vector<64xf32> to vector<1x64xf32>
    %sub3A_17 = vector.broadcast %broadcast_in_dim3A : vector<1x64xf32> to vector<2000x64xf32>
    %sub3A_18 = arith.subf %get3A_16, %sub3A_17 : vector<2000x64xf32>
    %get3A_19 = arith.constant 0 : index
    %get3A_20 = arith.constant 0 : index
    %get3A_21 = vector.load %arg3[%get3A_19, %get3A_20] : memref<1x64xf32, #tpu.memory_space<vmem>>, vector<1x64xf32>
    %get3A_22 = vector.shape_cast %get3A_21 : vector<1x64xf32> to vector<64xf32>
    %mul3A_23 = arith.mulf %rsqrt3A, %get3A_22 : vector<64xf32>
    %broadcast_in_dim3A_24 = vector.shape_cast %mul3A_23 : vector<64xf32> to vector<1x64xf32>
    %mul3A_25 = vector.broadcast %broadcast_in_dim3A_24 : vector<1x64xf32> to vector<2000x64xf32>
    %mul3A_26 = arith.mulf %sub3A_18, %mul3A_25 : vector<2000x64xf32>
    %get3A_27 = arith.constant 0 : index
    %get3A_28 = arith.constant 0 : index
    %get3A_29 = vector.load %arg4[%get3A_27, %get3A_28] : memref<1x64xf32, #tpu.memory_space<vmem>>, vector<1x64xf32>
    %get3A_30 = vector.shape_cast %get3A_29 : vector<1x64xf32> to vector<64xf32>
    %broadcast_in_dim3A_31 = vector.shape_cast %get3A_30 : vector<64xf32> to vector<1x64xf32>
    %add3A_32 = vector.broadcast %broadcast_in_dim3A_31 : vector<1x64xf32> to vector<2000x64xf32>
    %add3A_33 = arith.addf %mul3A_26, %add3A_32 : vector<2000x64xf32>
    %max3A = arith.constant 0.000000e+00 : f32
    %max3A_34 = vector.broadcast %max3A : f32 to vector<2000x64xf32>
    %max3A_35 = arith.maximumf %add3A_33, %max3A_34 : vector<2000x64xf32>
    %get3A_36 = arith.constant 0 : index
    %get3A_37 = arith.constant 0 : index
    %get3A_38 = vector.load %arg5[%get3A_36, %get3A_37] : memref<64x128xf32, #tpu.memory_space<vmem>>, vector<64x128xf32>
    %dot_general3A = arith.constant dense<0.000000e+00> : vector<2000x128xf32>
    %dot_general3A_39 = tpu.matmul %max3A_35, %get3A_38, %dot_general3A {dimension_numbers = #tpu.dot_dimension_numbers<[1], [0], [0], [1], [0, 0, 1, 1], [], []>, transpose_lhs_hint = false} : vector<2000x64xf32>, vector<64x128xf32>, vector<2000x128xf32> -> vector<2000x128xf32>
    %swap3A = arith.constant 0 : index
    %swap3A_40 = arith.constant 0 : index
    %swap3A_41 = vector.load %arg6[%swap3A, %swap3A_40] : memref<2000x128xf32, #tpu.memory_space<vmem>>, vector<2000x128xf32>
    tpu.vector_store %arg6[%swap3A, %swap3A_40], %dot_general3A_39 {strides = array<i32>} : memref<2000x128xf32, #tpu.memory_space<vmem>>, vector<2000x128xf32>,
    return
  }
  func.func @transform_0(%arg0: i32) -> (i32, i32) {
    %c0_i32 = arith.constant 0 : i32
    %c0_i32_0 = arith.constant 0 : i32
    return %arg0, %c0_i32 : i32, i32
  }
  func.func @transform_1(%arg0: i32) -> (i32, i32) {
    %c0_i32 = arith.constant 0 : i32
    %c0_i32_0 = arith.constant 0 : i32
    %c0_i32_1 = arith.constant 0 : i32
    return %c0_i32, %c0_i32_0 : i32, i32
  }
  func.func @transform_2(%arg0: i32) -> (i32, i32) {
    %c0_i32 = arith.constant 0 : i32
    %c0_i32_0 = arith.constant 0 : i32
    %c0_i32_1 = arith.constant 0 : i32
    return %c0_i32, %c0_i32_0 : i32, i32
  }
  func.func @transform_3(%arg0: i32) -> (i32, i32) {
    %c0_i32 = arith.constant 0 : i32
    %c0_i32_0 = arith.constant 0 : i32
    %c0_i32_1 = arith.constant 0 : i32
    return %c0_i32, %c0_i32_0 : i32, i32
  }
  func.func @transform_4(%arg0: i32) -> (i32, i32) {
    %c0_i32 = arith.constant 0 : i32
    %c0_i32_0 = arith.constant 0 : i32
    %c0_i32_1 = arith.constant 0 : i32
    return %c0_i32, %c0_i32_0 : i32, i32
  }
  func.func @transform_5(%arg0: i32) -> (i32, i32) {
    %c0_i32 = arith.constant 0 : i32
    %c0_i32_0 = arith.constant 0 : i32
    return %arg0, %c0_i32 : i32, i32
  }
}

module attributes {stable_mosaic.version = 14 : i64} {
  func.func @_stats_body(%arg0: i32, %arg1: memref<2000x128xf32, #tpu.memory_space<vmem>>, %arg2: memref<2x128xf32, #tpu.memory_space<vmem>>) attributes {dimension_semantics = [#tpu.dimension_semantics<arbitrary>], iteration_bounds = array<i64: 25>, scalar_prefetch = 0 : i64, scratch_operands = 0 : i64, tpu.core_type = #tpu.core_type<tc>, window_params = [{transform_indices = @transform_0, window_bounds = array<i64: 2000, 128>}, {pipeline_mode = #tpu.pipeline_mode<synchronous>, transform_indices = @transform_1, window_bounds = array<i64: 2, 128>}]} {
    %eq3A = arith.constant 0 : i32
    %eq3A_0 = arith.cmpi eq, %arg0, %eq3A : i32
    %convert_element_type3A = arith.extui %eq3A_0 : i1 to i32
    %cond3A = arith.constant 0 : i32
    %cond3A_1 = arith.cmpi ne, %convert_element_type3A, %cond3A : i32
    scf.if %cond3A_1 {
      %broadcast_in_dim3A = arith.constant 0.000000e+00 : f32
      %broadcast_in_dim3A_25 = vector.broadcast %broadcast_in_dim3A : f32 to vector<2x128xf32>
      %swap3A_26 = arith.constant 0 : index
      %swap3A_27 = arith.constant 0 : index
      %swap3A_28 = vector.load %arg2[%swap3A_26, %swap3A_27] : memref<2x128xf32, #tpu.memory_space<vmem>>, vector<2x128xf32>
      tpu.vector_store %arg2[%swap3A_26, %swap3A_27], %broadcast_in_dim3A_25 {strides = array<i32>} : memref<2x128xf32, #tpu.memory_space<vmem>>, vector<2x128xf32>,
    } else {
    }
    %get3A = arith.constant 0 : index
    %get3A_2 = arith.constant 0 : index
    %get3A_3 = vector.load %arg1[%get3A, %get3A_2] : memref<2000x128xf32, #tpu.memory_space<vmem>>, vector<2000x128xf32>
    %get3A_4 = arith.constant 0 : index
    %get3A_5 = arith.constant 0 : index
    %get3A_6 = vector.load %arg2[%get3A_4, %get3A_5] : memref<2x128xf32, #tpu.memory_space<vmem>>, vector<1x128xf32>
    %get3A_7 = vector.shape_cast %get3A_6 : vector<1x128xf32> to vector<128xf32>
    %reduce_sum3A = arith.constant dense<0.000000e+00> : vector<128xf32>
    %reduce_sum3A_8 = vector.multi_reduction <add>, %get3A_3, %reduce_sum3A [0] : vector<2000x128xf32> to vector<128xf32>
    %add3A = arith.addf %get3A_7, %reduce_sum3A_8 : vector<128xf32>
    %swap3A = arith.constant 0 : index
    %swap3A_9 = arith.constant 0 : index
    %swap3A_10 = vector.load %arg2[%swap3A, %swap3A_9] : memref<2x128xf32, #tpu.memory_space<vmem>>, vector<1x128xf32>
    %swap3A_11 = vector.shape_cast %swap3A_10 : vector<1x128xf32> to vector<128xf32>
    %swap3A_12 = vector.shape_cast %add3A : vector<128xf32> to vector<1x128xf32>
    tpu.vector_store %arg2[%swap3A, %swap3A_9], %swap3A_12 {strides = array<i32>} : memref<2x128xf32, #tpu.memory_space<vmem>>, vector<1x128xf32>,
    %get3A_13 = arith.constant 1 : index
    %get3A_14 = arith.constant 0 : index
    %get3A_15 = vector.load %arg2[%get3A_13, %get3A_14] : memref<2x128xf32, #tpu.memory_space<vmem>>, vector<1x128xf32>
    %get3A_16 = vector.shape_cast %get3A_15 : vector<1x128xf32> to vector<128xf32>
    %mul3A = arith.mulf %get3A_3, %get3A_3 : vector<2000x128xf32>
    %reduce_sum3A_17 = arith.constant dense<0.000000e+00> : vector<128xf32>
    %reduce_sum3A_18 = vector.multi_reduction <add>, %mul3A, %reduce_sum3A_17 [0] : vector<2000x128xf32> to vector<128xf32>
    %add3A_19 = arith.addf %get3A_16, %reduce_sum3A_18 : vector<128xf32>
    %swap3A_20 = arith.constant 1 : index
    %swap3A_21 = arith.constant 0 : index
    %swap3A_22 = vector.load %arg2[%swap3A_20, %swap3A_21] : memref<2x128xf32, #tpu.memory_space<vmem>>, vector<1x128xf32>
    %swap3A_23 = vector.shape_cast %swap3A_22 : vector<1x128xf32> to vector<128xf32>
    %swap3A_24 = vector.shape_cast %add3A_19 : vector<128xf32> to vector<1x128xf32>
    tpu.vector_store %arg2[%swap3A_20, %swap3A_21], %swap3A_24 {strides = array<i32>} : memref<2x128xf32, #tpu.memory_space<vmem>>, vector<1x128xf32>,
    return
  }
  func.func @transform_0(%arg0: i32) -> (i32, i32) {
    %c0_i32 = arith.constant 0 : i32
    %c0_i32_0 = arith.constant 0 : i32
    return %arg0, %c0_i32 : i32, i32
  }
  func.func @transform_1(%arg0: i32) -> (i32, i32) {
    %c0_i32 = arith.constant 0 : i32
    %c0_i32_0 = arith.constant 0 : i32
    %c0_i32_1 = arith.constant 0 : i32
    return %c0_i32, %c0_i32_0 : i32, i32
  }
}

module attributes {stable_mosaic.version = 14 : i64} {
  func.func @_bnmm_body(%arg0: i32, %arg1: memref<2000x128xf32, #tpu.memory_space<vmem>>, %arg2: memref<2x128xf32, #tpu.memory_space<vmem>>, %arg3: memref<1x128xf32, #tpu.memory_space<vmem>>, %arg4: memref<1x128xf32, #tpu.memory_space<vmem>>, %arg5: memref<128x128xf32, #tpu.memory_space<vmem>>, %arg6: memref<2000x128xf32, #tpu.memory_space<vmem>>) attributes {dimension_semantics = [#tpu.dimension_semantics<arbitrary>], iteration_bounds = array<i64: 25>, scalar_prefetch = 0 : i64, scratch_operands = 0 : i64, tpu.core_type = #tpu.core_type<tc>, window_params = [{transform_indices = @transform_0, window_bounds = array<i64: 2000, 128>}, {pipeline_mode = #tpu.pipeline_mode<synchronous>, transform_indices = @transform_1, window_bounds = array<i64: 2, 128>}, {pipeline_mode = #tpu.pipeline_mode<synchronous>, transform_indices = @transform_2, window_bounds = array<i64: 1, 128>}, {pipeline_mode = #tpu.pipeline_mode<synchronous>, transform_indices = @transform_3, window_bounds = array<i64: 1, 128>}, {pipeline_mode = #tpu.pipeline_mode<synchronous>, transform_indices = @transform_4, window_bounds = array<i64: 128, 128>}, {transform_indices = @transform_5, window_bounds = array<i64: 2000, 128>}]} {
    %get3A = arith.constant 0 : index
    %get3A_0 = arith.constant 0 : index
    %get3A_1 = vector.load %arg2[%get3A, %get3A_0] : memref<2x128xf32, #tpu.memory_space<vmem>>, vector<1x128xf32>
    %get3A_2 = vector.shape_cast %get3A_1 : vector<1x128xf32> to vector<128xf32>
    %div3A = arith.constant 5.000000e+04 : f32
    %div3A_3 = vector.broadcast %div3A : f32 to vector<128xf32>
    %div3A_4 = arith.divf %get3A_2, %div3A_3 : vector<128xf32>
    %get3A_5 = arith.constant 1 : index
    %get3A_6 = arith.constant 0 : index
    %get3A_7 = vector.load %arg2[%get3A_5, %get3A_6] : memref<2x128xf32, #tpu.memory_space<vmem>>, vector<1x128xf32>
    %get3A_8 = vector.shape_cast %get3A_7 : vector<1x128xf32> to vector<128xf32>
    %div3A_9 = arith.constant 5.000000e+04 : f32
    %div3A_10 = vector.broadcast %div3A_9 : f32 to vector<128xf32>
    %div3A_11 = arith.divf %get3A_8, %div3A_10 : vector<128xf32>
    %mul3A = arith.mulf %div3A_4, %div3A_4 : vector<128xf32>
    %sub3A = arith.subf %div3A_11, %mul3A : vector<128xf32>
    %add3A = arith.constant 9.99999974E-6 : f32
    %add3A_12 = vector.broadcast %add3A : f32 to vector<128xf32>
    %add3A_13 = arith.addf %sub3A, %add3A_12 : vector<128xf32>
    %rsqrt3A = math.rsqrt %add3A_13 : vector<128xf32>
    %get3A_14 = arith.constant 0 : index
    %get3A_15 = arith.constant 0 : index
    %get3A_16 = vector.load %arg1[%get3A_14, %get3A_15] : memref<2000x128xf32, #tpu.memory_space<vmem>>, vector<2000x128xf32>
    %broadcast_in_dim3A = vector.shape_cast %div3A_4 : vector<128xf32> to vector<1x128xf32>
    %sub3A_17 = vector.broadcast %broadcast_in_dim3A : vector<1x128xf32> to vector<2000x128xf32>
    %sub3A_18 = arith.subf %get3A_16, %sub3A_17 : vector<2000x128xf32>
    %get3A_19 = arith.constant 0 : index
    %get3A_20 = arith.constant 0 : index
    %get3A_21 = vector.load %arg3[%get3A_19, %get3A_20] : memref<1x128xf32, #tpu.memory_space<vmem>>, vector<1x128xf32>
    %get3A_22 = vector.shape_cast %get3A_21 : vector<1x128xf32> to vector<128xf32>
    %mul3A_23 = arith.mulf %rsqrt3A, %get3A_22 : vector<128xf32>
    %broadcast_in_dim3A_24 = vector.shape_cast %mul3A_23 : vector<128xf32> to vector<1x128xf32>
    %mul3A_25 = vector.broadcast %broadcast_in_dim3A_24 : vector<1x128xf32> to vector<2000x128xf32>
    %mul3A_26 = arith.mulf %sub3A_18, %mul3A_25 : vector<2000x128xf32>
    %get3A_27 = arith.constant 0 : index
    %get3A_28 = arith.constant 0 : index
    %get3A_29 = vector.load %arg4[%get3A_27, %get3A_28] : memref<1x128xf32, #tpu.memory_space<vmem>>, vector<1x128xf32>
    %get3A_30 = vector.shape_cast %get3A_29 : vector<1x128xf32> to vector<128xf32>
    %broadcast_in_dim3A_31 = vector.shape_cast %get3A_30 : vector<128xf32> to vector<1x128xf32>
    %add3A_32 = vector.broadcast %broadcast_in_dim3A_31 : vector<1x128xf32> to vector<2000x128xf32>
    %add3A_33 = arith.addf %mul3A_26, %add3A_32 : vector<2000x128xf32>
    %max3A = arith.constant 0.000000e+00 : f32
    %max3A_34 = vector.broadcast %max3A : f32 to vector<2000x128xf32>
    %max3A_35 = arith.maximumf %add3A_33, %max3A_34 : vector<2000x128xf32>
    %get3A_36 = arith.constant 0 : index
    %get3A_37 = arith.constant 0 : index
    %get3A_38 = vector.load %arg5[%get3A_36, %get3A_37] : memref<128x128xf32, #tpu.memory_space<vmem>>, vector<128x128xf32>
    %dot_general3A = arith.constant dense<0.000000e+00> : vector<2000x128xf32>
    %dot_general3A_39 = tpu.matmul %max3A_35, %get3A_38, %dot_general3A {dimension_numbers = #tpu.dot_dimension_numbers<[1], [0], [0], [1], [0, 0, 1, 1], [], []>, transpose_lhs_hint = false} : vector<2000x128xf32>, vector<128x128xf32>, vector<2000x128xf32> -> vector<2000x128xf32>
    %swap3A = arith.constant 0 : index
    %swap3A_40 = arith.constant 0 : index
    %swap3A_41 = vector.load %arg6[%swap3A, %swap3A_40] : memref<2000x128xf32, #tpu.memory_space<vmem>>, vector<2000x128xf32>
    tpu.vector_store %arg6[%swap3A, %swap3A_40], %dot_general3A_39 {strides = array<i32>} : memref<2000x128xf32, #tpu.memory_space<vmem>>, vector<2000x128xf32>,
    return
  }
  func.func @transform_0(%arg0: i32) -> (i32, i32) {
    %c0_i32 = arith.constant 0 : i32
    %c0_i32_0 = arith.constant 0 : i32
    return %arg0, %c0_i32 : i32, i32
  }
  func.func @transform_1(%arg0: i32) -> (i32, i32) {
    %c0_i32 = arith.constant 0 : i32
    %c0_i32_0 = arith.constant 0 : i32
    %c0_i32_1 = arith.constant 0 : i32
    return %c0_i32, %c0_i32_0 : i32, i32
  }
  func.func @transform_2(%arg0: i32) -> (i32, i32) {
    %c0_i32 = arith.constant 0 : i32
    %c0_i32_0 = arith.constant 0 : i32
    %c0_i32_1 = arith.constant 0 : i32
    return %c0_i32, %c0_i32_0 : i32, i32
  }
  func.func @transform_3(%arg0: i32) -> (i32, i32) {
    %c0_i32 = arith.constant 0 : i32
    %c0_i32_0 = arith.constant 0 : i32
    %c0_i32_1 = arith.constant 0 : i32
    return %c0_i32, %c0_i32_0 : i32, i32
  }
  func.func @transform_4(%arg0: i32) -> (i32, i32) {
    %c0_i32 = arith.constant 0 : i32
    %c0_i32_0 = arith.constant 0 : i32
    %c0_i32_1 = arith.constant 0 : i32
    return %c0_i32, %c0_i32_0 : i32, i32
  }
  func.func @transform_5(%arg0: i32) -> (i32, i32) {
    %c0_i32 = arith.constant 0 : i32
    %c0_i32_0 = arith.constant 0 : i32
    return %arg0, %c0_i32 : i32, i32
  }
}

module attributes {stable_mosaic.version = 14 : i64} {
  func.func @_pool_body(%arg0: i32, %arg1: memref<2000x128xf32, #tpu.memory_space<vmem>>, %arg2: memref<2000x1xi32, #tpu.memory_space<vmem>>, %arg3: memref<1024x129xf32, #tpu.memory_space<vmem>>) attributes {dimension_semantics = [#tpu.dimension_semantics<arbitrary>], iteration_bounds = array<i64: 25>, scalar_prefetch = 0 : i64, scratch_operands = 0 : i64, tpu.core_type = #tpu.core_type<tc>, window_params = [{transform_indices = @transform_0, window_bounds = array<i64: 2000, 128>}, {transform_indices = @transform_1, window_bounds = array<i64: 2000, 1>}, {pipeline_mode = #tpu.pipeline_mode<synchronous>, transform_indices = @transform_2, window_bounds = array<i64: 1024, 129>}]} {
    %eq3A = arith.constant 0 : i32
    %eq3A_0 = arith.cmpi eq, %arg0, %eq3A : i32
    %convert_element_type3A = arith.extui %eq3A_0 : i1 to i32
    %cond3A = arith.constant 0 : i32
    %cond3A_1 = arith.cmpi ne, %convert_element_type3A, %cond3A : i32
    scf.if %cond3A_1 {
      %broadcast_in_dim3A_18 = arith.constant 0.000000e+00 : f32
      %broadcast_in_dim3A_19 = vector.broadcast %broadcast_in_dim3A_18 : f32 to vector<1024x129xf32>
      %swap3A_20 = arith.constant 0 : index
      %swap3A_21 = arith.constant 0 : index
      %swap3A_22 = vector.load %arg3[%swap3A_20, %swap3A_21] : memref<1024x129xf32, #tpu.memory_space<vmem>>, vector<1024x129xf32>
      tpu.vector_store %arg3[%swap3A_20, %swap3A_21], %broadcast_in_dim3A_19 {strides = array<i32>} : memref<1024x129xf32, #tpu.memory_space<vmem>>, vector<1024x129xf32>,
    } else {
    }
    %get3A = arith.constant 0 : index
    %get3A_2 = arith.constant 0 : index
    %get3A_3 = vector.load %arg1[%get3A, %get3A_2] : memref<2000x128xf32, #tpu.memory_space<vmem>>, vector<2000x128xf32>
    %broadcast_in_dim3A = arith.constant 1.000000e+00 : f32
    %broadcast_in_dim3A_4 = vector.broadcast %broadcast_in_dim3A : f32 to vector<2000x1xf32>
    %concatenate3A = tpu.concatenate %get3A_3, %broadcast_in_dim3A_4 in 1 : vector<2000x128xf32>, vector<2000x1xf32> -> vector<2000x129xf32>
    %iota3A = tpu.iota {dimensions = array<i32: 1>} : vector<2000x1024xi32>
    %get3A_5 = arith.constant 0 : index
    %get3A_6 = arith.constant 0 : index
    %get3A_7 = vector.load %arg2[%get3A_5, %get3A_6] : memref<2000x1xi32, #tpu.memory_space<vmem>>, vector<2000x1xi32>
    %eq3A_8 = vector.broadcast %get3A_7 : vector<2000x1xi32> to vector<2000x1024xi32>
    %eq3A_9 = arith.cmpi eq, %eq3A_8, %iota3A : vector<2000x1024xi32>
    %convert_element_type3A_10 = arith.extui %eq3A_9 : vector<2000x1024xi1> to vector<2000x1024xi32>
    %convert_element_type3A_11 = arith.sitofp %convert_element_type3A_10 : vector<2000x1024xi32> to vector<2000x1024xf32>
    %get3A_12 = arith.constant 0 : index
    %get3A_13 = arith.constant 0 : index
    %get3A_14 = vector.load %arg3[%get3A_12, %get3A_13] : memref<1024x129xf32, #tpu.memory_space<vmem>>, vector<1024x129xf32>
    %dot_general3A = arith.constant dense<0.000000e+00> : vector<1024x129xf32>
    %dot_general3A_15 = tpu.matmul %convert_element_type3A_11, %concatenate3A, %dot_general3A {dimension_numbers = #tpu.dot_dimension_numbers<[0], [0], [1], [1], [0, 1, 1, 1], [], []>, transpose_lhs_hint = false} : vector<2000x1024xf32>, vector<2000x129xf32>, vector<1024x129xf32> -> vector<1024x129xf32>
    %add3A = arith.addf %get3A_14, %dot_general3A_15 : vector<1024x129xf32>
    %swap3A = arith.constant 0 : index
    %swap3A_16 = arith.constant 0 : index
    %swap3A_17 = vector.load %arg3[%swap3A, %swap3A_16] : memref<1024x129xf32, #tpu.memory_space<vmem>>, vector<1024x129xf32>
    tpu.vector_store %arg3[%swap3A, %swap3A_16], %add3A {strides = array<i32>} : memref<1024x129xf32, #tpu.memory_space<vmem>>, vector<1024x129xf32>,
    return
  }
  func.func @transform_0(%arg0: i32) -> (i32, i32) {
    %c0_i32 = arith.constant 0 : i32
    %c0_i32_0 = arith.constant 0 : i32
    return %arg0, %c0_i32 : i32, i32
  }
  func.func @transform_1(%arg0: i32) -> (i32, i32) {
    %c0_i32 = arith.constant 0 : i32
    %c0_i32_0 = arith.constant 0 : i32
    return %arg0, %c0_i32 : i32, i32
  }
  func.func @transform_2(%arg0: i32) -> (i32, i32) {
    %c0_i32 = arith.constant 0 : i32
    %c0_i32_0 = arith.constant 0 : i32
    %c0_i32_1 = arith.constant 0 : i32
    return %c0_i32, %c0_i32_0 : i32, i32
  }
}

</mosaic_0001>

<sc_bundles>
// kernel: scatter_offload_async_start.1
scs
__scs_entry_jumppad:
0x0: {  	(pc) =	sbr.rel $0x88, $3  }
0x1: {  	(tag) =	ssettag $0x0;
	lr =	simm.s32 $0x1  }
0x2: {  	[smem:$0x3F95] =	sst lr;
	_ =	strace $0xD0000000  }
0x3: {  	_ = 	snop  }
0x4: {  	_ = 	snop  }
0x5: {  	_ = 	snop  }
0x6: {  	_ = 	snop  }
0x7: {  	_ = 	snop  }
__scs_overlays_trampoline_lowered:
0x8: {  	[smem:$0x3FA4] =	sst s0  }
0x9: {  	[smem:$0x3FA5] =	sst s1  }
0xa: {  	[smem:$0x3FA6] =	sst s2  }
0xb: {  	[smem:$0x3FA7] =	sst s3  }
0xc: {  	[smem:$0x3FA8] =	sst s4  }
0xd: {  	[smem:$0x3FA9] =	sst s5  }
0xe: {  	[smem:$0x3FAA] =	sst s6  }
0xf: {  	[smem:$0x3FAB] =	sst s7  }
0x10: {  	[smem:$0x3FAC] =	sst s8  }
0x11: {  	[smem:$0x3FAD] =	sst s9;
	s0 =	simm.s32 @!p0 $0x0  }
0x12: {  	s1 =	sld [smem:$0x3F93];
	s0 =	simm.s32 @p0 $0x1  }
0x13: {  	[smem:$0x3FAE] =	sst s0;
	s0 =	simm.s32 @!p1 $0x0  }
0x14: {  	s2 =	sld [smem:$0x3F92];
	s0 =	simm.s32 @p1 $0x1  }
0x15: {  	[smem:$0x3FAF] =	sst s0;
	s0 =	simm.s32 @!p2 $0x0  }
0x16: {  	s3 =	sld [smem:$0x3FDB];
	s0 =	simm.s32 @p2 $0x1  }
0x17: {  	s4 =	simm.s32 $0x1BF5;
	[smem:$0x3FB1] =	sst s0  }
0x18: {  	s0 =	sld [smem:$0x3F94];
	_ =	swait.ge [sflag:s4], $0x0  }
0x19: {  	s7 =	sld [smem:$0x3F95]  }
0x1a: {  	s8 =	sadd.s32 $0xFFFFE003, lr  }
0x1b: {  	s9 =	sadd.s32 $0xFFFFFEF7, lr;
	s5 =	simm.s32 $0xFFFFFFFF;
	p2 =	slt.u32 s8, $0xFFFFF086  }
0x1c: {  	p1 =	slt.u32 s9, $0xF7A;
	s5 =	simm.s32 @!p2 $0x0  }
0x1d: {  	s5 =	simm.s32 @p1 $0x1;
	p0 =	seq.s32 s7, s2  }
0x1e: {  	s7 =	smul.u32 @!p0 $0xF7A, s2;
	p2 =	seq.s32 @!p0 s5, $0x0  }
0x1f: {  	s9 =	smul.u32 $0xF7A, s1;
	s8 =	simm.s32 @!p0 $0x1BF5;
	p2 =	por !p2, p0  }
0x20: {  	[sflag:s8] =	ssyncset.s32 @!p0 $0xFFFFF086;
	s6 =	sadd.s32 @!p0 s3, s7;
	s7 =	simm.s32 @!p0 $0x108  }
0x21: {  	s3 =	sadd.s32 s3, s9;
	s6 =	sadd.s32 @!p0 $0x88, s6;
	s7 =	simm.s32 @p2 $0x1082  }
0x22: {  	[simem:s7], [sflag:s8] =	dma.local @!p0 [hbm:s6], $0xF7A  }
0x23: {  	s9 =	sor.u32 $0xD0000000, s2;
	s6 =	simm.s32 $0x108;
	_ =	swait.ge @!p0 [sflag:s8], $0x0  }
0x24: {  	s3 =	sadd.s32 $0x88, s3;
	s6 =	simm.s32 @!p1 $0x1082;
	[sflag:s4] =	ssyncset.s32 $0xFFFFF086  }
0x25: {  	[simem:s6], [sflag:s4] =	dma.local [hbm:s3], $0xF7A  }
0x26: {  	[smem:$0x3F95] =	sst s1;
	(tag) =	ssettag s2;
	_ =	strace s9  }
0x27: {  	s1 =	sld [smem:$0x3FA5]  }
0x28: {  	s2 =	sld [smem:$0x3FA6]  }
0x29: {  	s4 =	sld [smem:$0x3FA8]  }
0x2a: {  	p0 =	seq.s32 s5, $0x0;
	s5 =	sld [smem:$0x3FA9]  }
0x2b: {  	s6 =	sld [smem:$0x3FAA]  }
0x2c: {  	s7 =	sld [smem:$0x3FAB]  }
0x2d: {  	s3 =	simm.s32 $0x108;
	s8 =	sld [smem:$0x3FAC]  }
0x2e: {  	s3 =	simm.s32 @!p0 $0x1082;
	s9 =	sld [smem:$0x3FAD]  }
0x2f: {  	lr =	sadd.s32 s0, s3;
	s0 =	sld [smem:$0x3FA4]  }
0x30: {  	s3 =	sld [smem:$0x3FA7]  }
0x31: {  	[smem:$0x3FB0] =	sst s10  }
0x32: {  	s10 =	sld [smem:$0x3FAE];
	_ =	sdelay $0x3  }
0x33: {  	p0 =	seq.s32 s10, $0x1;
	s10 =	sld [smem:$0x3FB0];
	_ =	sdelay $0x3  }
0x34: {  	[smem:$0x3FB0] =	sst s10  }
0x35: {  	s10 =	sld [smem:$0x3FAF];
	_ =	sdelay $0x3  }
0x36: {  	p1 =	seq.s32 s10, $0x1;
	s10 =	sld [smem:$0x3FB0];
	_ =	sdelay $0x3  }
0x37: {  	[smem:$0x3FB0] =	sst s10  }
0x38: {  	s10 =	sld [smem:$0x3FB1]  }
0x39: {  	_ = 	snop;
	(pc) =	sbr.ind lr, $3  }
0x3a: {  	_ = 	snop  }
0x3b: {  	_ = 	snop  }
0x3c: {  	p2 =	seq.s32 s10, $0x1;
	s10 =	sld [smem:$0x3FB0]  }
0x3d: {  	_ =	shalt  }
0x3e: {  	_ =	shalt  }
0x3f: {  	_ =	shalt  }
0x40: {  	_ =	shalt  }
0x41: {  	_ =	shalt  }
0x42: {  	_ =	shalt  }
0x43: {  	_ =	shalt  }
0x44: {  	_ =	shalt  }
0x45: {  	_ =	shalt  }
0x46: {  	_ =	shalt  }
0x47: {  	_ =	shalt  }
0x48: {  	_ =	shalt  }
0x49: {  	_ =	shalt  }
0x4a: {  	_ =	shalt  }
0x4b: {  	_ =	shalt  }
0x4c: {  	_ =	shalt  }
0x4d: {  	_ =	shalt  }
0x4e: {  	_ =	shalt  }
0x4f: {  	_ =	shalt  }
0x50: {  	_ =	shalt  }
0x51: {  	_ =	shalt  }
0x52: {  	_ =	shalt  }
0x53: {  	_ =	shalt  }
0x54: {  	_ =	shalt  }
0x55: {  	_ =	shalt  }
0x56: {  	_ =	shalt  }
0x57: {  	_ =	shalt  }
0x58: {  	_ =	shalt  }
0x59: {  	_ =	shalt  }
0x5a: {  	_ =	shalt  }
0x5b: {  	_ =	shalt  }
0x5c: {  	_ =	shalt  }
0x5d: {  	_ =	shalt  }
0x5e: {  	_ =	shalt  }
0x5f: {  	_ =	shalt  }
0x60: {  	_ =	shalt  }
0x61: {  	_ =	shalt  }
0x62: {  	_ =	shalt  }
0x63: {  	_ =	shalt  }
0x64: {  	_ =	shalt  }
0x65: {  	_ =	shalt  }
0x66: {  	_ =	shalt  }
0x67: {  	_ =	shalt  }
0x68: {  	_ =	shalt  }
0x69: {  	_ =	shalt  }
0x6a: {  	_ =	shalt  }
0x6b: {  	_ =	shalt  }
0x6c: {  	_ =	shalt  }
0x6d: {  	_ =	shalt  }
0x6e: {  	_ =	shalt  }
0x6f: {  	_ =	shalt  }
0x70: {  	_ =	shalt  }
0x71: {  	_ =	shalt  }
0x72: {  	_ =	shalt  }
0x73: {  	_ =	shalt  }
0x74: {  	_ =	shalt  }
0x75: {  	_ =	shalt  }
0x76: {  	_ =	shalt  }
0x77: {  	_ =	shalt  }
0x78: {  	_ =	shalt  }
0x79: {  	_ =	shalt  }
0x7a: {  	_ =	shalt  }
0x7b: {  	_ =	shalt  }
0x7c: {  	_ =	shalt  }
0x7d: {  	_ =	shalt  }
0x7e: {  	_ =	shalt  }
0x7f: {  	_ =	shalt  }
0x80: {  	_ =	shalt  }
0x81: {  	_ =	shalt  }
0x82: {  	_ =	shalt  }
0x83: {  	_ =	shalt  }
0x84: {  	_ =	shalt  }
0x85: {  	_ =	shalt  }
0x86: {  	_ =	shalt  }
0x87: {  	_ =	shalt  }
.Lfunc_end0:
.L_simem_size_0:
called_computation.1_lowered:
.L_overlay_start_0:
0x88: {  	s0 =	sld [smem:$0x3FD9]  }
0x89: {  	s1 =	sld [smem:$0x3FFE];
	_ =	sdelay $0x3  }
0x8a: {  	s0 =	sadd.s32 s1, s0  }
0x8b: {  	[smem:$0x3FBC] =	sst s0  }
0x8c: {  	_ = 	snop  }
0x8d: {  	(tm) =	ssettm $0x1  }
0x8e: {  	s15 =	sld [smem:$0x3FFB];
	_ =	sdelay $0x3  }
0x8f: {  	_ =	strace s15  }
0x90: {  	s0 =	sld [smem:$0x3FFC];
	_ =	sdelay $0x3  }
0x91: {  	_ =	strace s0  }
0x92: {  	s0 =	sld [smem:$0x3FFD];
	_ =	sdelay $0x3  }
0x93: {  	_ =	strace s0  }
0x94: {  	_ =	strace $0x8FFFFFFF  }
0x95: {  	s16 =	sld [smem:$0x3FDB];
	_ =	sdelay $0x1  }
0x96: {  	s17 =	simm.s32 $_scs_section_size  }
0x97: {  	s2 =	simm.s32 $_size__tile_overlayer_lowered;
	s3 =	simm.s32 $_tile_overlayer_lowered  }
0x98: {  	s20 =	simm.s32 $0x1BFF;
	s19 =	sshll.u32 s3, $0x1;
	s0 =	sadd.s32 s17, s16  }
0x99: {  	s4 =	simm.s32 $0x0;
	s18 =	sshll.u32 s2, $0x1;
	s2 =	sadd.s32 s19, s0  }
0x9a: {  	[timem:s4], [sflag:s20] =	dma.local [hbm:s2], s18  }
0x9b: {  	_ =	swait.ge [sflag:s20], s18  }
0x9c: {  	s1 =	ssub.s32 $0x0, s18;
	[sflag:s20] =	ssyncset.done $0x0  }
0x9d: {  	[sflag:s20] =	ssyncadd.s32 s1;
	_ =	sdelay $0x1  }
0x9e: {  	s21 =	simm.s32 $0x1B8B  }
0x9f: {  	_ =	swait.ge [sflag:s21], $0x1  }
0xa0: {  	[sflag:s21] =	ssyncset.done $0x0  }
0xa1: {  	s23 =	simm.s32 $0x1B8E;
	s22 =	sld [smem:$0x3FFE];
	[sflag:s21] =	ssyncadd.s32 $0xFFFFFFFF  }
0xa2: {  	s24 =	simm.s32 $execute0_lowered;
	[smem:$0x3FD2] =	sst s23  }
0xa3: {  	s2 =	sshll.u32 s24, $0x1;
	_ =	strace $0x80000049;
	[dreg:$0x1] =	wrdreg $0xFFFFFFFF  }
0xa4: {  	s25 =	simm.s32 $_size_execute0_lowered;
	s0 =	sadd.s32 s0, s2;
	[dreg:$0x0] =	wrdreg $0x0  }
0xa5: {  	s2 =	sshll.u32 s25, $0x1;
	[dreg:$0x2] =	wrdreg s0  }
0xa6: {  	[dreg:$0x3] =	wrdreg s2  }
0xa7: {  	[dreg:$0x4] =	wrdreg $0xC0  }
0xa8: {  	_ =	task [dreg:s4], $0x5FFFF  }
0xa9: {  	[dreg:$0x1] =	wrdreg $0xFFFFFFFF  }
0xaa: {  	[dreg:$0x0] =	wrdreg $0x60  }
0xab: {  	[dreg:$0x2] =	wrdreg s22  }
0xac: {  	[dreg:$0x3] =	wrdreg $0x9  }
0xad: {  	_ =	task.clear_ibuf [dreg:s4], $0x4FFFF;
	_ =	strace $0x90000049  }
0xae: {  	s26 =	simm.s32 $0x9;
	_ =	strace $0x8000004B  }
0xaf: {  	_ =	swait.ge [sflag:s26], $0x1  }
0xb0: {  	[sflag:s26] =	ssyncadd.s32 $0xFFFFFFFF  }
0xb1: {  	_ =	strace $0x9000004B  }
0xb2: {  	_ =	sfence  }
0xb3: {  	s28 =	sld [smem:$0x0];
	_ =	sdelay $0x1  }
0xb4: {  	s29 =	srdreg.scid  }
0xb5: {  	s30 =	sshll.u32 s29, $0xD;
	s31 =	sshrl.u32 s29, $0x2  }
0xb6: {  	s1 =	sand.u32 $0x1, s29;
	s2 =	sand.u32 $0x4000, s30;
	s0 =	sadd.s32 s31, s28  }
0xb7: {  	s1 =	sor.u32 s2, s1;
	s0 =	sshll.u32 s0, $0x11  }
0xb8: {  	s0 =	sor.u32 s0, s1  }
0xb9: {  	s0 =	sadd.s32 $0x8F2B, s0  }
0xba: {  	[sflag:s0] =	ssyncadd.remote.s32 $0x1  }
0xbb: {  	_ =	sfence.sel $0xFFFF  }
0xbc: {  	[dreg:$0x0] =	wrdreg $0xFFFFFFFF;
	(pc) =	sbr.abs _section_cstart, $3  }
0xbd: {  	[dreg:$0x1] =	wrdreg $0xFFFFFFFF  }
0xbe: {  	_ =	task.clear_ibuf [dreg:s4], $0x2FFFF;
	_ =	strace $0x9FFFFFFF  }
0xbf: {  	(tm) =	ssettm $0x7FFFFFFF  }
tec
execute0_lowered:
.L_overlay_start_1:
0x0: {  	(tag) =	ssettag $0x1  }
0x1: {  	s0 =	rddreg [dreg:$0x0];
	_ =	strace $0x8000004A;
	s1 =	simm.s32 $0x1  }
0x2: {  	s8 =	simm.s32 $0x88;
	v0 =	vimm.s32 $0x0;
	[sflag:s1] =	ssyncpa.u1 $0x0  }
0x3: {  	[tilespmem:s8+$0x30] =	vst v0  }
0x4: {  	s1 =	sadd.s32 $0xCA200, s0;
	s3 =	sadd.s32 $0x18D800, s0;
	[tilespmem:s8+$0x20] =	vst v0  }
0x5: {  	s4 =	sadd.s32 $0x2B5A00, s0;
	s5 =	sadd.s32 $0x1BFE00, s0;
	s0 =	simm.s32 $0x40;
	[tilespmem:s8+$0x10] =	vst v0  }
.LBB2_1:
0x6: {  	s0 =	sadd.s32 $0x40, s0  }
0x7: {  	[tilespmem:s8+$0x0] =	vst v0;
	s8 =	sadd.s32 $0x40, s8;
	p0 =	slt.u32 s0, $0x5040  }
.Ltmp0:
0x8: {  	(pc) =	sbr.rel @p0 .LBB2_1-.Ltmp0, $4  }
0x9: {  	_ = 	snop  }
0xa: {  	[tilespmem:s8+$0x30] =	vst v0  }
0xb: {  	[tilespmem:s8+$0x20] =	vst v0  }
0xc: {  	[tilespmem:s8+$0x10] =	vst v0  }
0xd: {  	s9 =	stileid.u32  }
0xe: {  	s0 =	smul.u32 $0x142, s9  }
0xf: {  	s2 =	smin.u32 s9, $0x5  }
0x10: {  	s0 =	sadd.s32 s2, s0  }
0x11: {  	p0 =	slt.u32 s9, $0x5;
	s6 =	smul.u32 $0x140, s0;
	s0 =	simm.s32 $0x193C0  }
0x12: {  	s0 =	simm.s32 @!p0 $0x19280  }
0x13: {  	s0 =	sadd.s32 s0, s6  }
0x14: {  	s7 =	smin.u32 s0, $0x192D50  }
0x15: {  	s0 =	ssub.s32 s7, s6  }
0x16: {  	p0 =	sgt.s32 s0, $0x0  }
0x17: {  	s0 =	simm.s32 @!p0 $0x0  }
0x18: {  	s29 =	simm.s32 $0x2;
	s10 =	simm.s32 $0x7;
	s28 =	smulhi.u32 $0x66666667, s0  }
0x19: {  	s31 =	simm.s32 $0x8;
	s11 =	simm.s32 $0x1;
	s15 =	simm.s32 $0x0  }
0x1a: {  	p1 =	por $0x0, $0x0;
	s16 =	simm.s32 $0xA;
	s2 =	sshrl.u32 s28, $0x7  }
0x1b: {  	s20 =	simm.s32 $0x0;
	s17 =	simm.s32 $0x0;
	s30 =	smul.u32 $0x140, s2  }
.Ltmp1:
0x1c: {  	[tilespmem:s8+$0x0] =	vst v0;
	v0 =	vimm.s32 $0xFFFFFFFF;
	s19 =	simm.s32 $0x0;
	[sflag:s29] =	ssyncpa.u1 $0x0;
	(pc) =	sbr.rel .LBB2_3-.Ltmp1, $4  }
0x1d: {  	[tilespmem:$0xA108] =	vst v0;
	[sflag:s10] =	ssyncpa.u1 $0x0;
	p0 =	sne.s32 s0, s30;
	s0 =	simm.s32 $0x1  }
0x1e: {  	s10 =	simm.s32 $0x9;
	[sflag:s31] =	ssyncpa.u1 $0x0;
	s0 =	simm.s32 @!p0 $0x0  }
0x1f: {  	s13 =	sshll.u32 s9, $0x7;
	[sflag:s10] =	ssyncpa.u1 $0x0;
	s12 =	sadd.s32 s0, s2  }
0x20: {  	v0 =	vlaneseq.u32;
	s18 =	smov.u32 s6;
	p0 =	por $0x1, $0x1;
	s14 =	sadd.s32 $0x1, s12  }
.LBB2_24:
0x21: {  	s0 =	sshrl.u32 s29, $0x2  }
.LBB2_26:
0x22: {  	_ =	swait.ge [sflag:s16], s0  }
0x23: {  	s31 =	ssub.s32 $0x0, s0;
	v1 =	vmov s22;
	vm0 =	veq.s32 v0, $0x0;
	[sflag:s16] =	ssyncset.done $0x0  }
0x24: {  	vm15 =	veq.s32 v0, $0x2;
	v1 =	vsel vm0, s28, v1;
	[sflag:s16] =	ssyncadd.s32 s31  }
0x25: {  	v1 =	vsel vm15, s20, v1;
	[sflag:s16] =	ssyncpa.u1 $0x1  }
0x26: {  	[tilespmem:$0xA108] =	vst v1  }
.LBB2_27:
0x27: {  	s0 =	sadd.s32 $0x140, s18  }
0x28: {  	s2 =	smov.u32 s6;
	p2 =	slt.s32 s0, s7  }
0x29: {  	s2 =	smov.u32 @p2 s0;
	p2 =	sne.s32 s19, s14  }
.Ltmp2:
0x2a: {  	_ = 	snop;
	(pc) =	sbr.rel @!p2 .LBB2_28-.Ltmp2, $4  }
0x2b: {  	_ = 	snop  }
0x2c: {  	s20 =	smov.u32 s17  }
0x2d: {  	s31 =	sadd.s32 $0x1, s19;
	s17 =	smov.u32 s18;
	p0 =	por !p0, !p0  }
0x2e: {  	p1 =	por !p1, !p1;
	s19 =	smov.u32 s31;
	s18 =	smov.u32 s2  }
.LBB2_3:
0x2f: {  	p2 =	sge.u32 s19, s12  }
0x30: {  	s0 =	smulhi.u32 @!p2 $0xAAAAAAAB, s19  }
0x31: {  	s2 =	smov.u32 s18;
	p3 =	sgt.s32 @!p2 s18, $0x192C10  }
0x32: {  	s8 =	sshra.s32 @!p2 s18, $0x1F;
	p3 =	por !p3, p2;
	s0 =	sshrl.u32 @!p2 s0, $0x1  }
0x33: {  	s8 =	sand.u32 @!p2 s8, s18;
	s2 =	simm.s32 @p3 $0x192C10;
	s0 =	smul.u32 @!p2 $0x3, s0  }
0x34: {  	s2 =	ssub.s32 @!p2 s2, s8  }
0x35: {  	s22 =	sadd.s32 $0xFFFFFFFF, s19;
	s2 =	sadd.s32 @!p2 $0xFFE6D3F0, s2;
	s0 =	ssub.s32 @!p2 s19, s0  }
0x36: {  	s8 =	sshll.u32 @!p2 s2, $0x2;
	p3 =	sgt.s32 @!p2 s2, $0x13F;
	s0 =	smul.u32 @!p2 $0x500, s0  }
0x37: {  	s21 =	sand.u32 @!p2 $0x7, s18;
	s2 =	ssub.s32 @!p2 $0x500, s8;
	p3 =	por !p3, p2  }
0x38: {  	s8 =	sshrl.u32 @!p2 s18, $0x3;
	s2 =	sshrl.u32 @!p2 s2, $0x2;
	s0 =	sshrl.u32 @!p2 s0, $0x2  }
0x39: {  	s8 =	sadd.s32 @!p2 s5, s8;
	s2 =	simm.s32 @!p3 $0x0;
	s0 =	sadd.s32 @!p2 $0xA938, s0  }
0x3a: {  	[tilespmem:s0], [sflag:$0x8] =	stream.linear.gather @!p2 [hbm4b:s8+s21], s2, $0x38;
	[tilespmem:$0x1EF78] =	vst v63  }
0x3b: {  	p2 =	sge.u32 s22, s12  }
0x3c: {  	p3 =	sgt.s32 @!p2 s17, $0x192C10  }
0x3d: {  	s0 =	smov.u32 s17;
	s2 =	sshra.s32 @!p2 s17, $0x1F;
	p3 =	por !p3, p2  }
0x3e: {  	s2 =	sand.u32 @!p2 s2, s17;
	s0 =	simm.s32 @p3 $0x192C10  }
0x3f: {  	s0 =	ssub.s32 @!p2 s0, s2  }
0x40: {  	s0 =	sadd.s32 @!p2 $0xFFE6D3F0, s0  }
0x41: {  	s2 =	sshll.u32 @!p2 s0, $0x2  }
0x42: {  	p3 =	sgt.s32 @!p2 s0, $0x13F;
	s0 =	ssub.s32 @!p2 $0x500, s2  }
0x43: {  	p3 =	por !p3, p2;
	s0 =	sshrl.u32 @!p2 s0, $0x2  }
0x44: {  	s8 =	simm.s32 @!p2 $0x8;
	s2 =	sand.u32 @!p2 $0x1, s22;
	s0 =	simm.s32 @!p3 $0x0  }
0x45: {  	s2 =	smul.u32 @!p2 $0x500, s2;
	_ =	swait.ge @!p2 [sflag:s8], s0  }
0x46: {  	s21 =	ssub.s32 @!p2 $0x0, s0;
	[sflag:s8] =	ssyncset.done @!p2 $0x0  }
0x47: {  	s2 =	sshrl.u32 @!p2 s2, $0x2;
	[sflag:s8] =	ssyncadd.s32 @!p2 s21;
	s8 =	sshrl.u32 @!p2 s17, $0x3  }
0x48: {  	s2 =	sadd.s32 @!p2 $0xACF8, s2;
	s21 =	sand.u32 @!p2 $0x7, s17;
	s8 =	sadd.s32 @!p2 s3, s8  }
0x49: {  	[tilespmem:s2], [sflag:$0x9] =	stream.linear.gather @!p2 [hbm4b:s8+s21], s0, $0x38;
	[tilespmem:$0x1EF78] =	vst v63  }
0x4a: {  	s21 =	ssub.s32 @!p2 $0x192D50, s17  }
0x4b: {  	p3 =	slt.s32 @!p2 s21, $0x1  }
0x4c: {  	p3 =	por p2, p3  }
.Ltmp3:
0x4d: {  	_ = 	snop;
	(pc) =	sbr.rel @p3 .LBB2_9-.Ltmp3, $1  }
0x4e: {  	_ =	sdelay $0x3  }
0x4f: {  	s0 =	smulhi.u32 $0xAAAAAAAB, s22;
	_ =	sdelay $0x1  }
0x50: {  	s0 =	sshrl.u32 s0, $0x1  }
0x51: {  	s0 =	smul.u32 $0x3, s0;
	_ =	sdelay $0x1  }
0x52: {  	s0 =	ssub.s32 s22, s0  }
0x53: {  	s2 =	simm.s32 $0x1;
	s0 =	smul.u32 $0x500, s0  }
.Ltmp4:
0x54: {  	s2 =	simm.s32 @!p0 $0x0;
	(pc) =	sbr.rel .LBB2_6-.Ltmp4, $4  }
0x55: {  	s2 =	smul.u32 $0x28000, s2  }
0x56: {  	p3 =	slt.s32 @!p2 s21, $0x140;
	s0 =	sshrl.u32 s0, $0x2  }
0x57: {  	p2 =	por !p3, p2;
	s2 =	sshrl.u32 s2, $0x2;
	s0 =	sadd.s32 $0xA938, s0  }
0x58: {  	s23 =	simm.s32 $0x0;
	s21 =	simm.s32 @p2 $0x140;
	s22 =	sadd.s32 $0xAF78, s2;
	v1 =	vmov s0  }
.LBB2_5:
0x59: {  	p2 =	sge.s32 s23, s21  }
.Ltmp5:
0x5a: {  	_ = 	snop;
	(pc) =	sbr.rel @p2 .LBB2_9-.Ltmp5, $2  }
0x5b: {  	_ =	sdelay $0x2  }
0x5c: {  	s22 =	sadd.s32 $0x800, s22  }
.LBB2_6:
0x5d: {  	p2 =	sle.s32 s21, s23  }
.Ltmp6:
0x5e: {  	_ = 	snop;
	(pc) =	sbr.rel @p2 .LBB2_5-.Ltmp6, $2  }
0x5f: {  	_ =	sdelay $0x2  }
0x60: {  	s24 =	smov.u32 s23;
	s23 =	sadd.s32 $0x10, s23  }
0x61: {  	s0 =	ssub.s32 s21, s24  }
0x62: {  	p2 =	slt.s32 s0, $0x10  }
0x63: {  	s0 =	simm.s32 @!p2 $0x10  }
0x64: {  	v2 =	vmov s0  }
0x65: {  	vm0 =	vgt.s32 v2, v0;
	_ =	sdelay $0x5  }
0x66: {  	v2 =	vld.idx.msk [tilespmem:v1+s24+$0x0 ss:$0x1], vm0;
	_ =	sdelay $0x2  }
0x67: {  	p2 =	slt.s32 s23, s21;
	s0 =	smov.u32 s21  }
0x68: {  	s2 =	smov.u32 s22;
	s25 =	simm.s32 $0x0;
	s0 =	smov.u32 @p2 s23  }
.LBB2_8:
0x69: {  	(v2sf) =	vpush v2, s25;
	_ =	sdelay $0xc  }
0x6a: {  	s25 =	sadd.s32 $0x1, s25  }
0x6b: {  	s31 =	sadd.s32 s25, s24  }
0x6c: {  	p2 =	slt.s32 s31, s0;
	s8 =	spop (v2sf)  }
.Ltmp7:
0x6d: {  	s8 =	sshll.u32 s8, $0x4;
	(pc) =	sbr.rel @p2 .LBB2_8-.Ltmp7, $4  }
0x6e: {  	s8 =	sand.u32 $0x1FFFFFF0, s8  }
0x6f: {  	s8 =	sadd.s32 s4, s8  }
0x70: {  	[tilespmem:s2], [sflag:$0x7] =	stream.linear.gather [hbm4b:s8+s15], $0x40, $0x38;
	[tilespmem:$0x1EF78] =	vst v63  }
0x71: {  	s2 =	sadd.s32 $0x80, s2  }
.Ltmp8:
0x72: {  	_ = 	snop;
	(pc) =	sbr.rel .LBB2_5-.Ltmp8, $1  }
0x73: {  	_ =	sdelay $0x3  }
.LBB2_9:
0x74: {  	p2 =	slt.u32 s19, $0x2  }
.Ltmp9:
0x75: {  	_ = 	snop;
	(pc) =	sbr.rel @p2 .LBB2_27-.Ltmp9, $1  }
0x76: {  	_ =	sdelay $0x3  }
0x77: {  	p2 =	sgt.s32 s20, $0x192C10;
	s0 =	smov.u32 s20;
	s2 =	sshra.s32 s20, $0x1F  }
0x78: {  	s8 =	ssub.s32 $0x192D50, s20;
	s0 =	simm.s32 @!p2 $0x192C10  }
0x79: {  	s2 =	sand.u32 s2, s20;
	p2 =	slt.s32 s8, $0x140;
	s21 =	smov.u32 s8  }
0x7a: {  	s0 =	ssub.s32 s0, s2;
	s21 =	simm.s32 @!p2 $0x140  }
0x7b: {  	s0 =	sadd.s32 $0xFFE6D3F0, s0;
	s26 =	sshll.u32 s21, $0x6  }
0x7c: {  	s9 =	simm.s32 $0x7;
	s29 =	sshll.u32 s0, $0x2;
	s2 =	sand.u32 $0x3FFFFFC0, s26  }
0x7d: {  	p2 =	sgt.s32 s0, $0x13F;
	s30 =	ssub.s32 $0x500, s29;
	_ =	swait.ge [sflag:s9], s2  }
0x7e: {  	s2 =	ssub.s32 $0x0, s2;
	[sflag:s9] =	ssyncset.done $0x0;
	s0 =	sshrl.u32 s30, $0x2  }
0x7f: {  	[sflag:s9] =	ssyncadd.s32 s2;
	s0 =	simm.s32 @p2 $0x0  }
0x80: {  	_ =	swait.ge [sflag:s10], s0  }
0x81: {  	s0 =	ssub.s32 $0x0, s0;
	[sflag:s10] =	ssyncset.done $0x0  }
0x82: {  	[sflag:s10] =	ssyncadd.s32 s0  }
0x83: {  	v1 =	vld [tilespmem:$0xA108];
	_ =	sdelay $0x4  }
0x84: {  	(v2sf) =	vpush v1, $0x0  }
0x85: {  	(v2sf) =	vpush v1, $0x1  }
0x86: {  	(v2sf) =	vpush v1, $0x2;
	_ =	sdelay $0x3  }
0x87: {  	s0 =	sadd.s32 $0x140, s20  }
0x88: {  	p2 =	slt.s32 s7, s0  }
0x89: {  	s0 =	smov.u32 @p2 s7;
	p2 =	sgt.s32 s8, $0x0  }
0x8a: {  	s24 =	ssub.s32 s0, s20;
	s8 =	simm.s32 @!p2 $0x0  }
0x8b: {  	p2 =	slt.s32 s8, s24  }
0x8c: {  	s24 =	smov.u32 @p2 s8  }
0x8d: {  	s23 =	simm.s32 $0x1;
	p2 =	slt.s32 s24, $0x1  }
.Ltmp10:
0x8e: {  	s23 =	simm.s32 @!p1 $0x0;
	(pc) =	sbr.rel @p2 .LBB2_14-.Ltmp10, $4  }
0x8f: {  	s31 =	smul.u32 $0x500, s23  }
0x90: {  	s25 =	spop (v2sf)  }
0x91: {  	s0 =	sshrl.u32 s31, $0x2;
	s28 =	spop (v2sf)  }
0x92: {  	s21 =	sadd.s32 $0xACF8, s0;
	s20 =	spop (v2sf)  }
0x93: {  	s0 =	smin.u32 s24, $0x10  }
0x94: {  	v1 =	vmov s0  }
0x95: {  	p3 =	sgt.s32 s24, $0x10;
	vm1 =	vgt.u32 v1, v0  }
.Ltmp11:
0x96: {  	_ = 	snop;
	(pc) =	sbr.rel @!p3 .LBB2_13-.Ltmp11, $2  }
0x97: {  	_ =	sdelay $0x2  }
0x98: {  	s26 =	simm.s32 $0x10;
	s29 =	sadd.s32 $0xFFFFFFF0, s24;
	s22 =	smov.u32 s21;
	vm0 =	vmmov vm1  }
.LBB2_12:
0x99: {  	s0 =	smin.u32 s29, $0x10;
	s26 =	sadd.s32 $0x10, s26;
	v1 =	vld.msk [tilespmem:s22+$0x0 ss:$0x1], vm1  }
0x9a: {  	v2 =	vmov s0;
	p3 =	slt.s32 s26, s24  }
0x9b: {  	vm1 =	vgt.u32 v2, v0  }
.Ltmp12:
0x9c: {  	(pc) =	sbr.rel @p3 .LBB2_12-.Ltmp12, $3  }
0x9d: {  	_ =	sdelay $0x1  }
0x9e: {  	v1 =	vshll.u32 v1, $0x4  }
0x9f: {  	s29 =	sadd.s32 $0xFFFFFFF0, s29;
	[tilespmem:s22+$0x0] =	vst.msk vm0, v1;
	s22 =	sadd.s32 $0x10, s22;
	vm0 =	vmmov vm1  }
.LBB2_13:
0xa0: {  	_ =	sdelay $0x4  }
0xa1: {  	v1 =	vld.msk [tilespmem:s22+$0x0 ss:$0x1], vm1;
	_ =	sdelay $0x4  }
0xa2: {  	v1 =	vshll.u32 v1, $0x4  }
0xa3: {  	[tilespmem:s22+$0x0] =	vst.msk vm0, v1  }
.LBB2_14:
0xa4: {  	s0 =	sand.u32 $0x1, s19  }
0xa5: {  	s0 =	smul.u32 $0x140, s0  }
0xa6: {  	p3 =	sne.s32 s28, $0xFFFFFFFF  }
0xa7: {  	v1 =	vld.msk @!p3 [tilespmem:s0+$0xACF8], $0x1;
	_ =	sdelay $0x4  }
0xa8: {  	(v2sf) =	vpush @!p3 v1, $0x0;
	_ =	sdelay $0xc  }
.Ltmp13:
0xa9: {  	_ = 	snop;
	(pc) =	sbr.rel @p2 .LBB2_25-.Ltmp13, $4  }
0xaa: {  	_ = 	snop  }
0xab: {  	s26 =	spop @!p3 (v2sf)  }
0xac: {  	s20 =	simm.s32 @!p3 $0x0;
	s22 =	smov.u32 s26  }
0xad: {  	[sflag:s16] =	ssyncpa.u1 $0x0;
	s26 =	smov.u32 @p3 s25;
	s22 =	smov.u32 @p3 s28  }
0xae: {  	v1 =	vld.msk [tilespmem:s21+$0x0], $0x1;
	_ =	sdelay $0x4  }
0xaf: {  	(v2sf) =	vpush v1, $0x0;
	_ =	sdelay $0xe  }
0xb0: {  	s0 =	smul.u32 $0x28000, s23;
	s30 =	spop (v2sf)  }
0xb1: {  	s24 =	ssub.s32 $0x0, s24;
	p2 =	seq.s32 s26, s30  }
0xb2: {  	s28 =	sadd.s32 $0x1, s24;
	s0 =	sshrl.u32 s0, $0x2;
	p3 =	sgt.s32 @!p2 s26, $0x0  }
0xb3: {  	s23 =	sadd.s32 $0xAF98, s0;
	s0 =	smov.u32 s26;
	p3 =	por !p3, p2  }
0xb4: {  	s0 =	simm.s32 @p3 $0x0;
	p3 =	seq.s32 s28, $0x0  }
.Ltmp14:
0xb5: {  	_ = 	snop;
	(pc) =	sbr.rel @p3 .LBB2_17-.Ltmp14, $4  }
0xb6: {  	_ = 	snop  }
0xb7: {  	s25 =	simm.s32 $0x0;
	s31 =	simm.s32 @!p2 $0x1;
	s2 =	smin.u32 @!p2 s0, $0xC34F8  }
0xb8: {  	s29 =	sadd.s32 $0x1, s21;
	s31 =	smov.u32 @p2 s25;
	s8 =	sand.u32 @!p2 $0xFFFF8, s2  }
0xb9: {  	s0 =	simm.s32 @!p2 $0x50C8;
	s2 =	sand.u32 @!p2 $0x7, s2;
	s8 =	sadd.s32 @!p2 s1, s8  }
.LBB2_16:
0xba: {  	s9 =	smov.u32 s31  }
0xbb: {  	[tilespmem:s0], [sflag:$0x2] =	stream.linear.gather @!p2 [hbm4b:s8+s2], $0x40, $0x38;
	[tilespmem:$0x1EF78] =	vst v63  }
0xbc: {  	s28 =	sadd.s32 $0x1, s28;
	s2 =	smov.u32 s30;
	v1 =	vld.msk [tilespmem:s29+$0x0], $0x1  }
0xbd: {  	p3 =	seq.s32 s28, $0x0;
	_ =	sdelay $0x3  }
0xbe: {  	(v2sf) =	vpush v1, $0x0;
	_ =	sdelay $0xe  }
0xbf: {  	s30 =	spop (v2sf)  }
0xc0: {  	p2 =	seq.s32 s2, s30  }
0xc1: {  	p4 =	sgt.s32 @!p2 s2, $0x0;
	s0 =	sshll.u32 @!p2 s31, $0x8;
	s31 =	sadd.s32 @!p2 $0x1, s31  }
.Ltmp15:
0xc2: {  	p4 =	por !p4, p2;
	s0 =	sshra.s32 @!p2 s0, $0x2;
	(pc) =	sbr.rel @!p3 .LBB2_16-.Ltmp15, $4  }
0xc3: {  	s31 =	smov.u32 @p2 s9;
	s2 =	simm.s32 @p4 $0x0;
	s0 =	sadd.s32 @!p2 $0x50C8, s0  }
0xc4: {  	s2 =	smin.u32 @!p2 s2, $0xC34F8  }
0xc5: {  	s8 =	sand.u32 @!p2 $0xFFFF8, s2;
	s2 =	sand.u32 @!p2 $0x7, s2  }
0xc6: {  	s29 =	sadd.s32 $0x1, s29;
	s8 =	sadd.s32 @!p2 s1, s8  }
.LBB2_17:
0xc7: {  	[tilespmem:s0], [sflag:$0x2] =	stream.linear.gather @!p2 [hbm4b:s8+s2], $0x40, $0x38;
	[tilespmem:$0x1EF78] =	vst v63  }
.Ltmp16:
0xc8: {  	s30 =	sshll.u32 s31, $0x6;
	(pc) =	sbr.rel .LBB2_18-.Ltmp16, $4  }
0xc9: {  	s31 =	simm.s32 $0x2;
	s0 =	sand.u32 $0x3FFFFFC0, s30  }
0xca: {  	_ =	swait.ge [sflag:s31], s0  }
0xcb: {  	s0 =	ssub.s32 $0x0, s0;
	[sflag:s31] =	ssyncset.done $0x0  }
0xcc: {  	s29 =	simm.s32 $0x0;
	[sflag:s31] =	ssyncadd.s32 s0  }
.LBB2_19:
0xcd: {  	v1 =	vld [tilespmem:s23+$0xFFFFFFE0];
	_ =	sdelay $0x4  }
0xce: {  	[tilespmem:s30+$0x88] =	vst.add.f32.msk $0xffff, v1  }
0xcf: {  	v1 =	vld [tilespmem:s23+$0xFFFFFFF0];
	_ =	sdelay $0x4  }
0xd0: {  	[tilespmem:s30+$0x98] =	vst.add.f32.msk $0xffff, v1  }
0xd1: {  	v1 =	vld [tilespmem:s23+$0x0];
	_ =	sdelay $0x4  }
0xd2: {  	[tilespmem:s30+$0xA8] =	vst.add.f32.msk $0xffff, v1  }
0xd3: {  	v1 =	vld [tilespmem:s23+$0x10];
	_ =	sdelay $0x4  }
0xd4: {  	[tilespmem:s30+$0xB8] =	vst.add.f32.msk $0xffff, v1  }
.LBB2_23:
0xd5: {  	s24 =	sadd.s32 $0x1, s24  }
0xd6: {  	p2 =	seq.s32 s24, $0x0  }
.Ltmp17:
0xd7: {  	_ = 	snop;
	(pc) =	sbr.rel @p2 .LBB2_24-.Ltmp17, $2  }
0xd8: {  	_ =	sdelay $0x2  }
0xd9: {  	s23 =	sadd.s32 $0x80, s23;
	s21 =	sadd.s32 $0x1, s21;
	s26 =	smov.u32 s28  }
.LBB2_18:
0xda: {  	v1 =	vld.msk [tilespmem:s21+$0x0], $0x1;
	_ =	sdelay $0x4  }
0xdb: {  	(v2sf) =	vpush v1, $0x0;
	_ =	sdelay $0xe  }
0xdc: {  	s28 =	spop (v2sf)  }
0xdd: {  	p2 =	sne.s32 s26, s28  }
.Ltmp18:
0xde: {  	_ = 	snop;
	(pc) =	sbr.rel @!p2 .LBB2_19-.Ltmp18, $3  }
0xdf: {  	_ =	sdelay $0x1  }
0xe0: {  	s0 =	sshll.u32 s20, $0x8  }
0xe1: {  	s30 =	sshra.s32 s0, $0x2  }
0xe2: {  	p2 =	seq.s32 s26, s22  }
.Ltmp19:
0xe3: {  	_ = 	snop;
	(pc) =	sbr.rel @!p2 .LBB2_21-.Ltmp19, $1  }
0xe4: {  	_ =	sdelay $0x3  }
.Ltmp20:
0xe5: {  	s0 =	sadd.s32 $0x88, s30;
	(pc) =	sbr.rel .LBB2_22-.Ltmp20, $4  }
0xe6: {  	[spmem:s13] =	stream.linear.scatter [tilespmem:s0], [sflag:$0x1], $0x40, $0x38;
	[tilespmem:$0x1EF78] =	vst v63  }
0xe7: {  	_ =	swait.ge [sflag:s11], $0x40  }
0xe8: {  	[sflag:s11] =	ssyncset.done $0x0  }
0xe9: {  	[sflag:s11] =	ssyncadd.s32 $0xFFFFFFC0  }
.LBB2_21:
0xea: {  	s0 =	sshll.u32 s25, $0x8  }
0xeb: {  	s0 =	sshra.s32 s0, $0x2  }
0xec: {  	v1 =	vld [tilespmem:s0+$0x50C8];
	_ =	sdelay $0x4  }
0xed: {  	[tilespmem:s30+$0x88] =	vst.add.f32.msk $0xffff, v1  }
0xee: {  	v1 =	vld [tilespmem:s0+$0x50D8];
	_ =	sdelay $0x4  }
0xef: {  	[tilespmem:s30+$0x98] =	vst.add.f32.msk $0xffff, v1  }
0xf0: {  	v1 =	vld [tilespmem:s0+$0x50E8];
	_ =	sdelay $0x4  }
0xf1: {  	[tilespmem:s30+$0xA8] =	vst.add.f32.msk $0xffff, v1  }
0xf2: {  	v1 =	vld [tilespmem:s0+$0x50F8];
	_ =	sdelay $0x2  }
0xf3: {  	p2 =	sgt.u32 s26, $0xC34F8  }
0xf4: {  	s0 =	sand.u32 @!p2 $0xFFFF8, s26  }
0xf5: {  	s2 =	sadd.s32 $0x88, s30;
	s8 =	sand.u32 @!p2 $0x7, s26;
	s0 =	sadd.s32 @!p2 s1, s0;
	[tilespmem:s30+$0xB8] =	vst.add.f32.msk $0xffff, v1  }
0xf6: {  	[hbm4b:s0+s8] =	stream.linear.scatter @!p2 [tilespmem:s2], [sflag:$0xA], $0x40, $0x38;
	[tilespmem:$0x1EF78] =	vst v63  }
0xf7: {  	s0 =	simm.s32 $0x0  }
0xf8: {  	s0 =	simm.s32 @!p2 $0x100  }
0xf9: {  	s29 =	sadd.s32 s0, s29  }
.LBB2_22:
0xfa: {  	s0 =	sadd.s32 $0x1, s20  }
0xfb: {  	s2 =	smulhi.u32 $0xCCCCCCCD, s0;
	_ =	sdelay $0x1  }
0xfc: {  	v1 =	vld [tilespmem:s23+$0xFFFFFFE0];
	s2 =	sshrl.u32 s2, $0x8  }
0xfd: {  	s2 =	smul.u32 $0x140, s2;
	_ =	sdelay $0x1  }
0xfe: {  	s20 =	ssub.s32 s0, s2  }
0xff: {  	s0 =	sshll.u32 s20, $0x6  }
0x100: {  	[tilespmem:s0+$0x88] =	vst v1  }
0x101: {  	v1 =	vld [tilespmem:s23+$0xFFFFFFF0];
	_ =	sdelay $0x4  }
0x102: {  	[tilespmem:s0+$0x98] =	vst v1  }
0x103: {  	v1 =	vld [tilespmem:s23+$0x0];
	_ =	sdelay $0x4  }
0x104: {  	[tilespmem:s0+$0xA8] =	vst v1  }
0x105: {  	v1 =	vld [tilespmem:s23+$0x10]  }
.Ltmp21:
0x106: {  	_ = 	snop;
	(pc) =	sbr.rel .LBB2_23-.Ltmp21, $2  }
0x107: {  	_ =	sdelay $0x2  }
0x108: {  	s25 =	sadd.s32 $0x1, s25;
	[tilespmem:s0+$0xB8] =	vst v1  }
.LBB2_25:
.Ltmp22:
0x109: {  	(pc) =	sbr.rel .LBB2_26-.Ltmp22, $4  }
0x10a: {  	_ = 	snop  }
0x10b: {  	s0 =	simm.s32 $0x2  }
0x10c: {  	_ =	swait.ge [sflag:s0], $0x0  }
0x10d: {  	s28 =	smov.u32 s26;
	[sflag:s0] =	ssyncset.done $0x0;
	s0 =	simm.s32 $0x0  }
.LBB2_28:
0x10e: {  	_ =	sfence.sel $0x180000  }
0x10f: {  	s0 =	simm.s32 $0x7;
	[bflag:$0x0] =	sbarrier.arrive $0xFFFF  }
0x110: {  	s25 =	simm.s32 $0x8;
	[sflag:s0] =	ssyncpa.u1 $0x1  }
0x111: {  	s26 =	simm.s32 $0x9;
	[sflag:s25] =	ssyncpa.u1 $0x1  }
0x112: {  	s28 =	simm.s32 $0x2;
	[sflag:s26] =	ssyncpa.u1 $0x1  }
0x113: {  	[sflag:s28] =	ssyncpa.u1 $0x1  }
0x114: {  	v0 =	vld [tilespmem:$0xA108];
	_ =	sdelay $0x4  }
0x115: {  	(v2sf) =	vpush v0, $0x0  }
0x116: {  	(v2sf) =	vpush v0, $0x1;
	_ =	sdelay $0x1  }
0x117: {  	(v2sf) =	vpush v0, $0x2;
	_ =	sdelay $0xb  }
0x118: {  	s0 =	spop (v2sf)  }
0x119: {  	s2 =	spop (v2sf)  }
0x11a: {  	s3 =	smov.u32 s0;
	p0 =	sne.s32 s0, s2  }
0x11b: {  	s4 =	spop (v2sf);
	s3 =	simm.s32 @!p0 $0xFFFFFFFF  }
0x11c: {  	v2 =	vimm.s32 $0x1;
	v3 =	vlaneseq.u32;
	p0 =	seq.s32 s4, $0xFFFFFFFF;
	v1 =	vmov s3  }
0x11d: {  	s7 =	stileid.u32;
	v0 =	vperm.xlane v0, v2;
	p1 =	sne.s32 @!p0 s0, s2;
	v1 =	vperm.xlane v1, v3  }
0x11e: {  	vm0 =	vcmask $0x3F04;
	s6 =	simm.s32 $0xA108;
	s0 =	simm.s32 @!p0 $0x1;
	p1 =	por !p1, p0  }
0x11f: {  	s3 =	sshll.u32 s7, $0x1;
	s2 =	sshll.u32 @!p0 s4, $0x8;
	s0 =	simm.s32 @p1 $0x0;
	v0 =	vsel vm0, v1, v0  }
0x120: {  	s5 =	sor.u32 $0x800, s3;
	s2 =	sshra.s32 @!p0 s2, $0x2;
	s0 =	sor.u32 @!p0 s0, s3;
	[tilespmem:$0xA108] =	vst v0  }
0x121: {  	[spmem:s5] =	stream.linear.scatter [tilespmem:s6], [sflag:$0x1], $0x2, $0x38;
	[tilespmem:$0x1EF78] =	vst v63  }
0x122: {  	s2 =	sadd.s32 @!p0 $0x88, s2;
	s0 =	sshll.u32 @!p0 s0, $0x6  }
0x123: {  	[spmem:s0] =	stream.linear.scatter @!p0 [tilespmem:s2], [sflag:$0x1], $0x40, $0x38;
	[tilespmem:$0x1EF78] =	vst v63  }
0x124: {  	s2 =	simm.s32 @!p0 $0x42  }
0x125: {  	s0 =	simm.s32 $0x1;
	s2 =	simm.s32 @p0 $0x2  }
0x126: {  	_ =	swait.ge [sflag:s0], s2  }
0x127: {  	s2 =	ssub.s32 $0x0, s2;
	[sflag:s0] =	ssyncset.done $0x0  }
0x128: {  	[sflag:s0] =	ssyncadd.s32 s2  }
0x129: {  	_ =	sfence.stream.spmem  }
0x12a: {  	s29 =	simm.s32 $0x3;
	[bflag:$0x0] =	sbarrier.arrive $0xFFFF  }
0x12b: {  	s30 =	simm.s32 $0x4;
	[sflag:s29] =	ssyncpa.u1 $0x1  }
0x12c: {  	s31 =	simm.s32 $0x3C;
	[sflag:s30] =	ssyncpa.u1 $0x1  }
0x12d: {  	p0 =	sne.s32 s7, $0x0;
	[sflag:s31] =	ssyncpa.u1 $0x1  }
0x12e: {  	_ =	sfence @p0  }
0x12f: {  	[sflag:s0] =	ssyncpa.u1 @p0 $0x1  }
0x130: {  	_ =	strace @p0 $0x9000004A  }
0x131: {  	[bflag:$0x2] =	sbarrier.arrive @p0 $0xFFFF  }
0x132: {  	_ =	shalt @p0  }
.LBB2_29:
0x133: {  	_ =	sfence.stream.spmem;
	s0 =	simm.s32 $0x5  }
0x134: {  	s2 =	simm.s32 $0x800;
	s3 =	simm.s32 $0xA118;
	[sflag:s0] =	ssyncpa.u1 $0x0  }
0x135: {  	[tilespmem:s3], [sflag:$0x5] =	stream.linear.gather [spmem:s2], $0x20, $0x38;
	[tilespmem:$0x1EF78] =	vst v63  }
0x136: {  	s30 =	simm.s32 $0xA138;
	s2 =	simm.s32 $0x0  }
0x137: {  	[tilespmem:s30], [sflag:$0x5] =	stream.linear.gather [spmem:s2], $0x800, $0x38;
	[tilespmem:$0x1EF78] =	vst v63  }
.Ltmp23:
0x138: {  	_ = 	snop;
	(pc) =	sbr.rel .LBB2_30-.Ltmp23, $4  }
0x139: {  	_ =	swait.ge [sflag:s0], $0x820  }
0x13a: {  	[sflag:s0] =	ssyncset.done $0x0  }
0x13b: {  	s31 =	simm.s32 $0x6;
	[sflag:s0] =	ssyncadd.s32 $0xFFFFF7E0  }
0x13c: {  	s3 =	simm.s32 $0x0;
	[sflag:s31] =	ssyncpa.u1 $0x0  }
.LBB2_36:
0x13d: {  	p0 =	slt.u32 s4, $0xC34F9  }
0x13e: {  	s0 =	sand.u32 @p0 $0xFFFF8, s4  }
0x13f: {  	s4 =	sand.u32 @p0 $0x7, s4;
	s5 =	simm.s32 @p0 $0xA0C8;
	s0 =	sadd.s32 @p0 s1, s0  }
0x140: {  	[tilespmem:s5], [sflag:$0x6] =	stream.linear.gather @p0 [hbm4b:s0+s4], $0x40, $0x38;
	[tilespmem:$0x1EF78] =	vst v63  }
0x141: {  	s0 =	simm.s32 @p0 $0x6  }
0x142: {  	_ =	swait.ge @p0 [sflag:s0], $0x40  }
0x143: {  	[sflag:s0] =	ssyncset.done @p0 $0x0  }
0x144: {  	[sflag:s0] =	ssyncadd.s32 @p0 $0xFFFFFFC0  }
0x145: {  	v1 =	vld @p0 [tilespmem:$0xA0C8];
	_ =	sdelay $0x2  }
0x146: {  	s0 =	sshll.u32 @p0 s3, $0x8  }
0x147: {  	s4 =	sshrl.u32 @p0 s0, $0x2  }
0x148: {  	[tilespmem:s4+$0xA138] =	vst.add.f32.msk @p0 $0xffff, v1  }
0x149: {  	v1 =	vld @p0 [tilespmem:$0xA0D8];
	_ =	sdelay $0x4  }
0x14a: {  	[tilespmem:s4+$0xA148] =	vst.add.f32.msk @p0 $0xffff, v1  }
0x14b: {  	v1 =	vld @p0 [tilespmem:$0xA0E8];
	_ =	sdelay $0x4  }
0x14c: {  	[tilespmem:s4+$0xA158] =	vst.add.f32.msk @p0 $0xffff, v1  }
0x14d: {  	v1 =	vld @p0 [tilespmem:$0xA0F8];
	_ =	sdelay $0x3  }
0x14e: {  	s5 =	sshll.u32 @!p0 s3, $0x8  }
0x14f: {  	s5 =	smov.u32 @p0 s0;
	[tilespmem:s4+$0xA168] =	vst.add.f32.msk @p0 $0xffff, v1  }
0x150: {  	s0 =	sshrl.u32 s5, $0x2;
	[tilespmem:s2+$0xA118] =	vst.msk $0x1, v0  }
0x151: {  	v0 =	vld [tilespmem:s0+$0xA138];
	_ =	sdelay $0x2  }
0x152: {  	s31 =	sshll.u32 s2, $0x8  }
0x153: {  	s4 =	sshra.s32 s31, $0x2  }
0x154: {  	[tilespmem:s4+$0xA138] =	vst v0  }
0x155: {  	v0 =	vld [tilespmem:s0+$0xA148];
	_ =	sdelay $0x4  }
0x156: {  	[tilespmem:s4+$0xA148] =	vst v0  }
0x157: {  	v0 =	vld [tilespmem:s0+$0xA158];
	_ =	sdelay $0x4  }
0x158: {  	[tilespmem:s4+$0xA158] =	vst v0  }
0x159: {  	v0 =	vld [tilespmem:s0+$0xA168];
	_ =	sdelay $0x4  }
0x15a: {  	s2 =	sadd.s32 $0x1, s2;
	[tilespmem:s4+$0xA168] =	vst v0  }
.LBB2_37:
0x15b: {  	s3 =	sadd.s32 $0x1, s3  }
0x15c: {  	p0 =	sne.s32 s3, $0x20  }
.Ltmp24:
0x15d: {  	_ = 	snop;
	(pc) =	sbr.rel @!p0 .LBB2_38-.Ltmp24, $1  }
0x15e: {  	_ =	sdelay $0x3  }
.LBB2_30:
0x15f: {  	v0 =	vld.msk [tilespmem:s3+$0xA118], $0x1;
	_ =	sdelay $0x4  }
0x160: {  	(v2sf) =	vpush v0, $0x0;
	_ =	sdelay $0xe  }
0x161: {  	s4 =	spop (v2sf)  }
0x162: {  	p0 =	seq.s32 s4, $0xFFFFFFFF  }
.Ltmp25:
0x163: {  	_ = 	snop;
	(pc) =	sbr.rel @p0 .LBB2_37-.Ltmp25, $1  }
0x164: {  	_ =	sdelay $0x3  }
0x165: {  	p0 =	slt.s32 s2, $0x1  }
.Ltmp26:
0x166: {  	_ = 	snop;
	(pc) =	sbr.rel @p0 .LBB2_36-.Ltmp26, $1  }
0x167: {  	_ =	sdelay $0x3  }
0x168: {  	s5 =	simm.s32 $0xA118;
	p0 =	por $0x0, $0x0  }
0x169: {  	v1 =	vld.msk @!p0 [tilespmem:s5+$0x0], $0x1;
	_ =	sdelay $0x4  }
0x16a: {  	(v2sf) =	vpush @!p0 v1, $0x0;
	_ =	sdelay $0xd  }
0x16b: {  	p2 =	sne.s32 s2, $0x1  }
.Ltmp27:
0x16c: {  	s0 =	spop @!p0 (v2sf);
	(pc) =	sbr.rel @!p2 .LBB2_34-.Ltmp27, $4  }
0x16d: {  	p1 =	seq.s32 @!p0 s4, s0  }
0x16e: {  	s6 =	simm.s32 $0x0;
	p1 =	por !p1, p0  }
0x16f: {  	s0 =	simm.s32 $0xFFFFFFFF;
	s6 =	simm.s32 @p1 $0xFFFFFFFF  }
0x170: {  	s7 =	simm.s32 $0x1;
	s6 =	smov.u32 @p0 s0  }
.LBB2_33:
0x171: {  	s0 =	smov.u32 s6;
	p0 =	sne.s32 s6, $0xFFFFFFFF  }
0x172: {  	s5 =	sadd.s32 $0x1, s5;
	s6 =	smov.u32 s7;
	s7 =	sadd.s32 $0x1, s7  }
0x173: {  	p1 =	sne.s32 s2, s7;
	v1 =	vld.msk @!p0 [tilespmem:s5+$0x0], $0x1;
	_ =	sdelay $0x4  }
0x174: {  	(v2sf) =	vpush @!p0 v1, $0x0;
	_ =	sdelay $0xe  }
.Ltmp28:
0x175: {  	s8 =	spop @!p0 (v2sf);
	(pc) =	sbr.rel @p1 .LBB2_33-.Ltmp28, $4  }
0x176: {  	p2 =	seq.s32 @!p0 s4, s8  }
0x177: {  	p2 =	por !p2, p0  }
0x178: {  	s6 =	simm.s32 @p2 $0xFFFFFFFF  }
0x179: {  	s6 =	smov.u32 @p0 s0  }
.LBB2_34:
0x17a: {  	p0 =	seq.s32 s6, $0xFFFFFFFF  }
.Ltmp29:
0x17b: {  	_ = 	snop;
	(pc) =	sbr.rel @p0 .LBB2_36-.Ltmp29, $1  }
0x17c: {  	_ =	sdelay $0x3  }
0x17d: {  	s0 =	sshll.u32 s3, $0x6  }
0x17e: {  	s0 =	sand.u32 $0x3FFFFFC0, s0  }
0x17f: {  	v0 =	vld [tilespmem:s0+$0xA138];
	_ =	sdelay $0x2  }
0x180: {  	s4 =	sshll.u32 s6, $0x8  }
0x181: {  	s4 =	sshra.s32 s4, $0x2  }
0x182: {  	[tilespmem:s4+$0xA138] =	vst.add.f32.msk $0xffff, v0  }
0x183: {  	v0 =	vld [tilespmem:s0+$0xA148];
	_ =	sdelay $0x4  }
0x184: {  	[tilespmem:s4+$0xA148] =	vst.add.f32.msk $0xffff, v0  }
0x185: {  	v0 =	vld [tilespmem:s0+$0xA158];
	_ =	sdelay $0x4  }
0x186: {  	[tilespmem:s4+$0xA158] =	vst.add.f32.msk $0xffff, v0  }
0x187: {  	v0 =	vld [tilespmem:s0+$0xA168]  }
.Ltmp30:
0x188: {  	_ = 	snop;
	(pc) =	sbr.rel .LBB2_37-.Ltmp30, $2  }
0x189: {  	_ =	sdelay $0x2  }
0x18a: {  	[tilespmem:s4+$0xA168] =	vst.add.f32.msk $0xffff, v0  }
.LBB2_38:
0x18b: {  	p0 =	slt.s32 s2, $0x1  }
.Ltmp31:
0x18c: {  	_ = 	snop;
	(pc) =	sbr.rel @p0 .LBB2_42-.Ltmp31, $3  }
0x18d: {  	_ =	sdelay $0x1  }
0x18e: {  	s0 =	simm.s32 $0x6  }
0x18f: {  	s3 =	simm.s32 $0x0;
	[sflag:s0] =	ssyncpa.u1 $0x1  }
0x190: {  	s0 =	simm.s32 $0xA118  }
0x191: {  	v0 =	vld.msk [tilespmem:s0+$0x0], $0x1;
	_ =	sdelay $0x4  }
0x192: {  	(v2sf) =	vpush v0, $0x0;
	_ =	sdelay $0xe  }
0x193: {  	s2 =	sadd.s32 $0xFFFFFFFF, s2;
	s0 =	spop (v2sf)  }
0x194: {  	p1 =	sne.s32 s2, $0x0;
	p0 =	sgt.u32 s0, $0xC34F8  }
.Ltmp32:
0x195: {  	s5 =	sand.u32 @!p0 $0xFFFF8, s0;
	(pc) =	sbr.rel @!p1 .LBB2_41-.Ltmp32, $4  }
0x196: {  	s4 =	simm.s32 $0xA138;
	s0 =	sand.u32 @!p0 $0x7, s0;
	s5 =	sadd.s32 @!p0 s1, s5  }
0x197: {  	[hbm4b:s5+s0] =	stream.linear.scatter @!p0 [tilespmem:s4], [sflag:$0x5], $0x40, $0x38;
	[tilespmem:$0x1EF78] =	vst v63  }
0x198: {  	s0 =	simm.s32 $0x0  }
0x199: {  	s5 =	simm.s32 $0xA119;
	s0 =	simm.s32 @!p0 $0x100  }
.LBB2_40:
0x19a: {  	v0 =	vld.msk [tilespmem:s5+$0x0], $0x1;
	s2 =	sadd.s32 $0xFFFFFFFF, s2;
	s3 =	sadd.s32 s3, s0  }
0x19b: {  	p0 =	sne.s32 s2, $0x0;
	_ =	sdelay $0x3  }
0x19c: {  	(v2sf) =	vpush v0, $0x0;
	_ =	sdelay $0xe  }
.Ltmp33:
0x19d: {  	s6 =	spop (v2sf);
	(pc) =	sbr.rel @p0 .LBB2_40-.Ltmp33, $4  }
0x19e: {  	s0 =	simm.s32 $0x0;
	p1 =	sgt.u32 s6, $0xC34F8  }
0x19f: {  	s4 =	sadd.s32 $0x40, s4;
	s0 =	simm.s32 @!p1 $0x100;
	s7 =	sand.u32 @!p1 $0xFFFF8, s6  }
0x1a0: {  	s5 =	sadd.s32 $0x1, s5;
	s6 =	sand.u32 @!p1 $0x7, s6;
	s7 =	sadd.s32 @!p1 s1, s7  }
0x1a1: {  	[hbm4b:s7+s6] =	stream.linear.scatter @!p1 [tilespmem:s4], [sflag:$0x5], $0x40, $0x38;
	[tilespmem:$0x1EF78] =	vst v63  }
.LBB2_41:
0x1a2: {  	s0 =	sadd.s32 s3, s0  }
0x1a3: {  	s3 =	sshrl.u32 s0, $0x2  }
.LBB2_42:
0x1a4: {  	s0 =	simm.s32 $0x5  }
0x1a5: {  	_ =	swait.ge [sflag:s0], s3  }
0x1a6: {  	s1 =	ssub.s32 $0x0, s3;
	[sflag:s0] =	ssyncset.done $0x0  }
0x1a7: {  	[sflag:s0] =	ssyncadd.s32 s1  }
0x1a8: {  	[sflag:s0] =	ssyncpa.u1 $0x1  }
0x1a9: {  	s30 =	simm.s32 $0x1;
	_ =	sfence  }
0x1aa: {  	[sflag:s30] =	ssyncpa.u1 $0x1  }
0x1ab: {  	_ =	strace $0x9000004A  }
0x1ac: {  	[bflag:$0x2] =	sbarrier.arrive $0xFFFF  }
0x1ad: {  	s31 =	rddreg [dreg:$0x1]  }
0x1ae: {  	s0 =	sadd.s32 $0x100000, s31  }
0x1af: {  	[sflag:s0] =	ssyncadd.tile.s32 $0x1;
	_ =	shalt  }
.Lfunc_end2:
_tile_overlayer_lowered:
.L_overlay_start_2:
0x1b0: {  	(tag) =	ssettag $0x2  }
0x1b1: {  	s0 =	rddreg [dreg:$0x0];
	s2 =	stileid.u32  }
0x1b2: {  	s1 =	rddreg [dreg:$0x1];
	p0 =	sne.s32 s2, $0x0  }
0x1b3: {  	s3 =	rddreg [dreg:$0x2];
	[bflag:$0x3] =	sbarrier.arrive $0xFFFF;
	s2 =	simm.s32 @!p0 $0x1C01  }
0x1b4: {  	[timem:s3], [sflag:s2] =	dma.local @!p0 [hbm:s0], s1  }
0x1b5: {  	s0 =	simm.s32 @!p0 $0x1  }
0x1b6: {  	_ =	swait.ge @!p0 [sflag:s0], s1  }
0x1b7: {  	s1 =	ssub.s32 @!p0 $0x0, s1;
	[sflag:s0] =	ssyncset.done @!p0 $0x0  }
0x1b8: {  	[sflag:s0] =	ssyncadd.s32 @!p0 s1  }
0x1b9: {  	[bflag:$0x3] =	sbarrier.arrive $0xFFFF  }
0x1ba: {  	_ =	shalt  }

// kernel: scatter_offload_async_start.2
scs
__scs_entry_jumppad:
0x0: {  	(pc) =	sbr.rel $0x88, $3  }
0x1: {  	(tag) =	ssettag $0x0;
	lr =	simm.s32 $0x1  }
0x2: {  	[smem:$0x3F95] =	sst lr;
	_ =	strace $0xD0000000  }
0x3: {  	_ = 	snop  }
0x4: {  	_ = 	snop  }
0x5: {  	_ = 	snop  }
0x6: {  	_ = 	snop  }
0x7: {  	_ = 	snop  }
__scs_overlays_trampoline_lowered:
0x8: {  	[smem:$0x3FA4] =	sst s0  }
0x9: {  	[smem:$0x3FA5] =	sst s1  }
0xa: {  	[smem:$0x3FA6] =	sst s2  }
0xb: {  	[smem:$0x3FA7] =	sst s3  }
0xc: {  	[smem:$0x3FA8] =	sst s4  }
0xd: {  	[smem:$0x3FA9] =	sst s5  }
0xe: {  	[smem:$0x3FAA] =	sst s6  }
0xf: {  	[smem:$0x3FAB] =	sst s7  }
0x10: {  	[smem:$0x3FAC] =	sst s8  }
0x11: {  	[smem:$0x3FAD] =	sst s9;
	s0 =	simm.s32 @!p0 $0x0  }
0x12: {  	s1 =	sld [smem:$0x3F93];
	s0 =	simm.s32 @p0 $0x1  }
0x13: {  	[smem:$0x3FAE] =	sst s0;
	s0 =	simm.s32 @!p1 $0x0  }
0x14: {  	s2 =	sld [smem:$0x3F92];
	s0 =	simm.s32 @p1 $0x1  }
0x15: {  	[smem:$0x3FAF] =	sst s0;
	s0 =	simm.s32 @!p2 $0x0  }
0x16: {  	s3 =	sld [smem:$0x3FDB];
	s0 =	simm.s32 @p2 $0x1  }
0x17: {  	s4 =	simm.s32 $0x1BF5;
	[smem:$0x3FB1] =	sst s0  }
0x18: {  	s0 =	sld [smem:$0x3F94];
	_ =	swait.ge [sflag:s4], $0x0  }
0x19: {  	s7 =	sld [smem:$0x3F95]  }
0x1a: {  	s8 =	sadd.s32 $0xFFFFE003, lr  }
0x1b: {  	s9 =	sadd.s32 $0xFFFFFEF7, lr;
	s5 =	simm.s32 $0xFFFFFFFF;
	p2 =	slt.u32 s8, $0xFFFFF086  }
0x1c: {  	p1 =	slt.u32 s9, $0xF7A;
	s5 =	simm.s32 @!p2 $0x0  }
0x1d: {  	s5 =	simm.s32 @p1 $0x1;
	p0 =	seq.s32 s7, s2  }
0x1e: {  	s7 =	smul.u32 @!p0 $0xF7A, s2;
	p2 =	seq.s32 @!p0 s5, $0x0  }
0x1f: {  	s9 =	smul.u32 $0xF7A, s1;
	s8 =	simm.s32 @!p0 $0x1BF5;
	p2 =	por !p2, p0  }
0x20: {  	[sflag:s8] =	ssyncset.s32 @!p0 $0xFFFFF086;
	s6 =	sadd.s32 @!p0 s3, s7;
	s7 =	simm.s32 @!p0 $0x108  }
0x21: {  	s3 =	sadd.s32 s3, s9;
	s6 =	sadd.s32 @!p0 $0x88, s6;
	s7 =	simm.s32 @p2 $0x1082  }
0x22: {  	[simem:s7], [sflag:s8] =	dma.local @!p0 [hbm:s6], $0xF7A  }
0x23: {  	s9 =	sor.u32 $0xD0000000, s2;
	s6 =	simm.s32 $0x108;
	_ =	swait.ge @!p0 [sflag:s8], $0x0  }
0x24: {  	s3 =	sadd.s32 $0x88, s3;
	s6 =	simm.s32 @!p1 $0x1082;
	[sflag:s4] =	ssyncset.s32 $0xFFFFF086  }
0x25: {  	[simem:s6], [sflag:s4] =	dma.local [hbm:s3], $0xF7A  }
0x26: {  	[smem:$0x3F95] =	sst s1;
	(tag) =	ssettag s2;
	_ =	strace s9  }
0x27: {  	s1 =	sld [smem:$0x3FA5]  }
0x28: {  	s2 =	sld [smem:$0x3FA6]  }
0x29: {  	s4 =	sld [smem:$0x3FA8]  }
0x2a: {  	p0 =	seq.s32 s5, $0x0;
	s5 =	sld [smem:$0x3FA9]  }
0x2b: {  	s6 =	sld [smem:$0x3FAA]  }
0x2c: {  	s7 =	sld [smem:$0x3FAB]  }
0x2d: {  	s3 =	simm.s32 $0x108;
	s8 =	sld [smem:$0x3FAC]  }
0x2e: {  	s3 =	simm.s32 @!p0 $0x1082;
	s9 =	sld [smem:$0x3FAD]  }
0x2f: {  	lr =	sadd.s32 s0, s3;
	s0 =	sld [smem:$0x3FA4]  }
0x30: {  	s3 =	sld [smem:$0x3FA7]  }
0x31: {  	[smem:$0x3FB0] =	sst s10  }
0x32: {  	s10 =	sld [smem:$0x3FAE];
	_ =	sdelay $0x3  }
0x33: {  	p0 =	seq.s32 s10, $0x1;
	s10 =	sld [smem:$0x3FB0];
	_ =	sdelay $0x3  }
0x34: {  	[smem:$0x3FB0] =	sst s10  }
0x35: {  	s10 =	sld [smem:$0x3FAF];
	_ =	sdelay $0x3  }
0x36: {  	p1 =	seq.s32 s10, $0x1;
	s10 =	sld [smem:$0x3FB0];
	_ =	sdelay $0x3  }
0x37: {  	[smem:$0x3FB0] =	sst s10  }
0x38: {  	s10 =	sld [smem:$0x3FB1]  }
0x39: {  	_ = 	snop;
	(pc) =	sbr.ind lr, $3  }
0x3a: {  	_ = 	snop  }
0x3b: {  	_ = 	snop  }
0x3c: {  	p2 =	seq.s32 s10, $0x1;
	s10 =	sld [smem:$0x3FB0]  }
0x3d: {  	_ =	shalt  }
0x3e: {  	_ =	shalt  }
0x3f: {  	_ =	shalt  }
0x40: {  	_ =	shalt  }
0x41: {  	_ =	shalt  }
0x42: {  	_ =	shalt  }
0x43: {  	_ =	shalt  }
0x44: {  	_ =	shalt  }
0x45: {  	_ =	shalt  }
0x46: {  	_ =	shalt  }
0x47: {  	_ =	shalt  }
0x48: {  	_ =	shalt  }
0x49: {  	_ =	shalt  }
0x4a: {  	_ =	shalt  }
0x4b: {  	_ =	shalt  }
0x4c: {  	_ =	shalt  }
0x4d: {  	_ =	shalt  }
0x4e: {  	_ =	shalt  }
0x4f: {  	_ =	shalt  }
0x50: {  	_ =	shalt  }
0x51: {  	_ =	shalt  }
0x52: {  	_ =	shalt  }
0x53: {  	_ =	shalt  }
0x54: {  	_ =	shalt  }
0x55: {  	_ =	shalt  }
0x56: {  	_ =	shalt  }
0x57: {  	_ =	shalt  }
0x58: {  	_ =	shalt  }
0x59: {  	_ =	shalt  }
0x5a: {  	_ =	shalt  }
0x5b: {  	_ =	shalt  }
0x5c: {  	_ =	shalt  }
0x5d: {  	_ =	shalt  }
0x5e: {  	_ =	shalt  }
0x5f: {  	_ =	shalt  }
0x60: {  	_ =	shalt  }
0x61: {  	_ =	shalt  }
0x62: {  	_ =	shalt  }
0x63: {  	_ =	shalt  }
0x64: {  	_ =	shalt  }
0x65: {  	_ =	shalt  }
0x66: {  	_ =	shalt  }
0x67: {  	_ =	shalt  }
0x68: {  	_ =	shalt  }
0x69: {  	_ =	shalt  }
0x6a: {  	_ =	shalt  }
0x6b: {  	_ =	shalt  }
0x6c: {  	_ =	shalt  }
0x6d: {  	_ =	shalt  }
0x6e: {  	_ =	shalt  }
0x6f: {  	_ =	shalt  }
0x70: {  	_ =	shalt  }
0x71: {  	_ =	shalt  }
0x72: {  	_ =	shalt  }
0x73: {  	_ =	shalt  }
0x74: {  	_ =	shalt  }
0x75: {  	_ =	shalt  }
0x76: {  	_ =	shalt  }
0x77: {  	_ =	shalt  }
0x78: {  	_ =	shalt  }
0x79: {  	_ =	shalt  }
0x7a: {  	_ =	shalt  }
0x7b: {  	_ =	shalt  }
0x7c: {  	_ =	shalt  }
0x7d: {  	_ =	shalt  }
0x7e: {  	_ =	shalt  }
0x7f: {  	_ =	shalt  }
0x80: {  	_ =	shalt  }
0x81: {  	_ =	shalt  }
0x82: {  	_ =	shalt  }
0x83: {  	_ =	shalt  }
0x84: {  	_ =	shalt  }
0x85: {  	_ =	shalt  }
0x86: {  	_ =	shalt  }
0x87: {  	_ =	shalt  }
.Lfunc_end0:
.L_simem_size_0:
called_computation.2_lowered:
.L_overlay_start_0:
0x88: {  	s0 =	sld [smem:$0x3FD9]  }
0x89: {  	s1 =	sld [smem:$0x3FFE];
	_ =	sdelay $0x3  }
0x8a: {  	s0 =	sadd.s32 s1, s0  }
0x8b: {  	[smem:$0x3FBC] =	sst s0  }
0x8c: {  	_ = 	snop  }
0x8d: {  	(tm) =	ssettm $0x1  }
0x8e: {  	s14 =	sld [smem:$0x3FFB];
	_ =	sdelay $0x3  }
0x8f: {  	_ =	strace s14  }
0x90: {  	s0 =	sld [smem:$0x3FFC];
	_ =	sdelay $0x3  }
0x91: {  	_ =	strace s0  }
0x92: {  	s0 =	sld [smem:$0x3FFD];
	_ =	sdelay $0x3  }
0x93: {  	_ =	strace s0  }
0x94: {  	_ =	strace $0x8FFFFFFF  }
0x95: {  	s15 =	sld [smem:$0x3FDB];
	_ =	sdelay $0x1  }
0x96: {  	s16 =	simm.s32 $_scs_section_size  }
0x97: {  	s2 =	simm.s32 $_size__tile_overlayer_lowered;
	s3 =	simm.s32 $_tile_overlayer_lowered  }
0x98: {  	s4 =	simm.s32 $0x1BFF;
	s17 =	sshll.u32 s3, $0x1;
	s1 =	sadd.s32 s16, s15  }
0x99: {  	s18 =	simm.s32 $0x0;
	s2 =	sshll.u32 s2, $0x1;
	s3 =	sadd.s32 s17, s1  }
0x9a: {  	[timem:s18], [sflag:s4] =	dma.local [hbm:s3], s2  }
0x9b: {  	_ =	swait.ge [sflag:s4], s2  }
0x9c: {  	s2 =	ssub.s32 $0x0, s2;
	[sflag:s4] =	ssyncset.done $0x0  }
0x9d: {  	[sflag:s4] =	ssyncadd.s32 s2;
	_ =	sdelay $0x1  }
0x9e: {  	s19 =	simm.s32 $0x1B8B  }
0x9f: {  	_ =	swait.ge [sflag:s19], $0x1  }
0xa0: {  	[sflag:s19] =	ssyncset.done $0x0  }
0xa1: {  	s21 =	simm.s32 $0x1B8E;
	s20 =	sld [smem:$0x3FFE];
	[sflag:s19] =	ssyncadd.s32 $0xFFFFFFFF  }
0xa2: {  	s22 =	simm.s32 $execute0_lowered;
	[smem:$0x3FD2] =	sst s21  }
0xa3: {  	s3 =	sshll.u32 s22, $0x1;
	_ =	strace $0x8000004C;
	[dreg:$0x1] =	wrdreg $0xFFFFFFFF  }
0xa4: {  	s23 =	simm.s32 $_size_execute0_lowered;
	s3 =	sadd.s32 s1, s3;
	[dreg:$0x0] =	wrdreg $0x0  }
0xa5: {  	s4 =	sshll.u32 s23, $0x1;
	[dreg:$0x2] =	wrdreg s3  }
0xa6: {  	[dreg:$0x3] =	wrdreg s4  }
0xa7: {  	[dreg:$0x4] =	wrdreg $0xC0  }
0xa8: {  	s24 =	simm.s32 $execute1_lowered;
	_ =	task [dreg:s18], $0x5FFFF  }
0xa9: {  	s3 =	sshll.u32 s24, $0x1;
	[dreg:$0x1] =	wrdreg $0xFFFFFFFF  }
0xaa: {  	s1 =	sadd.s32 s1, s3;
	[dreg:$0x0] =	wrdreg $0x60  }
0xab: {  	[dreg:$0x2] =	wrdreg s1  }
0xac: {  	[dreg:$0x3] =	wrdreg s20  }
0xad: {  	[dreg:$0x4] =	wrdreg $0x9  }
0xae: {  	_ =	task.clear_ibuf [dreg:s18], $0x5FFFF;
	_ =	strace $0x9000004C  }
0xaf: {  	s25 =	simm.s32 $0x9;
	_ =	strace $0x8000004E  }
0xb0: {  	_ =	swait.ge [sflag:s25], $0x1  }
0xb1: {  	[sflag:s25] =	ssyncadd.s32 $0xFFFFFFFF  }
0xb2: {  	_ =	strace $0x9000004E  }
0xb3: {  	_ =	strace $0x8000004F;
	[dreg:$0x1] =	wrdreg $0xFFFFFFFF  }
0xb4: {  	[dreg:$0x0] =	wrdreg $0x2030  }
0xb5: {  	[dreg:$0x2] =	wrdreg s20  }
0xb6: {  	[dreg:$0x3] =	wrdreg $0xA  }
0xb7: {  	_ =	task.clear_ibuf [dreg:s18], $0x4FFFF;
	_ =	strace $0x9000004F  }
0xb8: {  	s26 =	simm.s32 $0xA;
	_ =	strace $0x80000051  }
0xb9: {  	_ =	swait.ge [sflag:s26], $0x1  }
0xba: {  	[sflag:s26] =	ssyncadd.s32 $0xFFFFFFFF  }
0xbb: {  	_ =	strace $0x90000051  }
0xbc: {  	_ =	sfence  }
0xbd: {  	s28 =	sld [smem:$0x0];
	_ =	sdelay $0x1  }
0xbe: {  	s29 =	srdreg.scid  }
0xbf: {  	s30 =	sshll.u32 s29, $0xD;
	s31 =	sshrl.u32 s29, $0x2  }
0xc0: {  	s2 =	sand.u32 $0x1, s29;
	s3 =	sand.u32 $0x4000, s30;
	s1 =	sadd.s32 s31, s28  }
0xc1: {  	s2 =	sor.u32 s3, s2;
	s1 =	sshll.u32 s1, $0x11  }
0xc2: {  	s1 =	sor.u32 s1, s2  }
0xc3: {  	s1 =	sadd.s32 $0x8F2B, s1  }
0xc4: {  	[sflag:s1] =	ssyncadd.remote.s32 $0x1  }
0xc5: {  	_ =	sfence.sel $0xFFFF  }
0xc6: {  	[dreg:$0x0] =	wrdreg $0xFFFFFFFF;
	(pc) =	sbr.abs _section_cstart, $3  }
0xc7: {  	[dreg:$0x1] =	wrdreg $0xFFFFFFFF  }
0xc8: {  	_ =	task.clear_ibuf [dreg:s18], $0x2FFFF;
	_ =	strace $0x9FFFFFFF  }
0xc9: {  	(tm) =	ssettm $0x7FFFFFFF  }
tec
execute0_lowered:
.L_overlay_start_1:
0x0: {  	(tag) =	ssettag $0x1  }
0x1: {  	s2 =	rddreg [dreg:$0x0]  }
0x2: {  	s4 =	rddreg [dreg:$0x1]  }
0x3: {  	s0 =	rddreg [dreg:$0x2]  }
0x4: {  	s3 =	stileid.u32;
	[bflag:$0x3] =	sbarrier.arrive $0xFFFF;
	s1 =	simm.s32 $_size_execute1_lowered  }
0x5: {  	s7 =	simm.s32 $0x2;
	s8 =	simm.s32 $0x0;
	s12 =	simm.s32 $0x0  }
0x6: {  	s10 =	simm.s32 $0x0;
	s11 =	simm.s32 $0x0;
	p0 =	sne.s32 s3, $0x0  }
0x7: {  	s1 =	sshll.u32 s1, $0x1;
	s3 =	sshll.u32 s3, $0x7;
	s5 =	simm.s32 @!p0 $0x1C3F  }
.Ltmp0:
0x8: {  	s6 =	simm.s32 @!p0 $0x4060;
	s31 =	ssub.s32 $0xC300, s3;
	(pc) =	sbr.rel .LBB2_1-.Ltmp0, $4  }
0x9: {  	[timem:s6], [sflag:s5] =	dma.local @!p0 [hbm:s2], s1  }
0xa: {  	s9 =	smov.u32 s3;
	s5 =	simm.s32 $0x1;
	_ =	strace $0x8000004D  }
0xb: {  	s2 =	sadd.s32 $0xCA200, s4;
	s6 =	sshrl.u32 s31, $0xB;
	[sflag:s5] =	ssyncpa.u1 $0x0  }
0xc: {  	s4 =	sadd.s32 $0x1F2400, s4;
	[sflag:s7] =	ssyncpa.u1 $0x0;
	s7 =	sadd.s32 $0x2, s6  }
.LBB2_4:
0xd: {  	_ = 	snop  }
.LBB2_7:
0xe: {  	_ =	sdelay $0x3  }
0xf: {  	[tilespmem:v0+s16+$0x0 ss:$0x1] =	vst.idx.msk @p1 $0xffff, v2  }
0x10: {  	v56 =	vld.idx.msk [tilespmem:v1+s15+$0x0 ss:$0x1], $0xffff;
	s24 =	sor.u32 $0x70, s15;
	[tilespmem:v0+s17+$0x0 ss:$0x1] =	vst.idx.msk @p1 $0xffff, v4  }
0x11: {  	s25 =	sor.u32 $0x10, s15;
	[tilespmem:v0+s18+$0x0 ss:$0x1] =	vst.idx.msk @p1 $0xffff, v3;
	v57 =	vld.idx.msk [tilespmem:v1+s24+$0x0 ss:$0x1], $0xffff  }
0x12: {  	s26 =	sor.u32 $0x20, s15;
	[tilespmem:v0+s19+$0x0 ss:$0x1] =	vst.idx.msk @p1 $0xffff, v5;
	v58 =	vld.idx.msk [tilespmem:v1+s25+$0x0 ss:$0x1], $0xffff  }
0x13: {  	s28 =	sor.u32 $0x30, s15;
	[tilespmem:v0+s20+$0x0 ss:$0x1] =	vst.idx.msk @p1 $0xffff, v6;
	v59 =	vld.idx.msk [tilespmem:v1+s26+$0x0 ss:$0x1], $0xffff  }
0x14: {  	s29 =	sor.u32 $0x40, s15;
	[tilespmem:v0+s21+$0x0 ss:$0x1] =	vst.idx.msk @p1 $0xffff, v7;
	v60 =	vld.idx.msk [tilespmem:v1+s28+$0x0 ss:$0x1], $0xffff  }
0x15: {  	s30 =	sor.u32 $0x50, s15;
	v61 =	vld.idx.msk [tilespmem:v1+s29+$0x0 ss:$0x1], $0xffff;
	[tilespmem:v0+s15+$0x0 ss:$0x1] =	vst.idx.msk $0xffff, v56  }
0x16: {  	s31 =	sor.u32 $0x60, s15;
	v62 =	vld.idx.msk [tilespmem:v1+s30+$0x0 ss:$0x1], $0xffff;
	[tilespmem:v0+s24+$0x0 ss:$0x1] =	vst.idx.msk $0xffff, v57  }
0x17: {  	v63 =	vld.idx.msk [tilespmem:v1+s31+$0x0 ss:$0x1], $0xffff;
	[tilespmem:v0+s25+$0x0 ss:$0x1] =	vst.idx.msk $0xffff, v58  }
0x18: {  	[tilespmem:v0+s26+$0x0 ss:$0x1] =	vst.idx.msk $0xffff, v59  }
0x19: {  	[tilespmem:v0+s28+$0x0 ss:$0x1] =	vst.idx.msk $0xffff, v60  }
0x1a: {  	[tilespmem:v0+s29+$0x0 ss:$0x1] =	vst.idx.msk $0xffff, v61  }
0x1b: {  	[tilespmem:v0+s30+$0x0 ss:$0x1] =	vst.idx.msk $0xffff, v62  }
0x1c: {  	[tilespmem:v0+s31+$0x0 ss:$0x1] =	vst.idx.msk $0xffff, v63  }
.LBB2_8:
0x1d: {  	s15 =	sand.u32 $0x1FFFFFF, s10  }
0x1e: {  	s16 =	smulhi.u32 $0x14F8B59, s15;
	_ =	sdelay $0x1  }
0x1f: {  	s16 =	sshrl.u32 s16, $0x8  }
0x20: {  	s16 =	smul.u32 $0xC350, s16;
	_ =	sdelay $0x1  }
0x21: {  	s15 =	ssub.s32 s15, s16  }
0x22: {  	s15 =	sshll.u32 s15, $0x4  }
0x23: {  	s15 =	sadd.s32 s4, s15  }
0x24: {  	[hbm4b:s15+s8] =	stream.linear.scatter [tilespmem:s14], [sflag:$0x2], s13, $0x38;
	[tilespmem:$0x10000] =	vst v63  }
.LBB2_9:
0x25: {  	p1 =	slt.u32 s11, $0x2  }
0x26: {  	p2 =	sgt.s32 @!p1 s12, $0xC2D0  }
0x27: {  	s13 =	smov.u32 s12;
	s14 =	sshra.s32 @!p1 s12, $0x1F;
	p2 =	por !p2, p1  }
0x28: {  	s12 =	sand.u32 @!p1 s14, s12;
	s13 =	simm.s32 @p2 $0xC2D0  }
0x29: {  	s12 =	ssub.s32 @!p1 s13, s12  }
0x2a: {  	s12 =	sadd.s32 @!p1 $0xFFFF3D30, s12  }
0x2b: {  	s13 =	sshll.u32 @!p1 s12, $0x9  }
0x2c: {  	p2 =	sgt.s32 @!p1 s12, $0x7F;
	s12 =	ssub.s32 @!p1 $0x10000, s13  }
0x2d: {  	s14 =	sadd.s32 $0x800, s9;
	p2 =	por !p2, p1;
	s12 =	sshrl.u32 @!p1 s12, $0x2  }
0x2e: {  	s12 =	simm.s32 @!p2 $0x0;
	p2 =	sgt.s32 s14, $0xC34F  }
0x2f: {  	s14 =	smov.u32 @p2 s3;
	p2 =	sne.s32 s11, s7  }
.Ltmp1:
0x30: {  	_ = 	snop;
	(pc) =	sbr.rel @!p2 .LBB2_10-.Ltmp1, $4  }
0x31: {  	s13 =	simm.s32 @!p1 $0x2  }
0x32: {  	_ =	swait.ge @!p1 [sflag:s13], s12;
	s15 =	ssub.s32 @!p1 $0x0, s12  }
0x33: {  	s12 =	smov.u32 s10;
	s11 =	sadd.s32 $0x1, s11;
	[sflag:s13] =	ssyncset.done @!p1 $0x0  }
0x34: {  	s10 =	smov.u32 s9;
	s9 =	smov.u32 s14;
	[sflag:s13] =	ssyncadd.s32 @!p1 s15  }
.LBB2_1:
0x35: {  	p1 =	sgt.u32 s11, s6  }
0x36: {  	s13 =	sand.u32 @!p1 $0x1FFFFFF, s9  }
0x37: {  	p2 =	sgt.s32 @!p1 s9, $0xC2D0;
	s14 =	smulhi.u32 @!p1 $0x14F8B59, s13  }
0x38: {  	s15 =	smov.u32 s9;
	s16 =	sshra.s32 @!p1 s9, $0x1F;
	p2 =	por !p2, p1  }
0x39: {  	s16 =	sand.u32 @!p1 s16, s9;
	s15 =	simm.s32 @p2 $0xC2D0;
	s14 =	sshrl.u32 @!p1 s14, $0x8  }
0x3a: {  	s15 =	ssub.s32 @!p1 s15, s16;
	s14 =	smul.u32 @!p1 $0xC350, s14  }
0x3b: {  	s16 =	sxor.u32 @!p1 $0xFFFFFFFF, s11;
	s15 =	sadd.s32 @!p1 $0xFFFF3D30, s15  }
0x3c: {  	s16 =	sshll.u32 @!p1 s16, $0xE;
	s13 =	ssub.s32 @!p1 s13, s14;
	s14 =	sshll.u32 @!p1 s15, $0x9  }
0x3d: {  	s16 =	sand.u32 @!p1 $0x4000, s16;
	p2 =	sgt.s32 @!p1 s15, $0x7F;
	s14 =	ssub.s32 @!p1 $0x10000, s14  }
0x3e: {  	p2 =	por !p2, p1;
	s13 =	sshll.u32 @!p1 s13, $0x4;
	s14 =	sshrl.u32 @!p1 s14, $0x2  }
0x3f: {  	s15 =	simm.s32 @!p1 $0x0;
	s13 =	sadd.s32 @!p1 s2, s13;
	s14 =	simm.s32 @!p2 $0x0  }
0x40: {  	[tilespmem:s16], [sflag:$0x1] =	stream.linear.gather @!p1 [hbm4b:s13+s15], s14, $0x38;
	[tilespmem:$0x10000] =	vst v63  }
0x41: {  	p1 =	seq.s32 s11, $0x0  }
0x42: {  	p2 =	sge.u32 @!p1 s11, s7  }
0x43: {  	p1 =	por p1, p2  }
.Ltmp2:
0x44: {  	_ = 	snop;
	(pc) =	sbr.rel @p1 .LBB2_9-.Ltmp2, $1  }
0x45: {  	_ =	sdelay $0x3  }
0x46: {  	p1 =	sgt.s32 s10, $0xC2D0;
	s13 =	smov.u32 s10;
	s14 =	sshra.s32 s10, $0x1F  }
0x47: {  	s13 =	simm.s32 @!p1 $0xC2D0;
	s14 =	sand.u32 s14, s10  }
0x48: {  	s13 =	ssub.s32 s13, s14  }
0x49: {  	s13 =	sadd.s32 $0xFFFF3D30, s13  }
0x4a: {  	s31 =	sshll.u32 s13, $0x9  }
0x4b: {  	s14 =	ssub.s32 $0x10000, s31  }
0x4c: {  	p1 =	sgt.s32 s13, $0x7F;
	s13 =	sshrl.u32 s14, $0x2;
	s14 =	sadd.s32 $0x80, s10  }
0x4d: {  	s13 =	simm.s32 @p1 $0x0;
	p1 =	slt.s32 s14, $0xC350  }
0x4e: {  	s14 =	simm.s32 @!p1 $0xC350  }
0x4f: {  	s16 =	ssub.s32 s14, s10  }
0x50: {  	p1 =	slt.s32 s16, $0x1  }
.Ltmp3:
0x51: {  	_ = 	snop;
	(pc) =	sbr.rel @p1 .LBB2_8-.Ltmp3, $4  }
0x52: {  	_ = 	snop  }
0x53: {  	s15 =	sshll.u32 s11, $0xE;
	_ =	swait.ge [sflag:s5], s13  }
0x54: {  	s15 =	sand.u32 $0x4000, s15;
	s17 =	ssub.s32 $0x0, s13;
	[sflag:s5] =	ssyncset.done $0x0  }
0x55: {  	s14 =	sor.u32 $0x8000, s15;
	[sflag:s5] =	ssyncadd.s32 s17  }
0x56: {  	p2 =	sne.s32 s16, $0x1  }
.Ltmp4:
0x57: {  	v1 =	vmov s15;
	v0 =	vmov s14;
	(pc) =	sbr.rel @!p2 .LBB2_4-.Ltmp4, $3  }
0x58: {  	_ =	sdelay $0x1  }
0x59: {  	s17 =	simm.s32 $0x0  }
0x5a: {  	s23 =	sadd.s32 $0xFFFFFFFF, s16;
	p1 =	por $0x0, $0x0;
	s15 =	sand.u32 $0x3F80, s17  }
0x5b: {  	_ =	sdelay $0x3  }
0x5c: {  	v6 =	vld.idx.msk [tilespmem:v1+s15+$0x0 ss:$0x1], $0xffff;
	s24 =	sor.u32 $0x70, s15  }
0x5d: {  	s16 =	sor.u32 $0x10, s15;
	v8 =	vld.idx.msk [tilespmem:v1+s24+$0x0 ss:$0x1], $0xffff  }
0x5e: {  	s17 =	sor.u32 $0x20, s15;
	p2 =	sne.s32 s23, $0x1;
	v2 =	vld.idx.msk [tilespmem:v1+s16+$0x0 ss:$0x1], $0xffff  }
.Ltmp5:
0x5f: {  	s18 =	sor.u32 $0x30, s15;
	v4 =	vld.idx.msk [tilespmem:v1+s17+$0x0 ss:$0x1], $0xffff;
	(pc) =	sbr.rel @!p2 .LBB2_7-.Ltmp5, $4  }
0x60: {  	s19 =	sor.u32 $0x40, s15;
	v3 =	vld.idx.msk [tilespmem:v1+s18+$0x0 ss:$0x1], $0xffff  }
0x61: {  	s21 =	sor.u32 $0x60, s15;
	v5 =	vld.idx.msk [tilespmem:v1+s19+$0x0 ss:$0x1], $0xffff  }
0x62: {  	s20 =	sor.u32 $0x50, s15;
	s22 =	simm.s32 $0x80;
	v7 =	vld.idx.msk [tilespmem:v1+s21+$0x0 ss:$0x1], $0xffff;
	[tilespmem:v0+s15+$0x0 ss:$0x1] =	vst.idx.msk $0xffff, v6  }
0x63: {  	s23 =	sadd.s32 $0xFFFFFFFF, s23;
	p1 =	por $0x1, $0x1;
	v6 =	vld.idx.msk [tilespmem:v1+s20+$0x0 ss:$0x1], $0xffff;
	s15 =	sand.u32 $0x3F80, s22;
	[tilespmem:v0+s24+$0x0 ss:$0x1] =	vst.idx.msk $0xffff, v8  }
.LBB2_6:
0x64: {  	p2 =	sne.s32 s23, $0x1;
	v8 =	vld.idx.msk [tilespmem:v1+s15+$0x0 ss:$0x1], $0xffff;
	s24 =	sor.u32 $0x70, s15;
	[tilespmem:v0+s16+$0x0 ss:$0x1] =	vst.idx.msk $0xffff, v2;
	s16 =	sor.u32 $0x10, s15  }
0x65: {  	s25 =	sor.u32 $0x30, s15;
	s26 =	sor.u32 $0x40, s15;
	v9 =	vld.idx.msk [tilespmem:v1+s24+$0x0 ss:$0x1], $0xffff;
	[tilespmem:v0+s17+$0x0 ss:$0x1] =	vst.idx.msk $0xffff, v4;
	s17 =	sor.u32 $0x20, s15  }
0x66: {  	s28 =	sor.u32 $0x50, s15;
	s29 =	sor.u32 $0x60, s15;
	v2 =	vld.idx.msk [tilespmem:v1+s16+$0x0 ss:$0x1], $0xffff;
	[tilespmem:v0+s18+$0x0 ss:$0x1] =	vst.idx.msk $0xffff, v3;
	s18 =	smov.u32 s25  }
.Ltmp6:
0x67: {  	v4 =	vld.idx.msk [tilespmem:v1+s17+$0x0 ss:$0x1], $0xffff;
	[tilespmem:v0+s19+$0x0 ss:$0x1] =	vst.idx.msk $0xffff, v5;
	s19 =	smov.u32 s26;
	(pc) =	sbr.rel @p2 .LBB2_6-.Ltmp6, $4  }
0x68: {  	v3 =	vld.idx.msk [tilespmem:v1+s18+$0x0 ss:$0x1], $0xffff;
	[tilespmem:v0+s20+$0x0 ss:$0x1] =	vst.idx.msk $0xffff, v6;
	s20 =	smov.u32 s28  }
0x69: {  	v5 =	vld.idx.msk [tilespmem:v1+s19+$0x0 ss:$0x1], $0xffff;
	[tilespmem:v0+s21+$0x0 ss:$0x1] =	vst.idx.msk $0xffff, v7;
	s21 =	smov.u32 s29  }
0x6a: {  	s22 =	sadd.s32 $0x80, s22;
	[tilespmem:v0+s15+$0x0 ss:$0x1] =	vst.idx.msk $0xffff, v8;
	v6 =	vld.idx.msk [tilespmem:v1+s20+$0x0 ss:$0x1], $0xffff  }
0x6b: {  	s23 =	sadd.s32 $0xFFFFFFFF, s23;
	s15 =	sand.u32 $0x3F80, s22;
	v7 =	vld.idx.msk [tilespmem:v1+s21+$0x0 ss:$0x1], $0xffff;
	[tilespmem:v0+s24+$0x0 ss:$0x1] =	vst.idx.msk $0xffff, v9  }
.Ltmp7:
0x6c: {  	_ = 	snop;
	(pc) =	sbr.rel .LBB2_7-.Ltmp7, $1  }
0x6d: {  	_ =	sdelay $0x3  }
.LBB2_10:
0x6e: {  	_ =	sfence.sel $0x180000  }
0x6f: {  	s2 =	simm.s32 $0x1;
	[bflag:$0x0] =	sbarrier.arrive $0xFFFF  }
0x70: {  	s31 =	simm.s32 $0x2;
	[sflag:s2] =	ssyncpa.u1 $0x1  }
0x71: {  	[sflag:s31] =	ssyncpa.u1 $0x1  }
0x72: {  	_ =	strace $0x9000004D  }
0x73: {  	s0 =	sadd.s32 @!p0 $0x100000, s0;
	[bflag:$0x2] =	sbarrier.arrive $0xFFFF  }
0x74: {  	[sflag:s0] =	ssyncadd.tile.s32 @!p0 $0x1;
	s0 =	simm.s32 @!p0 $0x3F  }
0x75: {  	_ =	swait.ge @!p0 [sflag:s0], s1  }
0x76: {  	s1 =	ssub.s32 @!p0 $0x0, s1;
	[sflag:s0] =	ssyncset.done @!p0 $0x0  }
0x77: {  	[sflag:s0] =	ssyncadd.s32 @!p0 s1  }
0x78: {  	[bflag:$0x3] =	sbarrier.arrive $0xFFFF  }
0x79: {  	_ =	shalt  }
.Lfunc_end2:
execute1_lowered:
.L_overlay_start_2:
0x7a: {  	(tag) =	ssettag $0x2  }
0x7b: {  	s0 =	rddreg [dreg:$0x0];
	_ =	strace $0x80000050;
	s1 =	simm.s32 $0x1  }
0x7c: {  	s8 =	simm.s32 $0x108;
	v0 =	vimm.s32 $0x0;
	[sflag:s1] =	ssyncpa.u1 $0x0  }
0x7d: {  	[tilespmem:s8+$0x70] =	vst v0  }
0x7e: {  	[tilespmem:s8+$0x60] =	vst v0  }
0x7f: {  	[tilespmem:s8+$0x50] =	vst v0  }
0x80: {  	[tilespmem:s8+$0x40] =	vst v0  }
0x81: {  	[tilespmem:s8+$0x30] =	vst v0  }
0x82: {  	s1 =	sadd.s32 $0x1F2400, s0;
	s3 =	sadd.s32 $0x18D800, s0;
	[tilespmem:s8+$0x20] =	vst v0  }
0x83: {  	s2 =	simm.s32 $0x40;
	s4 =	sadd.s32 $0x2B5A00, s0;
	s5 =	sadd.s32 $0x1BFE00, s0;
	[tilespmem:s8+$0x10] =	vst v0  }
.LBB3_1:
0x84: {  	s2 =	sadd.s32 $0x40, s2;
	[tilespmem:s8+$0x0] =	vst v0;
	s8 =	sadd.s32 $0x80, s8  }
0x85: {  	p0 =	slt.u32 s2, $0x3C40;
	[tilespmem:s8+$0x70] =	vst v0  }
0x86: {  	[tilespmem:s8+$0x60] =	vst v0  }
.Ltmp8:
0x87: {  	[tilespmem:s8+$0x50] =	vst v0;
	(pc) =	sbr.rel @p0 .LBB3_1-.Ltmp8, $4  }
0x88: {  	[tilespmem:s8+$0x40] =	vst v0  }
0x89: {  	[tilespmem:s8+$0x30] =	vst v0  }
0x8a: {  	[tilespmem:s8+$0x20] =	vst v0  }
0x8b: {  	[tilespmem:s8+$0x10] =	vst v0  }
0x8c: {  	s13 =	stileid.u32  }
0x8d: {  	s0 =	smul.u32 $0x1AD, s13  }
0x8e: {  	s2 =	smin.u32 s13, $0xB  }
0x8f: {  	s0 =	sadd.s32 s2, s0  }
0x90: {  	p0 =	slt.u32 s13, $0xB;
	s6 =	smul.u32 $0xF0, s0;
	s0 =	simm.s32 $0x19320  }
0x91: {  	s0 =	simm.s32 @!p0 $0x19230  }
0x92: {  	s0 =	sadd.s32 s0, s6  }
0x93: {  	s7 =	smin.u32 s0, $0x192D50  }
0x94: {  	s0 =	ssub.s32 s7, s6  }
0x95: {  	p0 =	sgt.s32 s0, $0x0  }
0x96: {  	s0 =	simm.s32 @!p0 $0x0  }
0x97: {  	s31 =	smulhi.u32 $0x88888889, s0  }
0x98: {  	s30 =	simm.s32 $0x2;
	s9 =	simm.s32 $0x7;
	s10 =	simm.s32 $0x8  }
0x99: {  	s19 =	simm.s32 $0x0;
	s15 =	simm.s32 $0xA;
	s2 =	sshrl.u32 s31, $0x7  }
0x9a: {  	s17 =	simm.s32 $0x0;
	s18 =	simm.s32 $0x0;
	s11 =	smul.u32 $0xF0, s2  }
.Ltmp9:
0x9b: {  	[tilespmem:s8+$0x0] =	vst v0;
	v0 =	vimm.s32 $0xFFFFFFFF;
	[sflag:s30] =	ssyncpa.u1 $0x0;
	s13 =	sshll.u32 s13, $0x8;
	(pc) =	sbr.rel .LBB3_3-.Ltmp9, $4  }
0x9c: {  	[tilespmem:$0xF208] =	vst v0;
	[sflag:s9] =	ssyncpa.u1 $0x0;
	p0 =	sne.s32 s0, s11;
	s0 =	simm.s32 $0x1  }
0x9d: {  	[sflag:s10] =	ssyncpa.u1 $0x0;
	s10 =	simm.s32 $0x9;
	s0 =	simm.s32 @!p0 $0x0  }
0x9e: {  	[sflag:s10] =	ssyncpa.u1 $0x0;
	s16 =	smov.u32 s6;
	s12 =	sadd.s32 s0, s2  }
0x9f: {  	v0 =	vlaneseq.u32;
	s11 =	simm.s32 $0x1;
	p0 =	por $0x0, $0x0;
	s14 =	sadd.s32 $0x1, s12  }
.LBB3_18:
0xa0: {  	s0 =	sshrl.u32 s28, $0x2  }
.LBB3_20:
0xa1: {  	_ =	swait.ge [sflag:s15], s0  }
0xa2: {  	s31 =	ssub.s32 $0x0, s0;
	v1 =	vmov s21;
	vm0 =	veq.s32 v0, $0x0;
	[sflag:s15] =	ssyncset.done $0x0  }
0xa3: {  	vm15 =	veq.s32 v0, $0x2;
	v1 =	vsel vm0, s26, v1;
	[sflag:s15] =	ssyncadd.s32 s31  }
0xa4: {  	v1 =	vsel vm15, s19, v1;
	[sflag:s15] =	ssyncpa.u1 $0x1  }
0xa5: {  	[tilespmem:$0xF208] =	vst v1  }
.LBB3_21:
0xa6: {  	s0 =	sadd.s32 $0xF0, s16  }
0xa7: {  	s2 =	smov.u32 s6;
	p1 =	slt.s32 s0, s7  }
0xa8: {  	s2 =	smov.u32 @p1 s0;
	p1 =	sne.s32 s18, s14  }
.Ltmp10:
0xa9: {  	_ = 	snop;
	(pc) =	sbr.rel @!p1 .LBB3_22-.Ltmp10, $3  }
0xaa: {  	_ =	sdelay $0x1  }
0xab: {  	s19 =	smov.u32 s17;
	s31 =	sadd.s32 $0x1, s18;
	s17 =	smov.u32 s16  }
0xac: {  	p0 =	por !p0, !p0;
	s18 =	smov.u32 s31;
	s16 =	smov.u32 s2  }
.LBB3_3:
0xad: {  	p1 =	sge.u32 s18, s12  }
0xae: {  	s0 =	smulhi.u32 @!p1 $0xAAAAAAAB, s18  }
0xaf: {  	s2 =	smov.u32 s16;
	p2 =	sgt.s32 @!p1 s16, $0x192C60  }
0xb0: {  	s20 =	sshra.s32 @!p1 s16, $0x1F;
	p2 =	por !p2, p1;
	s0 =	sshrl.u32 @!p1 s0, $0x1  }
0xb1: {  	s20 =	sand.u32 @!p1 s20, s16;
	s2 =	simm.s32 @p2 $0x192C60;
	s0 =	smul.u32 @!p1 $0x3, s0  }
0xb2: {  	s2 =	ssub.s32 @!p1 s2, s20  }
0xb3: {  	s2 =	sadd.s32 @!p1 $0xFFE6D3A0, s2;
	s0 =	ssub.s32 @!p1 s18, s0  }
0xb4: {  	s20 =	sshll.u32 @!p1 s2, $0x2;
	p2 =	sgt.s32 @!p1 s2, $0xEF;
	s0 =	smul.u32 @!p1 $0x3C0, s0  }
0xb5: {  	s21 =	sand.u32 @!p1 $0x7, s16;
	s2 =	ssub.s32 @!p1 $0x3C0, s20;
	p2 =	por !p2, p1  }
0xb6: {  	s20 =	sshrl.u32 @!p1 s16, $0x3;
	s2 =	sshrl.u32 @!p1 s2, $0x2;
	s0 =	sshrl.u32 @!p1 s0, $0x2  }
0xb7: {  	s20 =	sadd.s32 @!p1 s5, s20;
	s2 =	simm.s32 @!p2 $0x0;
	s0 =	sadd.s32 @!p1 $0x10238, s0  }
0xb8: {  	[tilespmem:s0], [sflag:$0x8] =	stream.linear.gather @!p1 [hbm4b:s20+s21], s2, $0x38;
	[tilespmem:$0x1F6E8] =	vst v63  }
0xb9: {  	s0 =	sadd.s32 $0xFFFFFFFF, s18  }
0xba: {  	p1 =	sge.u32 s0, s12  }
0xbb: {  	p2 =	sgt.s32 @!p1 s17, $0x192C60  }
0xbc: {  	s2 =	smov.u32 s17;
	s20 =	sshra.s32 @!p1 s17, $0x1F;
	p2 =	por !p2, p1  }
0xbd: {  	s20 =	sand.u32 @!p1 s20, s17;
	s2 =	simm.s32 @p2 $0x192C60  }
0xbe: {  	s2 =	ssub.s32 @!p1 s2, s20  }
0xbf: {  	s2 =	sadd.s32 @!p1 $0xFFE6D3A0, s2  }
0xc0: {  	s21 =	smulhi.u32 @!p1 $0xAAAAAAAB, s0;
	s22 =	sand.u32 @!p1 $0x1, s0;
	s20 =	sshll.u32 @!p1 s2, $0x2  }
0xc1: {  	s24 =	smul.u32 @!p1 $0x3C0, s22;
	p2 =	sgt.s32 @!p1 s2, $0xEF;
	s2 =	ssub.s32 @!p1 $0x3C0, s20  }
0xc2: {  	p2 =	por !p2, p1;
	s20 =	sshrl.u32 @!p1 s21, $0x1;
	s2 =	sshrl.u32 @!p1 s2, $0x2  }
0xc3: {  	s21 =	simm.s32 @!p1 $0x8;
	s20 =	smul.u32 @!p1 $0x3, s20;
	s2 =	simm.s32 @!p2 $0x0  }
0xc4: {  	s22 =	smul.u32 @!p1 $0x1E000, s22;
	_ =	swait.ge @!p1 [sflag:s21], s2;
	s23 =	ssub.s32 @!p1 $0x0, s2  }
0xc5: {  	s0 =	ssub.s32 @!p1 s0, s20;
	s20 =	sshrl.u32 @!p1 s17, $0x3;
	[sflag:s21] =	ssyncset.done @!p1 $0x0  }
0xc6: {  	s20 =	sadd.s32 @!p1 s3, s20;
	[sflag:s21] =	ssyncadd.s32 @!p1 s23;
	s21 =	sshrl.u32 @!p1 s24, $0x2  }
0xc7: {  	s0 =	smul.u32 @!p1 $0x3C0, s0;
	s23 =	sand.u32 @!p1 $0x7, s17;
	s21 =	sor.u32 @!p1 $0x10508, s21  }
0xc8: {  	[tilespmem:s21], [sflag:$0x9] =	stream.linear.gather @!p1 [hbm4b:s20+s23], s2, $0x38;
	[tilespmem:$0x1F6E8] =	vst v63  }
0xc9: {  	s0 =	sshrl.u32 @!p1 s0, $0x2;
	s2 =	sshrl.u32 @!p1 s22, $0x2  }
0xca: {  	s0 =	sadd.s32 @!p1 $0x10238, s0;
	s20 =	simm.s32 @!p1 $0xF0;
	s2 =	sor.u32 @!p1 $0x106E8, s2  }
0xcb: {  	[tilespmem:s2], [sflag:$0x7] =	stream.indirect.gather @!p1 [hbm4b:s4+s20], $0x80, s0, s20, $0xb8;
	[tilespmem:$0x1F6E8] =	vst v63  }
0xcc: {  	p1 =	slt.u32 s18, $0x2  }
.Ltmp11:
0xcd: {  	_ = 	snop;
	(pc) =	sbr.rel @p1 .LBB3_21-.Ltmp11, $1  }
0xce: {  	_ =	sdelay $0x3  }
0xcf: {  	p1 =	sgt.s32 s19, $0x192C60;
	s0 =	smov.u32 s19;
	s2 =	sshra.s32 s19, $0x1F  }
0xd0: {  	s0 =	simm.s32 @!p1 $0x192C60;
	s2 =	sand.u32 s2, s19  }
0xd1: {  	s0 =	ssub.s32 s0, s2  }
0xd2: {  	s0 =	sadd.s32 $0xFFE6D3A0, s0  }
0xd3: {  	s30 =	sshll.u32 s0, $0x2  }
0xd4: {  	_ =	swait.ge [sflag:s9], $0x7800;
	s2 =	ssub.s32 $0x3C0, s30  }
0xd5: {  	[sflag:s9] =	ssyncset.done $0x0;
	p1 =	sgt.s32 s0, $0xEF;
	s0 =	sshrl.u32 s2, $0x2  }
0xd6: {  	[sflag:s9] =	ssyncadd.s32 $0xFFFF8800;
	s0 =	simm.s32 @p1 $0x0  }
0xd7: {  	_ =	swait.ge [sflag:s10], s0  }
0xd8: {  	s0 =	ssub.s32 $0x0, s0;
	[sflag:s10] =	ssyncset.done $0x0  }
0xd9: {  	[sflag:s10] =	ssyncadd.s32 s0  }
0xda: {  	v1 =	vld [tilespmem:$0xF208];
	_ =	sdelay $0x4  }
0xdb: {  	(v2sf) =	vpush v1, $0x0  }
0xdc: {  	(v2sf) =	vpush v1, $0x1  }
0xdd: {  	(v2sf) =	vpush v1, $0x2;
	_ =	sdelay $0x3  }
0xde: {  	s0 =	sadd.s32 $0xF0, s19  }
0xdf: {  	s2 =	ssub.s32 $0x192D50, s19;
	p1 =	slt.s32 s7, s0  }
0xe0: {  	s0 =	smov.u32 @p1 s7;
	p1 =	sgt.s32 s2, $0x0  }
0xe1: {  	s23 =	ssub.s32 s0, s19;
	s2 =	simm.s32 @!p1 $0x0  }
0xe2: {  	p1 =	slt.s32 s2, s23  }
0xe3: {  	s23 =	smov.u32 @p1 s2  }
0xe4: {  	s22 =	simm.s32 $0x1;
	p1 =	slt.s32 s23, $0x1  }
.Ltmp12:
0xe5: {  	s22 =	simm.s32 @!p0 $0x0;
	(pc) =	sbr.rel @p1 .LBB3_8-.Ltmp12, $4  }
0xe6: {  	s31 =	smul.u32 $0x3C0, s22  }
0xe7: {  	s24 =	spop (v2sf)  }
0xe8: {  	s0 =	sshrl.u32 s31, $0x2;
	s26 =	spop (v2sf)  }
0xe9: {  	s20 =	sor.u32 $0x10508, s0;
	s19 =	spop (v2sf)  }
0xea: {  	s0 =	smin.u32 s23, $0x10  }
0xeb: {  	v1 =	vmov s0  }
0xec: {  	p2 =	sgt.s32 s23, $0x10;
	vm1 =	vgt.u32 v1, v0  }
.Ltmp13:
0xed: {  	_ = 	snop;
	(pc) =	sbr.rel @!p2 .LBB3_7-.Ltmp13, $2  }
0xee: {  	_ =	sdelay $0x2  }
0xef: {  	s25 =	simm.s32 $0x10;
	s28 =	sadd.s32 $0xFFFFFFF0, s23;
	s21 =	smov.u32 s20;
	vm0 =	vmmov vm1  }
.LBB3_6:
0xf0: {  	s0 =	smin.u32 s28, $0x10;
	s25 =	sadd.s32 $0x10, s25;
	v1 =	vld.msk [tilespmem:s21+$0x0 ss:$0x1], vm1  }
0xf1: {  	v2 =	vmov s0;
	p2 =	slt.s32 s25, s23  }
0xf2: {  	vm1 =	vgt.u32 v2, v0  }
.Ltmp14:
0xf3: {  	(pc) =	sbr.rel @p2 .LBB3_6-.Ltmp14, $3  }
0xf4: {  	_ =	sdelay $0x1  }
0xf5: {  	v1 =	vshll.u32 v1, $0x4  }
0xf6: {  	s28 =	sadd.s32 $0xFFFFFFF0, s28;
	[tilespmem:s21+$0x0] =	vst.msk vm0, v1;
	s21 =	sadd.s32 $0x10, s21;
	vm0 =	vmmov vm1  }
.LBB3_7:
0xf7: {  	_ =	sdelay $0x4  }
0xf8: {  	v1 =	vld.msk [tilespmem:s21+$0x0 ss:$0x1], vm1;
	_ =	sdelay $0x4  }
0xf9: {  	v1 =	vshll.u32 v1, $0x4  }
0xfa: {  	[tilespmem:s21+$0x0] =	vst.msk vm0, v1  }
.LBB3_8:
0xfb: {  	s0 =	sand.u32 $0x1, s18  }
0xfc: {  	s0 =	smul.u32 $0xF0, s0  }
0xfd: {  	p2 =	sne.s32 s26, $0xFFFFFFFF  }
0xfe: {  	v1 =	vld.msk @!p2 [tilespmem:s0+$0x10508], $0x1;
	_ =	sdelay $0x4  }
0xff: {  	(v2sf) =	vpush @!p2 v1, $0x0;
	_ =	sdelay $0xc  }
.Ltmp15:
0x100: {  	_ = 	snop;
	(pc) =	sbr.rel @p1 .LBB3_19-.Ltmp15, $4  }
0x101: {  	_ = 	snop  }
0x102: {  	s25 =	spop @!p2 (v2sf)  }
0x103: {  	s19 =	simm.s32 @!p2 $0x0;
	s21 =	smov.u32 s25  }
0x104: {  	[sflag:s15] =	ssyncpa.u1 $0x0;
	s25 =	smov.u32 @p2 s24;
	s21 =	smov.u32 @p2 s26  }
0x105: {  	v1 =	vld.msk [tilespmem:s20+$0x0], $0x1;
	_ =	sdelay $0x4  }
0x106: {  	(v2sf) =	vpush v1, $0x0;
	_ =	sdelay $0xe  }
0x107: {  	s0 =	smul.u32 $0x1E000, s22;
	s29 =	spop (v2sf)  }
0x108: {  	s23 =	ssub.s32 $0x0, s23;
	p1 =	seq.s32 s25, s29  }
0x109: {  	s26 =	sadd.s32 $0x1, s23;
	s0 =	sshrl.u32 s0, $0x2;
	p2 =	sgt.s32 @!p1 s25, $0x0  }
0x10a: {  	s22 =	sor.u32 $0x10728, s0;
	s0 =	smov.u32 s25;
	p2 =	por !p2, p1  }
0x10b: {  	s0 =	simm.s32 @p2 $0x0;
	p2 =	seq.s32 s26, $0x0  }
.Ltmp16:
0x10c: {  	_ = 	snop;
	(pc) =	sbr.rel @p2 .LBB3_11-.Ltmp16, $4  }
0x10d: {  	_ = 	snop  }
0x10e: {  	s24 =	simm.s32 $0x0;
	s28 =	sadd.s32 $0x1, s20;
	s0 =	smin.u32 @!p1 s0, $0xC34F0  }
0x10f: {  	s30 =	simm.s32 @!p1 $0x1;
	s31 =	simm.s32 @!p1 $0x7988;
	s2 =	sand.u32 @!p1 $0xFFFF8, s0  }
0x110: {  	s30 =	smov.u32 @p1 s24;
	s0 =	sand.u32 @!p1 $0x7, s0;
	s2 =	sadd.s32 @!p1 s1, s2  }
.LBB3_10:
0x111: {  	s8 =	smov.u32 s30  }
0x112: {  	[tilespmem:s31], [sflag:$0x2] =	stream.linear.gather @!p1 [hbm4b:s2+s0], $0x80, $0x38;
	[tilespmem:$0x1F6E8] =	vst v63  }
0x113: {  	s26 =	sadd.s32 $0x1, s26;
	s0 =	smov.u32 s29;
	v1 =	vld.msk [tilespmem:s28+$0x0], $0x1  }
0x114: {  	p2 =	seq.s32 s26, $0x0;
	_ =	sdelay $0x3  }
0x115: {  	(v2sf) =	vpush v1, $0x0;
	_ =	sdelay $0xe  }
0x116: {  	s29 =	spop (v2sf)  }
0x117: {  	p1 =	seq.s32 s0, s29  }
0x118: {  	p3 =	sgt.s32 @!p1 s0, $0x0;
	s2 =	sshll.u32 @!p1 s30, $0x9;
	s30 =	sadd.s32 @!p1 $0x1, s30  }
.Ltmp17:
0x119: {  	p3 =	por !p3, p1;
	s2 =	sshra.s32 @!p1 s2, $0x2;
	(pc) =	sbr.rel @!p2 .LBB3_10-.Ltmp17, $4  }
0x11a: {  	s30 =	smov.u32 @p1 s8;
	s0 =	simm.s32 @p3 $0x0;
	s31 =	sadd.s32 @!p1 $0x7988, s2  }
0x11b: {  	s0 =	smin.u32 @!p1 s0, $0xC34F0  }
0x11c: {  	s2 =	sand.u32 @!p1 $0xFFFF8, s0;
	s0 =	sand.u32 @!p1 $0x7, s0  }
0x11d: {  	s28 =	sadd.s32 $0x1, s28;
	s2 =	sadd.s32 @!p1 s1, s2  }
.LBB3_11:
0x11e: {  	[tilespmem:s31], [sflag:$0x2] =	stream.linear.gather @!p1 [hbm4b:s2+s0], $0x80, $0x38;
	[tilespmem:$0x1F6E8] =	vst v63  }
.Ltmp18:
0x11f: {  	s30 =	sshll.u32 s30, $0x7;
	(pc) =	sbr.rel .LBB3_12-.Ltmp18, $4  }
0x120: {  	s31 =	simm.s32 $0x2;
	s0 =	sand.u32 $0x3FFFFF80, s30  }
0x121: {  	_ =	swait.ge [sflag:s31], s0  }
0x122: {  	s0 =	ssub.s32 $0x0, s0;
	[sflag:s31] =	ssyncset.done $0x0  }
0x123: {  	s28 =	simm.s32 $0x0;
	[sflag:s31] =	ssyncadd.s32 s0  }
.LBB3_13:
0x124: {  	v1 =	vld [tilespmem:s22+$0xFFFFFFC0];
	_ =	sdelay $0x3  }
0x125: {  	s0 =	sshra.s32 s0, $0x2  }
0x126: {  	[tilespmem:s0+$0x108] =	vst.add.f32.msk $0xffff, v1  }
0x127: {  	v1 =	vld [tilespmem:s22+$0xFFFFFFD0];
	_ =	sdelay $0x4  }
0x128: {  	[tilespmem:s0+$0x118] =	vst.add.f32.msk $0xffff, v1  }
0x129: {  	v1 =	vld [tilespmem:s22+$0xFFFFFFE0];
	_ =	sdelay $0x4  }
0x12a: {  	[tilespmem:s0+$0x128] =	vst.add.f32.msk $0xffff, v1  }
0x12b: {  	v1 =	vld [tilespmem:s22+$0xFFFFFFF0];
	_ =	sdelay $0x4  }
0x12c: {  	[tilespmem:s0+$0x138] =	vst.add.f32.msk $0xffff, v1  }
0x12d: {  	v1 =	vld [tilespmem:s22+$0x0];
	_ =	sdelay $0x4  }
0x12e: {  	[tilespmem:s0+$0x148] =	vst.add.f32.msk $0xffff, v1  }
0x12f: {  	v1 =	vld [tilespmem:s22+$0x10];
	_ =	sdelay $0x4  }
0x130: {  	[tilespmem:s0+$0x158] =	vst.add.f32.msk $0xffff, v1  }
0x131: {  	v1 =	vld [tilespmem:s22+$0x20];
	_ =	sdelay $0x4  }
0x132: {  	[tilespmem:s0+$0x168] =	vst.add.f32.msk $0xffff, v1  }
0x133: {  	v1 =	vld [tilespmem:s22+$0x30];
	_ =	sdelay $0x4  }
0x134: {  	[tilespmem:s0+$0x178] =	vst.add.f32.msk $0xffff, v1  }
.LBB3_17:
0x135: {  	s23 =	sadd.s32 $0x1, s23  }
0x136: {  	p1 =	seq.s32 s23, $0x0  }
.Ltmp19:
0x137: {  	_ = 	snop;
	(pc) =	sbr.rel @p1 .LBB3_18-.Ltmp19, $2  }
0x138: {  	_ =	sdelay $0x2  }
0x139: {  	s20 =	sadd.s32 $0x1, s20;
	s22 =	sadd.s32 $0x80, s22;
	s25 =	smov.u32 s26  }
.LBB3_12:
0x13a: {  	v1 =	vld.msk [tilespmem:s20+$0x0], $0x1;
	_ =	sdelay $0x4  }
0x13b: {  	(v2sf) =	vpush v1, $0x0;
	_ =	sdelay $0xe  }
0x13c: {  	s26 =	spop (v2sf)  }
0x13d: {  	p1 =	sne.s32 s25, s26  }
.Ltmp20:
0x13e: {  	_ = 	snop;
	(pc) =	sbr.rel @!p1 .LBB3_13-.Ltmp20, $2  }
0x13f: {  	_ =	sdelay $0x2  }
0x140: {  	s0 =	sshll.u32 s19, $0x9  }
0x141: {  	p1 =	seq.s32 s25, s21  }
.Ltmp21:
0x142: {  	_ = 	snop;
	(pc) =	sbr.rel @!p1 .LBB3_15-.Ltmp21, $1  }
0x143: {  	_ =	sdelay $0x3  }
0x144: {  	s0 =	sshra.s32 s0, $0x2  }
.Ltmp22:
0x145: {  	s0 =	sadd.s32 $0x108, s0;
	(pc) =	sbr.rel .LBB3_16-.Ltmp22, $4  }
0x146: {  	[spmem:s13] =	stream.linear.scatter [tilespmem:s0], [sflag:$0x1], $0x80, $0x38;
	[tilespmem:$0x1F6E8] =	vst v63  }
0x147: {  	_ =	swait.ge [sflag:s11], $0x80  }
0x148: {  	[sflag:s11] =	ssyncset.done $0x0  }
0x149: {  	[sflag:s11] =	ssyncadd.s32 $0xFFFFFF80  }
.LBB3_15:
0x14a: {  	s2 =	sshll.u32 s24, $0x9  }
0x14b: {  	s2 =	sshra.s32 s2, $0x2  }
0x14c: {  	v1 =	vld [tilespmem:s2+$0x7988];
	_ =	sdelay $0x3  }
0x14d: {  	s0 =	sshra.s32 s0, $0x2  }
0x14e: {  	[tilespmem:s0+$0x108] =	vst.add.f32.msk $0xffff, v1  }
0x14f: {  	v1 =	vld [tilespmem:s2+$0x7998];
	_ =	sdelay $0x4  }
0x150: {  	[tilespmem:s0+$0x118] =	vst.add.f32.msk $0xffff, v1  }
0x151: {  	v1 =	vld [tilespmem:s2+$0x79A8];
	_ =	sdelay $0x4  }
0x152: {  	[tilespmem:s0+$0x128] =	vst.add.f32.msk $0xffff, v1  }
0x153: {  	v1 =	vld [tilespmem:s2+$0x79B8];
	_ =	sdelay $0x4  }
0x154: {  	[tilespmem:s0+$0x138] =	vst.add.f32.msk $0xffff, v1  }
0x155: {  	v1 =	vld [tilespmem:s2+$0x79C8];
	_ =	sdelay $0x4  }
0x156: {  	[tilespmem:s0+$0x148] =	vst.add.f32.msk $0xffff, v1  }
0x157: {  	v1 =	vld [tilespmem:s2+$0x79D8];
	_ =	sdelay $0x4  }
0x158: {  	[tilespmem:s0+$0x158] =	vst.add.f32.msk $0xffff, v1  }
0x159: {  	v1 =	vld [tilespmem:s2+$0x79E8];
	_ =	sdelay $0x4  }
0x15a: {  	[tilespmem:s0+$0x168] =	vst.add.f32.msk $0xffff, v1  }
0x15b: {  	v1 =	vld [tilespmem:s2+$0x79F8];
	_ =	sdelay $0x2  }
0x15c: {  	p1 =	sgt.u32 s25, $0xC34F0  }
0x15d: {  	s2 =	sand.u32 @!p1 $0xFFFF8, s25  }
0x15e: {  	s8 =	sadd.s32 $0x108, s0;
	[tilespmem:s0+$0x178] =	vst.add.f32.msk $0xffff, v1;
	s0 =	sadd.s32 @!p1 s1, s2;
	s2 =	sand.u32 @!p1 $0x7, s25  }
0x15f: {  	[hbm4b:s0+s2] =	stream.linear.scatter @!p1 [tilespmem:s8], [sflag:$0xA], $0x80, $0x38;
	[tilespmem:$0x1F6E8] =	vst v63  }
0x160: {  	s0 =	simm.s32 $0x0  }
0x161: {  	s0 =	simm.s32 @!p1 $0x200  }
0x162: {  	s28 =	sadd.s32 s0, s28  }
.LBB3_16:
0x163: {  	s0 =	sadd.s32 $0x1, s19  }
0x164: {  	s2 =	smulhi.u32 $0x88888889, s0;
	_ =	sdelay $0x1  }
0x165: {  	v1 =	vld [tilespmem:s22+$0xFFFFFFC0];
	s2 =	sshrl.u32 s2, $0x7  }
0x166: {  	s2 =	smul.u32 $0xF0, s2;
	_ =	sdelay $0x1  }
0x167: {  	s19 =	ssub.s32 s0, s2  }
0x168: {  	s0 =	sshll.u32 s19, $0x7  }
0x169: {  	[tilespmem:s0+$0x108] =	vst v1  }
0x16a: {  	v1 =	vld [tilespmem:s22+$0xFFFFFFD0];
	_ =	sdelay $0x4  }
0x16b: {  	[tilespmem:s0+$0x118] =	vst v1  }
0x16c: {  	v1 =	vld [tilespmem:s22+$0xFFFFFFE0];
	_ =	sdelay $0x4  }
0x16d: {  	[tilespmem:s0+$0x128] =	vst v1  }
0x16e: {  	v1 =	vld [tilespmem:s22+$0xFFFFFFF0];
	_ =	sdelay $0x4  }
0x16f: {  	[tilespmem:s0+$0x138] =	vst v1  }
0x170: {  	v1 =	vld [tilespmem:s22+$0x0];
	_ =	sdelay $0x4  }
0x171: {  	[tilespmem:s0+$0x148] =	vst v1  }
0x172: {  	v1 =	vld [tilespmem:s22+$0x10];
	_ =	sdelay $0x4  }
0x173: {  	[tilespmem:s0+$0x158] =	vst v1  }
0x174: {  	v1 =	vld [tilespmem:s22+$0x20];
	_ =	sdelay $0x4  }
0x175: {  	[tilespmem:s0+$0x168] =	vst v1  }
0x176: {  	v1 =	vld [tilespmem:s22+$0x30]  }
.Ltmp23:
0x177: {  	_ = 	snop;
	(pc) =	sbr.rel .LBB3_17-.Ltmp23, $2  }
0x178: {  	_ =	sdelay $0x2  }
0x179: {  	s24 =	sadd.s32 $0x1, s24;
	[tilespmem:s0+$0x178] =	vst v1  }
.LBB3_19:
.Ltmp24:
0x17a: {  	(pc) =	sbr.rel .LBB3_20-.Ltmp24, $4  }
0x17b: {  	_ = 	snop  }
0x17c: {  	s0 =	simm.s32 $0x2  }
0x17d: {  	_ =	swait.ge [sflag:s0], $0x0  }
0x17e: {  	s26 =	smov.u32 s25;
	[sflag:s0] =	ssyncset.done $0x0;
	s0 =	simm.s32 $0x0  }
.LBB3_22:
0x17f: {  	_ =	sfence.sel $0x180000  }
0x180: {  	s0 =	simm.s32 $0x7;
	[bflag:$0x0] =	sbarrier.arrive $0xFFFF  }
0x181: {  	s25 =	simm.s32 $0x8;
	[sflag:s0] =	ssyncpa.u1 $0x1  }
0x182: {  	s26 =	simm.s32 $0x9;
	[sflag:s25] =	ssyncpa.u1 $0x1  }
0x183: {  	s28 =	simm.s32 $0x2;
	[sflag:s26] =	ssyncpa.u1 $0x1  }
0x184: {  	[sflag:s28] =	ssyncpa.u1 $0x1  }
0x185: {  	v0 =	vld [tilespmem:$0xF208];
	_ =	sdelay $0x4  }
0x186: {  	(v2sf) =	vpush v0, $0x0  }
0x187: {  	(v2sf) =	vpush v0, $0x1;
	_ =	sdelay $0x1  }
0x188: {  	(v2sf) =	vpush v0, $0x2;
	_ =	sdelay $0xb  }
0x189: {  	s0 =	spop (v2sf)  }
0x18a: {  	s2 =	spop (v2sf)  }
0x18b: {  	s3 =	smov.u32 s0;
	p0 =	sne.s32 s0, s2  }
0x18c: {  	s4 =	spop (v2sf);
	s3 =	simm.s32 @!p0 $0xFFFFFFFF  }
0x18d: {  	v2 =	vimm.s32 $0x1;
	v3 =	vlaneseq.u32;
	p0 =	seq.s32 s4, $0xFFFFFFFF;
	v1 =	vmov s3  }
0x18e: {  	s7 =	stileid.u32;
	v0 =	vperm.xlane v0, v2;
	p1 =	sne.s32 @!p0 s0, s2;
	v1 =	vperm.xlane v1, v3  }
0x18f: {  	vm0 =	vcmask $0x3F04;
	s6 =	simm.s32 $0xF208;
	s0 =	simm.s32 @!p0 $0x1;
	p1 =	por !p1, p0  }
0x190: {  	s3 =	sshll.u32 s7, $0x1;
	s2 =	sshll.u32 @!p0 s4, $0x9;
	s0 =	simm.s32 @p1 $0x0;
	v0 =	vsel vm0, v1, v0  }
0x191: {  	s5 =	sor.u32 $0x1000, s3;
	s2 =	sshra.s32 @!p0 s2, $0x2;
	s0 =	sor.u32 @!p0 s0, s3;
	[tilespmem:$0xF208] =	vst v0  }
0x192: {  	[spmem:s5] =	stream.linear.scatter [tilespmem:s6], [sflag:$0x1], $0x2, $0x38;
	[tilespmem:$0x1F6E8] =	vst v63  }
0x193: {  	s2 =	sadd.s32 @!p0 $0x108, s2;
	s0 =	sshll.u32 @!p0 s0, $0x7  }
0x194: {  	[spmem:s0] =	stream.linear.scatter @!p0 [tilespmem:s2], [sflag:$0x1], $0x80, $0x38;
	[tilespmem:$0x1F6E8] =	vst v63  }
0x195: {  	s0 =	simm.s32 @!p0 $0x82  }
0x196: {  	s3 =	simm.s32 $0x1;
	s0 =	simm.s32 @p0 $0x2  }
0x197: {  	_ =	swait.ge [sflag:s3], s0  }
0x198: {  	s0 =	ssub.s32 $0x0, s0;
	[sflag:s3] =	ssyncset.done $0x0  }
0x199: {  	[sflag:s3] =	ssyncadd.s32 s0  }
0x19a: {  	_ =	sfence.stream.spmem  }
0x19b: {  	s29 =	simm.s32 $0x3;
	[bflag:$0x0] =	sbarrier.arrive $0xFFFF  }
0x19c: {  	s30 =	simm.s32 $0x4;
	[sflag:s29] =	ssyncpa.u1 $0x1  }
0x19d: {  	s31 =	simm.s32 $0x3C;
	[sflag:s30] =	ssyncpa.u1 $0x1  }
0x19e: {  	p0 =	sne.s32 s7, $0x0;
	[sflag:s31] =	ssyncpa.u1 $0x1  }
0x19f: {  	_ =	sfence @p0  }
0x1a0: {  	[sflag:s3] =	ssyncpa.u1 @p0 $0x1  }
0x1a1: {  	_ =	strace @p0 $0x90000050  }
0x1a2: {  	[bflag:$0x2] =	sbarrier.arrive @p0 $0xFFFF  }
0x1a3: {  	_ =	shalt @p0  }
.LBB3_23:
0x1a4: {  	_ =	sfence.stream.spmem;
	s0 =	simm.s32 $0x5  }
0x1a5: {  	s2 =	simm.s32 $0x1000;
	s3 =	simm.s32 $0xF218;
	[sflag:s0] =	ssyncpa.u1 $0x0  }
0x1a6: {  	[tilespmem:s3], [sflag:$0x5] =	stream.linear.gather [spmem:s2], $0x20, $0x38;
	[tilespmem:$0x1F6E8] =	vst v63  }
0x1a7: {  	s30 =	simm.s32 $0xF238;
	s2 =	simm.s32 $0x0  }
0x1a8: {  	[tilespmem:s30], [sflag:$0x5] =	stream.linear.gather [spmem:s2], $0x1000, $0x38;
	[tilespmem:$0x1F6E8] =	vst v63  }
.Ltmp25:
0x1a9: {  	_ = 	snop;
	(pc) =	sbr.rel .LBB3_24-.Ltmp25, $4  }
0x1aa: {  	_ =	swait.ge [sflag:s0], $0x1020  }
0x1ab: {  	[sflag:s0] =	ssyncset.done $0x0  }
0x1ac: {  	s31 =	simm.s32 $0x6;
	[sflag:s0] =	ssyncadd.s32 $0xFFFFEFE0  }
0x1ad: {  	s3 =	simm.s32 $0x0;
	[sflag:s31] =	ssyncpa.u1 $0x0  }
.LBB3_30:
0x1ae: {  	p0 =	slt.u32 s4, $0xC34F1  }
0x1af: {  	s0 =	sand.u32 @p0 $0xFFFF8, s4  }
0x1b0: {  	s4 =	sand.u32 @p0 $0x7, s4;
	s5 =	simm.s32 @p0 $0xF188;
	s0 =	sadd.s32 @p0 s1, s0  }
0x1b1: {  	[tilespmem:s5], [sflag:$0x6] =	stream.linear.gather @p0 [hbm4b:s0+s4], $0x80, $0x38;
	[tilespmem:$0x1F6E8] =	vst v63  }
0x1b2: {  	s0 =	simm.s32 @p0 $0x6  }
0x1b3: {  	_ =	swait.ge @p0 [sflag:s0], $0x80  }
0x1b4: {  	[sflag:s0] =	ssyncset.done @p0 $0x0  }
0x1b5: {  	[sflag:s0] =	ssyncadd.s32 @p0 $0xFFFFFF80  }
0x1b6: {  	v1 =	vld @p0 [tilespmem:$0xF188];
	_ =	sdelay $0x2  }
0x1b7: {  	s0 =	sshll.u32 @p0 s3, $0x9  }
0x1b8: {  	s4 =	sshrl.u32 @p0 s0, $0x2  }
0x1b9: {  	[tilespmem:s4+$0xF238] =	vst.add.f32.msk @p0 $0xffff, v1  }
0x1ba: {  	v1 =	vld @p0 [tilespmem:$0xF198];
	_ =	sdelay $0x4  }
0x1bb: {  	[tilespmem:s4+$0xF248] =	vst.add.f32.msk @p0 $0xffff, v1  }
0x1bc: {  	v1 =	vld @p0 [tilespmem:$0xF1A8];
	_ =	sdelay $0x4  }
0x1bd: {  	[tilespmem:s4+$0xF258] =	vst.add.f32.msk @p0 $0xffff, v1  }
0x1be: {  	v1 =	vld @p0 [tilespmem:$0xF1B8];
	_ =	sdelay $0x4  }
0x1bf: {  	[tilespmem:s4+$0xF268] =	vst.add.f32.msk @p0 $0xffff, v1  }
0x1c0: {  	v1 =	vld @p0 [tilespmem:$0xF1C8];
	_ =	sdelay $0x4  }
0x1c1: {  	[tilespmem:s4+$0xF278] =	vst.add.f32.msk @p0 $0xffff, v1  }
0x1c2: {  	v1 =	vld @p0 [tilespmem:$0xF1D8];
	_ =	sdelay $0x4  }
0x1c3: {  	[tilespmem:s4+$0xF288] =	vst.add.f32.msk @p0 $0xffff, v1  }
0x1c4: {  	v1 =	vld @p0 [tilespmem:$0xF1E8];
	_ =	sdelay $0x4  }
0x1c5: {  	[tilespmem:s4+$0xF298] =	vst.add.f32.msk @p0 $0xffff, v1  }
0x1c6: {  	v1 =	vld @p0 [tilespmem:$0xF1F8];
	_ =	sdelay $0x3  }
0x1c7: {  	s5 =	sshll.u32 @!p0 s3, $0x9  }
0x1c8: {  	s5 =	smov.u32 @p0 s0;
	[tilespmem:s4+$0xF2A8] =	vst.add.f32.msk @p0 $0xffff, v1  }
0x1c9: {  	s0 =	sshrl.u32 s5, $0x2;
	[tilespmem:s2+$0xF218] =	vst.msk $0x1, v0  }
0x1ca: {  	v0 =	vld [tilespmem:s0+$0xF238];
	_ =	sdelay $0x2  }
0x1cb: {  	s31 =	sshll.u32 s2, $0x9  }
0x1cc: {  	s4 =	sshra.s32 s31, $0x2  }
0x1cd: {  	[tilespmem:s4+$0xF238] =	vst v0  }
0x1ce: {  	v0 =	vld [tilespmem:s0+$0xF248];
	_ =	sdelay $0x4  }
0x1cf: {  	[tilespmem:s4+$0xF248] =	vst v0  }
0x1d0: {  	v0 =	vld [tilespmem:s0+$0xF258];
	_ =	sdelay $0x4  }
0x1d1: {  	[tilespmem:s4+$0xF258] =	vst v0  }
0x1d2: {  	v0 =	vld [tilespmem:s0+$0xF268];
	_ =	sdelay $0x4  }
0x1d3: {  	[tilespmem:s4+$0xF268] =	vst v0  }
0x1d4: {  	v0 =	vld [tilespmem:s0+$0xF278];
	_ =	sdelay $0x4  }
0x1d5: {  	[tilespmem:s4+$0xF278] =	vst v0  }
0x1d6: {  	v0 =	vld [tilespmem:s0+$0xF288];
	_ =	sdelay $0x4  }
0x1d7: {  	[tilespmem:s4+$0xF288] =	vst v0  }
0x1d8: {  	v0 =	vld [tilespmem:s0+$0xF298];
	_ =	sdelay $0x4  }
0x1d9: {  	[tilespmem:s4+$0xF298] =	vst v0  }
0x1da: {  	v0 =	vld [tilespmem:s0+$0xF2A8];
	_ =	sdelay $0x4  }
0x1db: {  	s2 =	sadd.s32 $0x1, s2;
	[tilespmem:s4+$0xF2A8] =	vst v0  }
.LBB3_31:
0x1dc: {  	s3 =	sadd.s32 $0x1, s3  }
0x1dd: {  	p0 =	sne.s32 s3, $0x20  }
.Ltmp26:
0x1de: {  	_ = 	snop;
	(pc) =	sbr.rel @!p0 .LBB3_32-.Ltmp26, $1  }
0x1df: {  	_ =	sdelay $0x3  }
.LBB3_24:
0x1e0: {  	v0 =	vld.msk [tilespmem:s3+$0xF218], $0x1;
	_ =	sdelay $0x4  }
0x1e1: {  	(v2sf) =	vpush v0, $0x0;
	_ =	sdelay $0xe  }
0x1e2: {  	s4 =	spop (v2sf)  }
0x1e3: {  	p0 =	seq.s32 s4, $0xFFFFFFFF  }
.Ltmp27:
0x1e4: {  	_ = 	snop;
	(pc) =	sbr.rel @p0 .LBB3_31-.Ltmp27, $1  }
0x1e5: {  	_ =	sdelay $0x3  }
0x1e6: {  	p0 =	slt.s32 s2, $0x1  }
.Ltmp28:
0x1e7: {  	_ = 	snop;
	(pc) =	sbr.rel @p0 .LBB3_30-.Ltmp28, $1  }
0x1e8: {  	_ =	sdelay $0x3  }
0x1e9: {  	s5 =	simm.s32 $0xF218;
	p0 =	por $0x0, $0x0  }
0x1ea: {  	v1 =	vld.msk @!p0 [tilespmem:s5+$0x0], $0x1;
	_ =	sdelay $0x4  }
0x1eb: {  	(v2sf) =	vpush @!p0 v1, $0x0;
	_ =	sdelay $0xd  }
0x1ec: {  	p2 =	sne.s32 s2, $0x1  }
.Ltmp29:
0x1ed: {  	s0 =	spop @!p0 (v2sf);
	(pc) =	sbr.rel @!p2 .LBB3_28-.Ltmp29, $4  }
0x1ee: {  	p1 =	seq.s32 @!p0 s4, s0  }
0x1ef: {  	s6 =	simm.s32 $0x0;
	p1 =	por !p1, p0  }
0x1f0: {  	s0 =	simm.s32 $0xFFFFFFFF;
	s6 =	simm.s32 @p1 $0xFFFFFFFF  }
0x1f1: {  	s7 =	simm.s32 $0x1;
	s6 =	smov.u32 @p0 s0  }
.LBB3_27:
0x1f2: {  	s0 =	smov.u32 s6;
	p0 =	sne.s32 s6, $0xFFFFFFFF  }
0x1f3: {  	s5 =	sadd.s32 $0x1, s5;
	s6 =	smov.u32 s7;
	s7 =	sadd.s32 $0x1, s7  }
0x1f4: {  	p1 =	sne.s32 s2, s7;
	v1 =	vld.msk @!p0 [tilespmem:s5+$0x0], $0x1;
	_ =	sdelay $0x4  }
0x1f5: {  	(v2sf) =	vpush @!p0 v1, $0x0;
	_ =	sdelay $0xe  }
.Ltmp30:
0x1f6: {  	s8 =	spop @!p0 (v2sf);
	(pc) =	sbr.rel @p1 .LBB3_27-.Ltmp30, $4  }
0x1f7: {  	p2 =	seq.s32 @!p0 s4, s8  }
0x1f8: {  	p2 =	por !p2, p0  }
0x1f9: {  	s6 =	simm.s32 @p2 $0xFFFFFFFF  }
0x1fa: {  	s6 =	smov.u32 @p0 s0  }
.LBB3_28:
0x1fb: {  	p0 =	seq.s32 s6, $0xFFFFFFFF  }
.Ltmp31:
0x1fc: {  	_ = 	snop;
	(pc) =	sbr.rel @p0 .LBB3_30-.Ltmp31, $1  }
0x1fd: {  	_ =	sdelay $0x3  }
0x1fe: {  	s0 =	sshll.u32 s3, $0x7  }
0x1ff: {  	s0 =	sand.u32 $0x3FFFFF80, s0  }
0x200: {  	v0 =	vld [tilespmem:s0+$0xF238];
	_ =	sdelay $0x2  }
0x201: {  	s4 =	sshll.u32 s6, $0x9  }
0x202: {  	s4 =	sshra.s32 s4, $0x2  }
0x203: {  	[tilespmem:s4+$0xF238] =	vst.add.f32.msk $0xffff, v0  }
0x204: {  	v0 =	vld [tilespmem:s0+$0xF248];
	_ =	sdelay $0x4  }
0x205: {  	[tilespmem:s4+$0xF248] =	vst.add.f32.msk $0xffff, v0  }
0x206: {  	v0 =	vld [tilespmem:s0+$0xF258];
	_ =	sdelay $0x4  }
0x207: {  	[tilespmem:s4+$0xF258] =	vst.add.f32.msk $0xffff, v0  }
0x208: {  	v0 =	vld [tilespmem:s0+$0xF268];
	_ =	sdelay $0x4  }
0x209: {  	[tilespmem:s4+$0xF268] =	vst.add.f32.msk $0xffff, v0  }
0x20a: {  	v0 =	vld [tilespmem:s0+$0xF278];
	_ =	sdelay $0x4  }
0x20b: {  	[tilespmem:s4+$0xF278] =	vst.add.f32.msk $0xffff, v0  }
0x20c: {  	v0 =	vld [tilespmem:s0+$0xF288];
	_ =	sdelay $0x4  }
0x20d: {  	[tilespmem:s4+$0xF288] =	vst.add.f32.msk $0xffff, v0  }
0x20e: {  	v0 =	vld [tilespmem:s0+$0xF298];
	_ =	sdelay $0x4  }
0x20f: {  	[tilespmem:s4+$0xF298] =	vst.add.f32.msk $0xffff, v0  }
0x210: {  	v0 =	vld [tilespmem:s0+$0xF2A8]  }
.Ltmp32:
0x211: {  	_ = 	snop;
	(pc) =	sbr.rel .LBB3_31-.Ltmp32, $2  }
0x212: {  	_ =	sdelay $0x2  }
0x213: {  	[tilespmem:s4+$0xF2A8] =	vst.add.f32.msk $0xffff, v0  }
.LBB3_32:
0x214: {  	p0 =	slt.s32 s2, $0x1  }
.Ltmp33:
0x215: {  	_ = 	snop;
	(pc) =	sbr.rel @p0 .LBB3_36-.Ltmp33, $3  }
0x216: {  	_ =	sdelay $0x1  }
0x217: {  	s0 =	simm.s32 $0x6  }
0x218: {  	s3 =	simm.s32 $0x0;
	[sflag:s0] =	ssyncpa.u1 $0x1  }
0x219: {  	s0 =	simm.s32 $0xF218  }
0x21a: {  	v0 =	vld.msk [tilespmem:s0+$0x0], $0x1;
	_ =	sdelay $0x4  }
0x21b: {  	(v2sf) =	vpush v0, $0x0;
	_ =	sdelay $0xd  }
0x21c: {  	s2 =	sadd.s32 $0xFFFFFFFF, s2  }
0x21d: {  	p1 =	sne.s32 s2, $0x0;
	s0 =	spop (v2sf)  }
.Ltmp34:
0x21e: {  	p0 =	sgt.u32 s0, $0xC34F0;
	(pc) =	sbr.rel @!p1 .LBB3_35-.Ltmp34, $4  }
0x21f: {  	s4 =	simm.s32 $0xF238;
	s5 =	sand.u32 @!p0 $0xFFFF8, s0  }
0x220: {  	s6 =	simm.s32 $0x0;
	s0 =	sand.u32 @!p0 $0x7, s0;
	s5 =	sadd.s32 @!p0 s1, s5  }
0x221: {  	[hbm4b:s5+s0] =	stream.linear.scatter @!p0 [tilespmem:s4], [sflag:$0x5], $0x80, $0x38;
	[tilespmem:$0x1F6E8] =	vst v63  }
0x222: {  	s6 =	simm.s32 @!p0 $0x200;
	s5 =	simm.s32 $0xF219  }
.LBB3_34:
0x223: {  	v0 =	vld.msk [tilespmem:s5+$0x0], $0x1;
	s2 =	sadd.s32 $0xFFFFFFFF, s2;
	s3 =	sadd.s32 s3, s6  }
0x224: {  	p0 =	sne.s32 s2, $0x0;
	_ =	sdelay $0x3  }
0x225: {  	(v2sf) =	vpush v0, $0x0;
	_ =	sdelay $0xe  }
.Ltmp35:
0x226: {  	s0 =	spop (v2sf);
	(pc) =	sbr.rel @p0 .LBB3_34-.Ltmp35, $4  }
0x227: {  	s6 =	simm.s32 $0x0;
	p1 =	sgt.u32 s0, $0xC34F0  }
0x228: {  	s4 =	sadd.s32 $0x80, s4;
	s6 =	simm.s32 @!p1 $0x200;
	s7 =	sand.u32 @!p1 $0xFFFF8, s0  }
0x229: {  	s5 =	sadd.s32 $0x1, s5;
	s0 =	sand.u32 @!p1 $0x7, s0;
	s7 =	sadd.s32 @!p1 s1, s7  }
0x22a: {  	[hbm4b:s7+s0] =	stream.linear.scatter @!p1 [tilespmem:s4], [sflag:$0x5], $0x80, $0x38;
	[tilespmem:$0x1F6E8] =	vst v63  }
.LBB3_35:
0x22b: {  	s0 =	sadd.s32 s3, s6  }
0x22c: {  	s3 =	sshrl.u32 s0, $0x2  }
.LBB3_36:
0x22d: {  	s0 =	simm.s32 $0x5  }
0x22e: {  	_ =	swait.ge [sflag:s0], s3  }
0x22f: {  	s1 =	ssub.s32 $0x0, s3;
	[sflag:s0] =	ssyncset.done $0x0  }
0x230: {  	[sflag:s0] =	ssyncadd.s32 s1  }
0x231: {  	[sflag:s0] =	ssyncpa.u1 $0x1  }
0x232: {  	s30 =	simm.s32 $0x1;
	_ =	sfence  }
0x233: {  	[sflag:s30] =	ssyncpa.u1 $0x1  }
0x234: {  	_ =	strace $0x90000050  }
0x235: {  	[bflag:$0x2] =	sbarrier.arrive $0xFFFF  }
0x236: {  	s31 =	rddreg [dreg:$0x1]  }
0x237: {  	s0 =	sadd.s32 $0x100000, s31  }
0x238: {  	[sflag:s0] =	ssyncadd.tile.s32 $0x1;
	_ =	shalt  }
.Lfunc_end3:
_tile_overlayer_lowered:
.L_overlay_start_3:
0x239: {  	(tag) =	ssettag $0x3  }
0x23a: {  	s0 =	rddreg [dreg:$0x0];
	s2 =	stileid.u32  }
0x23b: {  	s1 =	rddreg [dreg:$0x1];
	p0 =	sne.s32 s2, $0x0  }
0x23c: {  	s3 =	rddreg [dreg:$0x2];
	[bflag:$0x3] =	sbarrier.arrive $0xFFFF;
	s2 =	simm.s32 @!p0 $0x1C01  }
0x23d: {  	[timem:s3], [sflag:s2] =	dma.local @!p0 [hbm:s0], s1  }
0x23e: {  	s0 =	simm.s32 @!p0 $0x1  }
0x23f: {  	_ =	swait.ge @!p0 [sflag:s0], s1  }
0x240: {  	s1 =	ssub.s32 @!p0 $0x0, s1;
	[sflag:s0] =	ssyncset.done @!p0 $0x0  }
0x241: {  	[sflag:s0] =	ssyncadd.s32 @!p0 s1  }
0x242: {  	[bflag:$0x3] =	sbarrier.arrive $0xFFFF  }
0x243: {  	_ =	shalt  }

// kernel: scatter_offload_async_start.3
scs
__scs_entry_jumppad:
0x0: {  	(pc) =	sbr.rel $0x88, $3  }
0x1: {  	(tag) =	ssettag $0x0;
	lr =	simm.s32 $0x1  }
0x2: {  	[smem:$0x3F95] =	sst lr;
	_ =	strace $0xD0000000  }
0x3: {  	_ = 	snop  }
0x4: {  	_ = 	snop  }
0x5: {  	_ = 	snop  }
0x6: {  	_ = 	snop  }
0x7: {  	_ = 	snop  }
__scs_overlays_trampoline_lowered:
0x8: {  	[smem:$0x3FA4] =	sst s0  }
0x9: {  	[smem:$0x3FA5] =	sst s1  }
0xa: {  	[smem:$0x3FA6] =	sst s2  }
0xb: {  	[smem:$0x3FA7] =	sst s3  }
0xc: {  	[smem:$0x3FA8] =	sst s4  }
0xd: {  	[smem:$0x3FA9] =	sst s5  }
0xe: {  	[smem:$0x3FAA] =	sst s6  }
0xf: {  	[smem:$0x3FAB] =	sst s7  }
0x10: {  	[smem:$0x3FAC] =	sst s8  }
0x11: {  	[smem:$0x3FAD] =	sst s9;
	s0 =	simm.s32 @!p0 $0x0  }
0x12: {  	s1 =	sld [smem:$0x3F93];
	s0 =	simm.s32 @p0 $0x1  }
0x13: {  	[smem:$0x3FAE] =	sst s0;
	s0 =	simm.s32 @!p1 $0x0  }
0x14: {  	s2 =	sld [smem:$0x3F92];
	s0 =	simm.s32 @p1 $0x1  }
0x15: {  	[smem:$0x3FAF] =	sst s0;
	s0 =	simm.s32 @!p2 $0x0  }
0x16: {  	s3 =	sld [smem:$0x3FDB];
	s0 =	simm.s32 @p2 $0x1  }
0x17: {  	s4 =	simm.s32 $0x1BF5;
	[smem:$0x3FB1] =	sst s0  }
0x18: {  	s0 =	sld [smem:$0x3F94];
	_ =	swait.ge [sflag:s4], $0x0  }
0x19: {  	s7 =	sld [smem:$0x3F95]  }
0x1a: {  	s8 =	sadd.s32 $0xFFFFE003, lr  }
0x1b: {  	s9 =	sadd.s32 $0xFFFFFEF7, lr;
	s5 =	simm.s32 $0xFFFFFFFF;
	p2 =	slt.u32 s8, $0xFFFFF086  }
0x1c: {  	p1 =	slt.u32 s9, $0xF7A;
	s5 =	simm.s32 @!p2 $0x0  }
0x1d: {  	s5 =	simm.s32 @p1 $0x1;
	p0 =	seq.s32 s7, s2  }
0x1e: {  	s7 =	smul.u32 @!p0 $0xF7A, s2;
	p2 =	seq.s32 @!p0 s5, $0x0  }
0x1f: {  	s9 =	smul.u32 $0xF7A, s1;
	s8 =	simm.s32 @!p0 $0x1BF5;
	p2 =	por !p2, p0  }
0x20: {  	[sflag:s8] =	ssyncset.s32 @!p0 $0xFFFFF086;
	s6 =	sadd.s32 @!p0 s3, s7;
	s7 =	simm.s32 @!p0 $0x108  }
0x21: {  	s3 =	sadd.s32 s3, s9;
	s6 =	sadd.s32 @!p0 $0x88, s6;
	s7 =	simm.s32 @p2 $0x1082  }
0x22: {  	[simem:s7], [sflag:s8] =	dma.local @!p0 [hbm:s6], $0xF7A  }
0x23: {  	s9 =	sor.u32 $0xD0000000, s2;
	s6 =	simm.s32 $0x108;
	_ =	swait.ge @!p0 [sflag:s8], $0x0  }
0x24: {  	s3 =	sadd.s32 $0x88, s3;
	s6 =	simm.s32 @!p1 $0x1082;
	[sflag:s4] =	ssyncset.s32 $0xFFFFF086  }
0x25: {  	[simem:s6], [sflag:s4] =	dma.local [hbm:s3], $0xF7A  }
0x26: {  	[smem:$0x3F95] =	sst s1;
	(tag) =	ssettag s2;
	_ =	strace s9  }
0x27: {  	s1 =	sld [smem:$0x3FA5]  }
0x28: {  	s2 =	sld [smem:$0x3FA6]  }
0x29: {  	s4 =	sld [smem:$0x3FA8]  }
0x2a: {  	p0 =	seq.s32 s5, $0x0;
	s5 =	sld [smem:$0x3FA9]  }
0x2b: {  	s6 =	sld [smem:$0x3FAA]  }
0x2c: {  	s7 =	sld [smem:$0x3FAB]  }
0x2d: {  	s3 =	simm.s32 $0x108;
	s8 =	sld [smem:$0x3FAC]  }
0x2e: {  	s3 =	simm.s32 @!p0 $0x1082;
	s9 =	sld [smem:$0x3FAD]  }
0x2f: {  	lr =	sadd.s32 s0, s3;
	s0 =	sld [smem:$0x3FA4]  }
0x30: {  	s3 =	sld [smem:$0x3FA7]  }
0x31: {  	[smem:$0x3FB0] =	sst s10  }
0x32: {  	s10 =	sld [smem:$0x3FAE];
	_ =	sdelay $0x3  }
0x33: {  	p0 =	seq.s32 s10, $0x1;
	s10 =	sld [smem:$0x3FB0];
	_ =	sdelay $0x3  }
0x34: {  	[smem:$0x3FB0] =	sst s10  }
0x35: {  	s10 =	sld [smem:$0x3FAF];
	_ =	sdelay $0x3  }
0x36: {  	p1 =	seq.s32 s10, $0x1;
	s10 =	sld [smem:$0x3FB0];
	_ =	sdelay $0x3  }
0x37: {  	[smem:$0x3FB0] =	sst s10  }
0x38: {  	s10 =	sld [smem:$0x3FB1]  }
0x39: {  	_ = 	snop;
	(pc) =	sbr.ind lr, $3  }
0x3a: {  	_ = 	snop  }
0x3b: {  	_ = 	snop  }
0x3c: {  	p2 =	seq.s32 s10, $0x1;
	s10 =	sld [smem:$0x3FB0]  }
0x3d: {  	_ =	shalt  }
0x3e: {  	_ =	shalt  }
0x3f: {  	_ =	shalt  }
0x40: {  	_ =	shalt  }
0x41: {  	_ =	shalt  }
0x42: {  	_ =	shalt  }
0x43: {  	_ =	shalt  }
0x44: {  	_ =	shalt  }
0x45: {  	_ =	shalt  }
0x46: {  	_ =	shalt  }
0x47: {  	_ =	shalt  }
0x48: {  	_ =	shalt  }
0x49: {  	_ =	shalt  }
0x4a: {  	_ =	shalt  }
0x4b: {  	_ =	shalt  }
0x4c: {  	_ =	shalt  }
0x4d: {  	_ =	shalt  }
0x4e: {  	_ =	shalt  }
0x4f: {  	_ =	shalt  }
0x50: {  	_ =	shalt  }
0x51: {  	_ =	shalt  }
0x52: {  	_ =	shalt  }
0x53: {  	_ =	shalt  }
0x54: {  	_ =	shalt  }
0x55: {  	_ =	shalt  }
0x56: {  	_ =	shalt  }
0x57: {  	_ =	shalt  }
0x58: {  	_ =	shalt  }
0x59: {  	_ =	shalt  }
0x5a: {  	_ =	shalt  }
0x5b: {  	_ =	shalt  }
0x5c: {  	_ =	shalt  }
0x5d: {  	_ =	shalt  }
0x5e: {  	_ =	shalt  }
0x5f: {  	_ =	shalt  }
0x60: {  	_ =	shalt  }
0x61: {  	_ =	shalt  }
0x62: {  	_ =	shalt  }
0x63: {  	_ =	shalt  }
0x64: {  	_ =	shalt  }
0x65: {  	_ =	shalt  }
0x66: {  	_ =	shalt  }
0x67: {  	_ =	shalt  }
0x68: {  	_ =	shalt  }
0x69: {  	_ =	shalt  }
0x6a: {  	_ =	shalt  }
0x6b: {  	_ =	shalt  }
0x6c: {  	_ =	shalt  }
0x6d: {  	_ =	shalt  }
0x6e: {  	_ =	shalt  }
0x6f: {  	_ =	shalt  }
0x70: {  	_ =	shalt  }
0x71: {  	_ =	shalt  }
0x72: {  	_ =	shalt  }
0x73: {  	_ =	shalt  }
0x74: {  	_ =	shalt  }
0x75: {  	_ =	shalt  }
0x76: {  	_ =	shalt  }
0x77: {  	_ =	shalt  }
0x78: {  	_ =	shalt  }
0x79: {  	_ =	shalt  }
0x7a: {  	_ =	shalt  }
0x7b: {  	_ =	shalt  }
0x7c: {  	_ =	shalt  }
0x7d: {  	_ =	shalt  }
0x7e: {  	_ =	shalt  }
0x7f: {  	_ =	shalt  }
0x80: {  	_ =	shalt  }
0x81: {  	_ =	shalt  }
0x82: {  	_ =	shalt  }
0x83: {  	_ =	shalt  }
0x84: {  	_ =	shalt  }
0x85: {  	_ =	shalt  }
0x86: {  	_ =	shalt  }
0x87: {  	_ =	shalt  }
.Lfunc_end0:
.L_simem_size_0:
called_computation.3_lowered:
.L_overlay_start_0:
0x88: {  	s0 =	sld [smem:$0x3FD9]  }
0x89: {  	s1 =	sld [smem:$0x3FFE];
	_ =	sdelay $0x3  }
0x8a: {  	s0 =	sadd.s32 s1, s0  }
0x8b: {  	[smem:$0x3FBC] =	sst s0  }
0x8c: {  	_ = 	snop  }
0x8d: {  	(tm) =	ssettm $0x1  }
0x8e: {  	s15 =	sld [smem:$0x3FFB];
	_ =	sdelay $0x3  }
0x8f: {  	_ =	strace s15  }
0x90: {  	s0 =	sld [smem:$0x3FFC];
	_ =	sdelay $0x3  }
0x91: {  	_ =	strace s0  }
0x92: {  	s0 =	sld [smem:$0x3FFD];
	_ =	sdelay $0x3  }
0x93: {  	_ =	strace s0  }
0x94: {  	_ =	strace $0x8FFFFFFF  }
0x95: {  	s16 =	sld [smem:$0x3FDB];
	_ =	sdelay $0x1  }
0x96: {  	s17 =	simm.s32 $_scs_section_size  }
0x97: {  	s2 =	simm.s32 $_size__tile_overlayer_lowered;
	s3 =	simm.s32 $_tile_overlayer_lowered  }
0x98: {  	s20 =	simm.s32 $0x1BFF;
	s19 =	sshll.u32 s3, $0x1;
	s0 =	sadd.s32 s17, s16  }
0x99: {  	s4 =	simm.s32 $0x0;
	s18 =	sshll.u32 s2, $0x1;
	s2 =	sadd.s32 s19, s0  }
0x9a: {  	[timem:s4], [sflag:s20] =	dma.local [hbm:s2], s18  }
0x9b: {  	_ =	swait.ge [sflag:s20], s18  }
0x9c: {  	s1 =	ssub.s32 $0x0, s18;
	[sflag:s20] =	ssyncset.done $0x0  }
0x9d: {  	[sflag:s20] =	ssyncadd.s32 s1;
	_ =	sdelay $0x1  }
0x9e: {  	s21 =	simm.s32 $0x1B8B  }
0x9f: {  	_ =	swait.ge [sflag:s21], $0x1  }
0xa0: {  	[sflag:s21] =	ssyncset.done $0x0  }
0xa1: {  	s23 =	simm.s32 $0x1B8E;
	s22 =	sld [smem:$0x3FFE];
	[sflag:s21] =	ssyncadd.s32 $0xFFFFFFFF  }
0xa2: {  	s24 =	simm.s32 $execute0_lowered;
	[smem:$0x3FD2] =	sst s23  }
0xa3: {  	s2 =	sshll.u32 s24, $0x1;
	_ =	strace $0x80000052;
	[dreg:$0x1] =	wrdreg $0xFFFFFFFF  }
0xa4: {  	s25 =	simm.s32 $_size_execute0_lowered;
	s0 =	sadd.s32 s0, s2;
	[dreg:$0x0] =	wrdreg $0x0  }
0xa5: {  	s2 =	sshll.u32 s25, $0x1;
	[dreg:$0x2] =	wrdreg s0  }
0xa6: {  	[dreg:$0x3] =	wrdreg s2  }
0xa7: {  	[dreg:$0x4] =	wrdreg $0xC0  }
0xa8: {  	_ =	task [dreg:s4], $0x5FFFF  }
0xa9: {  	[dreg:$0x1] =	wrdreg $0xFFFFFFFF  }
0xaa: {  	[dreg:$0x0] =	wrdreg $0x60  }
0xab: {  	[dreg:$0x2] =	wrdreg s22  }
0xac: {  	[dreg:$0x3] =	wrdreg $0x9  }
0xad: {  	_ =	task.clear_ibuf [dreg:s4], $0x4FFFF;
	_ =	strace $0x90000052  }
0xae: {  	s26 =	simm.s32 $0x9;
	_ =	strace $0x80000054  }
0xaf: {  	_ =	swait.ge [sflag:s26], $0x1  }
0xb0: {  	[sflag:s26] =	ssyncadd.s32 $0xFFFFFFFF  }
0xb1: {  	_ =	strace $0x90000054  }
0xb2: {  	_ =	sfence  }
0xb3: {  	s28 =	sld [smem:$0x0];
	_ =	sdelay $0x1  }
0xb4: {  	s29 =	srdreg.scid  }
0xb5: {  	s30 =	sshll.u32 s29, $0xD;
	s31 =	sshrl.u32 s29, $0x2  }
0xb6: {  	s1 =	sand.u32 $0x1, s29;
	s2 =	sand.u32 $0x4000, s30;
	s0 =	sadd.s32 s31, s28  }
0xb7: {  	s1 =	sor.u32 s2, s1;
	s0 =	sshll.u32 s0, $0x11  }
0xb8: {  	s0 =	sor.u32 s0, s1  }
0xb9: {  	s0 =	sadd.s32 $0x8F2B, s0  }
0xba: {  	[sflag:s0] =	ssyncadd.remote.s32 $0x1  }
0xbb: {  	_ =	sfence.sel $0xFFFF  }
0xbc: {  	[dreg:$0x0] =	wrdreg $0xFFFFFFFF;
	(pc) =	sbr.abs _section_cstart, $3  }
0xbd: {  	[dreg:$0x1] =	wrdreg $0xFFFFFFFF  }
0xbe: {  	_ =	task.clear_ibuf [dreg:s4], $0x2FFFF;
	_ =	strace $0x9FFFFFFF  }
0xbf: {  	(tm) =	ssettm $0x7FFFFFFF  }
tec
execute0_lowered:
.L_overlay_start_1:
0x0: {  	(tag) =	ssettag $0x1  }
0x1: {  	s0 =	rddreg [dreg:$0x0];
	_ =	strace $0x80000053;
	s1 =	simm.s32 $0x1  }
0x2: {  	s8 =	simm.s32 $0x108;
	v0 =	vimm.s32 $0x0;
	[sflag:s1] =	ssyncpa.u1 $0x0  }
0x3: {  	[tilespmem:s8+$0x70] =	vst v0  }
0x4: {  	[tilespmem:s8+$0x60] =	vst v0  }
0x5: {  	[tilespmem:s8+$0x50] =	vst v0  }
0x6: {  	[tilespmem:s8+$0x40] =	vst v0  }
0x7: {  	[tilespmem:s8+$0x30] =	vst v0  }
0x8: {  	s2 =	simm.s32 $0x40;
	s3 =	sadd.s32 $0x18D800, s0;
	[tilespmem:s8+$0x20] =	vst v0  }
0x9: {  	s1 =	sadd.s32 $0xCA200, s0;
	s4 =	sadd.s32 $0x379000, s0;
	s5 =	sadd.s32 $0x1BFE00, s0;
	[tilespmem:s8+$0x10] =	vst v0  }
.LBB2_1:
0xa: {  	s2 =	sadd.s32 $0x40, s2;
	[tilespmem:s8+$0x0] =	vst v0;
	s8 =	sadd.s32 $0x80, s8  }
0xb: {  	p0 =	slt.u32 s2, $0x3C40;
	[tilespmem:s8+$0x70] =	vst v0  }
0xc: {  	[tilespmem:s8+$0x60] =	vst v0  }
.Ltmp0:
0xd: {  	[tilespmem:s8+$0x50] =	vst v0;
	(pc) =	sbr.rel @p0 .LBB2_1-.Ltmp0, $4  }
0xe: {  	[tilespmem:s8+$0x40] =	vst v0  }
0xf: {  	[tilespmem:s8+$0x30] =	vst v0  }
0x10: {  	[tilespmem:s8+$0x20] =	vst v0  }
0x11: {  	[tilespmem:s8+$0x10] =	vst v0  }
0x12: {  	s13 =	stileid.u32  }
0x13: {  	s0 =	smul.u32 $0x1AD, s13  }
0x14: {  	s2 =	smin.u32 s13, $0xB  }
0x15: {  	s0 =	sadd.s32 s2, s0  }
0x16: {  	p0 =	slt.u32 s13, $0xB;
	s6 =	smul.u32 $0xF0, s0;
	s0 =	simm.s32 $0x19320  }
0x17: {  	s0 =	simm.s32 @!p0 $0x19230  }
0x18: {  	s0 =	sadd.s32 s0, s6  }
0x19: {  	s7 =	smin.u32 s0, $0x192D50  }
0x1a: {  	s0 =	ssub.s32 s7, s6  }
0x1b: {  	p0 =	sgt.s32 s0, $0x0  }
0x1c: {  	s0 =	simm.s32 @!p0 $0x0  }
0x1d: {  	s31 =	smulhi.u32 $0x88888889, s0  }
0x1e: {  	s30 =	simm.s32 $0x2;
	s9 =	simm.s32 $0x7;
	s10 =	simm.s32 $0x8  }
0x1f: {  	s19 =	simm.s32 $0x0;
	s15 =	simm.s32 $0xA;
	s2 =	sshrl.u32 s31, $0x7  }
0x20: {  	s17 =	simm.s32 $0x0;
	s18 =	simm.s32 $0x0;
	s11 =	smul.u32 $0xF0, s2  }
.Ltmp1:
0x21: {  	[tilespmem:s8+$0x0] =	vst v0;
	v0 =	vimm.s32 $0xFFFFFFFF;
	[sflag:s30] =	ssyncpa.u1 $0x0;
	s13 =	sshll.u32 s13, $0x8;
	(pc) =	sbr.rel .LBB2_3-.Ltmp1, $4  }
0x22: {  	[tilespmem:$0xF208] =	vst v0;
	[sflag:s9] =	ssyncpa.u1 $0x0;
	p0 =	sne.s32 s0, s11;
	s0 =	simm.s32 $0x1  }
0x23: {  	[sflag:s10] =	ssyncpa.u1 $0x0;
	s10 =	simm.s32 $0x9;
	s0 =	simm.s32 @!p0 $0x0  }
0x24: {  	[sflag:s10] =	ssyncpa.u1 $0x0;
	s16 =	smov.u32 s6;
	s12 =	sadd.s32 s0, s2  }
0x25: {  	v0 =	vlaneseq.u32;
	s11 =	simm.s32 $0x1;
	p0 =	por $0x0, $0x0;
	s14 =	sadd.s32 $0x1, s12  }
.LBB2_18:
0x26: {  	s0 =	sshrl.u32 s28, $0x2  }
.LBB2_20:
0x27: {  	_ =	swait.ge [sflag:s15], s0  }
0x28: {  	s31 =	ssub.s32 $0x0, s0;
	v1 =	vmov s21;
	vm0 =	veq.s32 v0, $0x0;
	[sflag:s15] =	ssyncset.done $0x0  }
0x29: {  	vm15 =	veq.s32 v0, $0x2;
	v1 =	vsel vm0, s26, v1;
	[sflag:s15] =	ssyncadd.s32 s31  }
0x2a: {  	v1 =	vsel vm15, s19, v1;
	[sflag:s15] =	ssyncpa.u1 $0x1  }
0x2b: {  	[tilespmem:$0xF208] =	vst v1  }
.LBB2_21:
0x2c: {  	s0 =	sadd.s32 $0xF0, s16  }
0x2d: {  	s2 =	smov.u32 s6;
	p1 =	slt.s32 s0, s7  }
0x2e: {  	s2 =	smov.u32 @p1 s0;
	p1 =	sne.s32 s18, s14  }
.Ltmp2:
0x2f: {  	_ = 	snop;
	(pc) =	sbr.rel @!p1 .LBB2_22-.Ltmp2, $3  }
0x30: {  	_ =	sdelay $0x1  }
0x31: {  	s19 =	smov.u32 s17;
	s31 =	sadd.s32 $0x1, s18;
	s17 =	smov.u32 s16  }
0x32: {  	p0 =	por !p0, !p0;
	s18 =	smov.u32 s31;
	s16 =	smov.u32 s2  }
.LBB2_3:
0x33: {  	p1 =	sge.u32 s18, s12  }
0x34: {  	s0 =	smulhi.u32 @!p1 $0xAAAAAAAB, s18  }
0x35: {  	s2 =	smov.u32 s16;
	p2 =	sgt.s32 @!p1 s16, $0x192C60  }
0x36: {  	s20 =	sshra.s32 @!p1 s16, $0x1F;
	p2 =	por !p2, p1;
	s0 =	sshrl.u32 @!p1 s0, $0x1  }
0x37: {  	s20 =	sand.u32 @!p1 s20, s16;
	s2 =	simm.s32 @p2 $0x192C60;
	s0 =	smul.u32 @!p1 $0x3, s0  }
0x38: {  	s2 =	ssub.s32 @!p1 s2, s20  }
0x39: {  	s2 =	sadd.s32 @!p1 $0xFFE6D3A0, s2;
	s0 =	ssub.s32 @!p1 s18, s0  }
0x3a: {  	s20 =	sshll.u32 @!p1 s2, $0x2;
	p2 =	sgt.s32 @!p1 s2, $0xEF;
	s0 =	smul.u32 @!p1 $0x3C0, s0  }
0x3b: {  	s21 =	sand.u32 @!p1 $0x7, s16;
	s2 =	ssub.s32 @!p1 $0x3C0, s20;
	p2 =	por !p2, p1  }
0x3c: {  	s20 =	sshrl.u32 @!p1 s16, $0x3;
	s2 =	sshrl.u32 @!p1 s2, $0x2;
	s0 =	sshrl.u32 @!p1 s0, $0x2  }
0x3d: {  	s20 =	sadd.s32 @!p1 s5, s20;
	s2 =	simm.s32 @!p2 $0x0;
	s0 =	sadd.s32 @!p1 $0x10238, s0  }
0x3e: {  	[tilespmem:s0], [sflag:$0x8] =	stream.linear.gather @!p1 [hbm4b:s20+s21], s2, $0x38;
	[tilespmem:$0x1F6E8] =	vst v63  }
0x3f: {  	s0 =	sadd.s32 $0xFFFFFFFF, s18  }
0x40: {  	p1 =	sge.u32 s0, s12  }
0x41: {  	p2 =	sgt.s32 @!p1 s17, $0x192C60  }
0x42: {  	s2 =	smov.u32 s17;
	s20 =	sshra.s32 @!p1 s17, $0x1F;
	p2 =	por !p2, p1  }
0x43: {  	s20 =	sand.u32 @!p1 s20, s17;
	s2 =	simm.s32 @p2 $0x192C60  }
0x44: {  	s2 =	ssub.s32 @!p1 s2, s20  }
0x45: {  	s2 =	sadd.s32 @!p1 $0xFFE6D3A0, s2  }
0x46: {  	s21 =	smulhi.u32 @!p1 $0xAAAAAAAB, s0;
	s22 =	sand.u32 @!p1 $0x1, s0;
	s20 =	sshll.u32 @!p1 s2, $0x2  }
0x47: {  	s24 =	smul.u32 @!p1 $0x3C0, s22;
	p2 =	sgt.s32 @!p1 s2, $0xEF;
	s2 =	ssub.s32 @!p1 $0x3C0, s20  }
0x48: {  	p2 =	por !p2, p1;
	s20 =	sshrl.u32 @!p1 s21, $0x1;
	s2 =	sshrl.u32 @!p1 s2, $0x2  }
0x49: {  	s21 =	simm.s32 @!p1 $0x8;
	s20 =	smul.u32 @!p1 $0x3, s20;
	s2 =	simm.s32 @!p2 $0x0  }
0x4a: {  	s22 =	smul.u32 @!p1 $0x1E000, s22;
	_ =	swait.ge @!p1 [sflag:s21], s2;
	s23 =	ssub.s32 @!p1 $0x0, s2  }
0x4b: {  	s0 =	ssub.s32 @!p1 s0, s20;
	s20 =	sshrl.u32 @!p1 s17, $0x3;
	[sflag:s21] =	ssyncset.done @!p1 $0x0  }
0x4c: {  	s20 =	sadd.s32 @!p1 s3, s20;
	[sflag:s21] =	ssyncadd.s32 @!p1 s23;
	s21 =	sshrl.u32 @!p1 s24, $0x2  }
0x4d: {  	s0 =	smul.u32 @!p1 $0x3C0, s0;
	s23 =	sand.u32 @!p1 $0x7, s17;
	s21 =	sor.u32 @!p1 $0x10508, s21  }
0x4e: {  	[tilespmem:s21], [sflag:$0x9] =	stream.linear.gather @!p1 [hbm4b:s20+s23], s2, $0x38;
	[tilespmem:$0x1F6E8] =	vst v63  }
0x4f: {  	s0 =	sshrl.u32 @!p1 s0, $0x2;
	s2 =	sshrl.u32 @!p1 s22, $0x2  }
0x50: {  	s0 =	sadd.s32 @!p1 $0x10238, s0;
	s20 =	simm.s32 @!p1 $0xF0;
	s2 =	sor.u32 @!p1 $0x106E8, s2  }
0x51: {  	[tilespmem:s2], [sflag:$0x7] =	stream.indirect.gather @!p1 [hbm4b:s4+s20], $0x80, s0, s20, $0xb8;
	[tilespmem:$0x1F6E8] =	vst v63  }
0x52: {  	p1 =	slt.u32 s18, $0x2  }
.Ltmp3:
0x53: {  	_ = 	snop;
	(pc) =	sbr.rel @p1 .LBB2_21-.Ltmp3, $1  }
0x54: {  	_ =	sdelay $0x3  }
0x55: {  	p1 =	sgt.s32 s19, $0x192C60;
	s0 =	smov.u32 s19;
	s2 =	sshra.s32 s19, $0x1F  }
0x56: {  	s0 =	simm.s32 @!p1 $0x192C60;
	s2 =	sand.u32 s2, s19  }
0x57: {  	s0 =	ssub.s32 s0, s2  }
0x58: {  	s0 =	sadd.s32 $0xFFE6D3A0, s0  }
0x59: {  	s30 =	sshll.u32 s0, $0x2  }
0x5a: {  	_ =	swait.ge [sflag:s9], $0x7800;
	s2 =	ssub.s32 $0x3C0, s30  }
0x5b: {  	[sflag:s9] =	ssyncset.done $0x0;
	p1 =	sgt.s32 s0, $0xEF;
	s0 =	sshrl.u32 s2, $0x2  }
0x5c: {  	[sflag:s9] =	ssyncadd.s32 $0xFFFF8800;
	s0 =	simm.s32 @p1 $0x0  }
0x5d: {  	_ =	swait.ge [sflag:s10], s0  }
0x5e: {  	s0 =	ssub.s32 $0x0, s0;
	[sflag:s10] =	ssyncset.done $0x0  }
0x5f: {  	[sflag:s10] =	ssyncadd.s32 s0  }
0x60: {  	v1 =	vld [tilespmem:$0xF208];
	_ =	sdelay $0x4  }
0x61: {  	(v2sf) =	vpush v1, $0x0  }
0x62: {  	(v2sf) =	vpush v1, $0x1  }
0x63: {  	(v2sf) =	vpush v1, $0x2;
	_ =	sdelay $0x3  }
0x64: {  	s0 =	sadd.s32 $0xF0, s19  }
0x65: {  	s2 =	ssub.s32 $0x192D50, s19;
	p1 =	slt.s32 s7, s0  }
0x66: {  	s0 =	smov.u32 @p1 s7;
	p1 =	sgt.s32 s2, $0x0  }
0x67: {  	s23 =	ssub.s32 s0, s19;
	s2 =	simm.s32 @!p1 $0x0  }
0x68: {  	p1 =	slt.s32 s2, s23  }
0x69: {  	s23 =	smov.u32 @p1 s2  }
0x6a: {  	s22 =	simm.s32 $0x1;
	p1 =	slt.s32 s23, $0x1  }
.Ltmp4:
0x6b: {  	s22 =	simm.s32 @!p0 $0x0;
	(pc) =	sbr.rel @p1 .LBB2_8-.Ltmp4, $4  }
0x6c: {  	s31 =	smul.u32 $0x3C0, s22  }
0x6d: {  	s24 =	spop (v2sf)  }
0x6e: {  	s0 =	sshrl.u32 s31, $0x2;
	s26 =	spop (v2sf)  }
0x6f: {  	s20 =	sor.u32 $0x10508, s0;
	s19 =	spop (v2sf)  }
0x70: {  	s0 =	smin.u32 s23, $0x10  }
0x71: {  	v1 =	vmov s0  }
0x72: {  	p2 =	sgt.s32 s23, $0x10;
	vm1 =	vgt.u32 v1, v0  }
.Ltmp5:
0x73: {  	_ = 	snop;
	(pc) =	sbr.rel @!p2 .LBB2_7-.Ltmp5, $2  }
0x74: {  	_ =	sdelay $0x2  }
0x75: {  	s25 =	simm.s32 $0x10;
	s28 =	sadd.s32 $0xFFFFFFF0, s23;
	s21 =	smov.u32 s20;
	vm0 =	vmmov vm1  }
.LBB2_6:
0x76: {  	s0 =	smin.u32 s28, $0x10;
	s25 =	sadd.s32 $0x10, s25;
	v1 =	vld.msk [tilespmem:s21+$0x0 ss:$0x1], vm1  }
0x77: {  	v2 =	vmov s0;
	p2 =	slt.s32 s25, s23  }
0x78: {  	vm1 =	vgt.u32 v2, v0  }
.Ltmp6:
0x79: {  	(pc) =	sbr.rel @p2 .LBB2_6-.Ltmp6, $3  }
0x7a: {  	_ =	sdelay $0x1  }
0x7b: {  	v1 =	vshll.u32 v1, $0x4  }
0x7c: {  	s28 =	sadd.s32 $0xFFFFFFF0, s28;
	[tilespmem:s21+$0x0] =	vst.msk vm0, v1;
	s21 =	sadd.s32 $0x10, s21;
	vm0 =	vmmov vm1  }
.LBB2_7:
0x7d: {  	_ =	sdelay $0x4  }
0x7e: {  	v1 =	vld.msk [tilespmem:s21+$0x0 ss:$0x1], vm1;
	_ =	sdelay $0x4  }
0x7f: {  	v1 =	vshll.u32 v1, $0x4  }
0x80: {  	[tilespmem:s21+$0x0] =	vst.msk vm0, v1  }
.LBB2_8:
0x81: {  	s0 =	sand.u32 $0x1, s18  }
0x82: {  	s0 =	smul.u32 $0xF0, s0  }
0x83: {  	p2 =	sne.s32 s26, $0xFFFFFFFF  }
0x84: {  	v1 =	vld.msk @!p2 [tilespmem:s0+$0x10508], $0x1;
	_ =	sdelay $0x4  }
0x85: {  	(v2sf) =	vpush @!p2 v1, $0x0;
	_ =	sdelay $0xc  }
.Ltmp7:
0x86: {  	_ = 	snop;
	(pc) =	sbr.rel @p1 .LBB2_19-.Ltmp7, $4  }
0x87: {  	_ = 	snop  }
0x88: {  	s25 =	spop @!p2 (v2sf)  }
0x89: {  	s19 =	simm.s32 @!p2 $0x0;
	s21 =	smov.u32 s25  }
0x8a: {  	[sflag:s15] =	ssyncpa.u1 $0x0;
	s25 =	smov.u32 @p2 s24;
	s21 =	smov.u32 @p2 s26  }
0x8b: {  	v1 =	vld.msk [tilespmem:s20+$0x0], $0x1;
	_ =	sdelay $0x4  }
0x8c: {  	(v2sf) =	vpush v1, $0x0;
	_ =	sdelay $0xe  }
0x8d: {  	s0 =	smul.u32 $0x1E000, s22;
	s29 =	spop (v2sf)  }
0x8e: {  	s23 =	ssub.s32 $0x0, s23;
	p1 =	seq.s32 s25, s29  }
0x8f: {  	s26 =	sadd.s32 $0x1, s23;
	s0 =	sshrl.u32 s0, $0x2;
	p2 =	sgt.s32 @!p1 s25, $0x0  }
0x90: {  	s22 =	sor.u32 $0x10728, s0;
	s0 =	smov.u32 s25;
	p2 =	por !p2, p1  }
0x91: {  	s0 =	simm.s32 @p2 $0x0;
	p2 =	seq.s32 s26, $0x0  }
.Ltmp8:
0x92: {  	_ = 	snop;
	(pc) =	sbr.rel @p2 .LBB2_11-.Ltmp8, $4  }
0x93: {  	_ = 	snop  }
0x94: {  	s24 =	simm.s32 $0x0;
	s28 =	sadd.s32 $0x1, s20;
	s0 =	smin.u32 @!p1 s0, $0xC34F0  }
0x95: {  	s30 =	simm.s32 @!p1 $0x1;
	s31 =	simm.s32 @!p1 $0x7988;
	s2 =	sand.u32 @!p1 $0xFFFF8, s0  }
0x96: {  	s30 =	smov.u32 @p1 s24;
	s0 =	sand.u32 @!p1 $0x7, s0;
	s2 =	sadd.s32 @!p1 s1, s2  }
.LBB2_10:
0x97: {  	s8 =	smov.u32 s30  }
0x98: {  	[tilespmem:s31], [sflag:$0x2] =	stream.linear.gather @!p1 [hbm4b:s2+s0], $0x80, $0x38;
	[tilespmem:$0x1F6E8] =	vst v63  }
0x99: {  	s26 =	sadd.s32 $0x1, s26;
	s0 =	smov.u32 s29;
	v1 =	vld.msk [tilespmem:s28+$0x0], $0x1  }
0x9a: {  	p2 =	seq.s32 s26, $0x0;
	_ =	sdelay $0x3  }
0x9b: {  	(v2sf) =	vpush v1, $0x0;
	_ =	sdelay $0xe  }
0x9c: {  	s29 =	spop (v2sf)  }
0x9d: {  	p1 =	seq.s32 s0, s29  }
0x9e: {  	p3 =	sgt.s32 @!p1 s0, $0x0;
	s2 =	sshll.u32 @!p1 s30, $0x9;
	s30 =	sadd.s32 @!p1 $0x1, s30  }
.Ltmp9:
0x9f: {  	p3 =	por !p3, p1;
	s2 =	sshra.s32 @!p1 s2, $0x2;
	(pc) =	sbr.rel @!p2 .LBB2_10-.Ltmp9, $4  }
0xa0: {  	s30 =	smov.u32 @p1 s8;
	s0 =	simm.s32 @p3 $0x0;
	s31 =	sadd.s32 @!p1 $0x7988, s2  }
0xa1: {  	s0 =	smin.u32 @!p1 s0, $0xC34F0  }
0xa2: {  	s2 =	sand.u32 @!p1 $0xFFFF8, s0;
	s0 =	sand.u32 @!p1 $0x7, s0  }
0xa3: {  	s28 =	sadd.s32 $0x1, s28;
	s2 =	sadd.s32 @!p1 s1, s2  }
.LBB2_11:
0xa4: {  	[tilespmem:s31], [sflag:$0x2] =	stream.linear.gather @!p1 [hbm4b:s2+s0], $0x80, $0x38;
	[tilespmem:$0x1F6E8] =	vst v63  }
.Ltmp10:
0xa5: {  	s30 =	sshll.u32 s30, $0x7;
	(pc) =	sbr.rel .LBB2_12-.Ltmp10, $4  }
0xa6: {  	s31 =	simm.s32 $0x2;
	s0 =	sand.u32 $0x3FFFFF80, s30  }
0xa7: {  	_ =	swait.ge [sflag:s31], s0  }
0xa8: {  	s0 =	ssub.s32 $0x0, s0;
	[sflag:s31] =	ssyncset.done $0x0  }
0xa9: {  	s28 =	simm.s32 $0x0;
	[sflag:s31] =	ssyncadd.s32 s0  }
.LBB2_13:
0xaa: {  	v1 =	vld [tilespmem:s22+$0xFFFFFFC0];
	_ =	sdelay $0x3  }
0xab: {  	s0 =	sshra.s32 s0, $0x2  }
0xac: {  	[tilespmem:s0+$0x108] =	vst.add.f32.msk $0xffff, v1  }
0xad: {  	v1 =	vld [tilespmem:s22+$0xFFFFFFD0];
	_ =	sdelay $0x4  }
0xae: {  	[tilespmem:s0+$0x118] =	vst.add.f32.msk $0xffff, v1  }
0xaf: {  	v1 =	vld [tilespmem:s22+$0xFFFFFFE0];
	_ =	sdelay $0x4  }
0xb0: {  	[tilespmem:s0+$0x128] =	vst.add.f32.msk $0xffff, v1  }
0xb1: {  	v1 =	vld [tilespmem:s22+$0xFFFFFFF0];
	_ =	sdelay $0x4  }
0xb2: {  	[tilespmem:s0+$0x138] =	vst.add.f32.msk $0xffff, v1  }
0xb3: {  	v1 =	vld [tilespmem:s22+$0x0];
	_ =	sdelay $0x4  }
0xb4: {  	[tilespmem:s0+$0x148] =	vst.add.f32.msk $0xffff, v1  }
0xb5: {  	v1 =	vld [tilespmem:s22+$0x10];
	_ =	sdelay $0x4  }
0xb6: {  	[tilespmem:s0+$0x158] =	vst.add.f32.msk $0xffff, v1  }
0xb7: {  	v1 =	vld [tilespmem:s22+$0x20];
	_ =	sdelay $0x4  }
0xb8: {  	[tilespmem:s0+$0x168] =	vst.add.f32.msk $0xffff, v1  }
0xb9: {  	v1 =	vld [tilespmem:s22+$0x30];
	_ =	sdelay $0x4  }
0xba: {  	[tilespmem:s0+$0x178] =	vst.add.f32.msk $0xffff, v1  }
.LBB2_17:
0xbb: {  	s23 =	sadd.s32 $0x1, s23  }
0xbc: {  	p1 =	seq.s32 s23, $0x0  }
.Ltmp11:
0xbd: {  	_ = 	snop;
	(pc) =	sbr.rel @p1 .LBB2_18-.Ltmp11, $2  }
0xbe: {  	_ =	sdelay $0x2  }
0xbf: {  	s20 =	sadd.s32 $0x1, s20;
	s22 =	sadd.s32 $0x80, s22;
	s25 =	smov.u32 s26  }
.LBB2_12:
0xc0: {  	v1 =	vld.msk [tilespmem:s20+$0x0], $0x1;
	_ =	sdelay $0x4  }
0xc1: {  	(v2sf) =	vpush v1, $0x0;
	_ =	sdelay $0xe  }
0xc2: {  	s26 =	spop (v2sf)  }
0xc3: {  	p1 =	sne.s32 s25, s26  }
.Ltmp12:
0xc4: {  	_ = 	snop;
	(pc) =	sbr.rel @!p1 .LBB2_13-.Ltmp12, $2  }
0xc5: {  	_ =	sdelay $0x2  }
0xc6: {  	s0 =	sshll.u32 s19, $0x9  }
0xc7: {  	p1 =	seq.s32 s25, s21  }
.Ltmp13:
0xc8: {  	_ = 	snop;
	(pc) =	sbr.rel @!p1 .LBB2_15-.Ltmp13, $1  }
0xc9: {  	_ =	sdelay $0x3  }
0xca: {  	s0 =	sshra.s32 s0, $0x2  }
.Ltmp14:
0xcb: {  	s0 =	sadd.s32 $0x108, s0;
	(pc) =	sbr.rel .LBB2_16-.Ltmp14, $4  }
0xcc: {  	[spmem:s13] =	stream.linear.scatter [tilespmem:s0], [sflag:$0x1], $0x80, $0x38;
	[tilespmem:$0x1F6E8] =	vst v63  }
0xcd: {  	_ =	swait.ge [sflag:s11], $0x80  }
0xce: {  	[sflag:s11] =	ssyncset.done $0x0  }
0xcf: {  	[sflag:s11] =	ssyncadd.s32 $0xFFFFFF80  }
.LBB2_15:
0xd0: {  	s2 =	sshll.u32 s24, $0x9  }
0xd1: {  	s2 =	sshra.s32 s2, $0x2  }
0xd2: {  	v1 =	vld [tilespmem:s2+$0x7988];
	_ =	sdelay $0x3  }
0xd3: {  	s0 =	sshra.s32 s0, $0x2  }
0xd4: {  	[tilespmem:s0+$0x108] =	vst.add.f32.msk $0xffff, v1  }
0xd5: {  	v1 =	vld [tilespmem:s2+$0x7998];
	_ =	sdelay $0x4  }
0xd6: {  	[tilespmem:s0+$0x118] =	vst.add.f32.msk $0xffff, v1  }
0xd7: {  	v1 =	vld [tilespmem:s2+$0x79A8];
	_ =	sdelay $0x4  }
0xd8: {  	[tilespmem:s0+$0x128] =	vst.add.f32.msk $0xffff, v1  }
0xd9: {  	v1 =	vld [tilespmem:s2+$0x79B8];
	_ =	sdelay $0x4  }
0xda: {  	[tilespmem:s0+$0x138] =	vst.add.f32.msk $0xffff, v1  }
0xdb: {  	v1 =	vld [tilespmem:s2+$0x79C8];
	_ =	sdelay $0x4  }
0xdc: {  	[tilespmem:s0+$0x148] =	vst.add.f32.msk $0xffff, v1  }
0xdd: {  	v1 =	vld [tilespmem:s2+$0x79D8];
	_ =	sdelay $0x4  }
0xde: {  	[tilespmem:s0+$0x158] =	vst.add.f32.msk $0xffff, v1  }
0xdf: {  	v1 =	vld [tilespmem:s2+$0x79E8];
	_ =	sdelay $0x4  }
0xe0: {  	[tilespmem:s0+$0x168] =	vst.add.f32.msk $0xffff, v1  }
0xe1: {  	v1 =	vld [tilespmem:s2+$0x79F8];
	_ =	sdelay $0x2  }
0xe2: {  	p1 =	sgt.u32 s25, $0xC34F0  }
0xe3: {  	s2 =	sand.u32 @!p1 $0xFFFF8, s25  }
0xe4: {  	s8 =	sadd.s32 $0x108, s0;
	[tilespmem:s0+$0x178] =	vst.add.f32.msk $0xffff, v1;
	s0 =	sadd.s32 @!p1 s1, s2;
	s2 =	sand.u32 @!p1 $0x7, s25  }
0xe5: {  	[hbm4b:s0+s2] =	stream.linear.scatter @!p1 [tilespmem:s8], [sflag:$0xA], $0x80, $0x38;
	[tilespmem:$0x1F6E8] =	vst v63  }
0xe6: {  	s0 =	simm.s32 $0x0  }
0xe7: {  	s0 =	simm.s32 @!p1 $0x200  }
0xe8: {  	s28 =	sadd.s32 s0, s28  }
.LBB2_16:
0xe9: {  	s0 =	sadd.s32 $0x1, s19  }
0xea: {  	s2 =	smulhi.u32 $0x88888889, s0;
	_ =	sdelay $0x1  }
0xeb: {  	v1 =	vld [tilespmem:s22+$0xFFFFFFC0];
	s2 =	sshrl.u32 s2, $0x7  }
0xec: {  	s2 =	smul.u32 $0xF0, s2;
	_ =	sdelay $0x1  }
0xed: {  	s19 =	ssub.s32 s0, s2  }
0xee: {  	s0 =	sshll.u32 s19, $0x7  }
0xef: {  	[tilespmem:s0+$0x108] =	vst v1  }
0xf0: {  	v1 =	vld [tilespmem:s22+$0xFFFFFFD0];
	_ =	sdelay $0x4  }
0xf1: {  	[tilespmem:s0+$0x118] =	vst v1  }
0xf2: {  	v1 =	vld [tilespmem:s22+$0xFFFFFFE0];
	_ =	sdelay $0x4  }
0xf3: {  	[tilespmem:s0+$0x128] =	vst v1  }
0xf4: {  	v1 =	vld [tilespmem:s22+$0xFFFFFFF0];
	_ =	sdelay $0x4  }
0xf5: {  	[tilespmem:s0+$0x138] =	vst v1  }
0xf6: {  	v1 =	vld [tilespmem:s22+$0x0];
	_ =	sdelay $0x4  }
0xf7: {  	[tilespmem:s0+$0x148] =	vst v1  }
0xf8: {  	v1 =	vld [tilespmem:s22+$0x10];
	_ =	sdelay $0x4  }
0xf9: {  	[tilespmem:s0+$0x158] =	vst v1  }
0xfa: {  	v1 =	vld [tilespmem:s22+$0x20];
	_ =	sdelay $0x4  }
0xfb: {  	[tilespmem:s0+$0x168] =	vst v1  }
0xfc: {  	v1 =	vld [tilespmem:s22+$0x30]  }
.Ltmp15:
0xfd: {  	_ = 	snop;
	(pc) =	sbr.rel .LBB2_17-.Ltmp15, $2  }
0xfe: {  	_ =	sdelay $0x2  }
0xff: {  	s24 =	sadd.s32 $0x1, s24;
	[tilespmem:s0+$0x178] =	vst v1  }
.LBB2_19:
.Ltmp16:
0x100: {  	(pc) =	sbr.rel .LBB2_20-.Ltmp16, $4  }
0x101: {  	_ = 	snop  }
0x102: {  	s0 =	simm.s32 $0x2  }
0x103: {  	_ =	swait.ge [sflag:s0], $0x0  }
0x104: {  	s26 =	smov.u32 s25;
	[sflag:s0] =	ssyncset.done $0x0;
	s0 =	simm.s32 $0x0  }
.LBB2_22:
0x105: {  	_ =	sfence.sel $0x180000  }
0x106: {  	s0 =	simm.s32 $0x7;
	[bflag:$0x0] =	sbarrier.arrive $0xFFFF  }
0x107: {  	s25 =	simm.s32 $0x8;
	[sflag:s0] =	ssyncpa.u1 $0x1  }
0x108: {  	s26 =	simm.s32 $0x9;
	[sflag:s25] =	ssyncpa.u1 $0x1  }
0x109: {  	s28 =	simm.s32 $0x2;
	[sflag:s26] =	ssyncpa.u1 $0x1  }
0x10a: {  	[sflag:s28] =	ssyncpa.u1 $0x1  }
0x10b: {  	v0 =	vld [tilespmem:$0xF208];
	_ =	sdelay $0x4  }
0x10c: {  	(v2sf) =	vpush v0, $0x0  }
0x10d: {  	(v2sf) =	vpush v0, $0x1;
	_ =	sdelay $0x1  }
0x10e: {  	(v2sf) =	vpush v0, $0x2;
	_ =	sdelay $0xb  }
0x10f: {  	s0 =	spop (v2sf)  }
0x110: {  	s2 =	spop (v2sf)  }
0x111: {  	s3 =	smov.u32 s0;
	p0 =	sne.s32 s0, s2  }
0x112: {  	s4 =	spop (v2sf);
	s3 =	simm.s32 @!p0 $0xFFFFFFFF  }
0x113: {  	v2 =	vimm.s32 $0x1;
	v3 =	vlaneseq.u32;
	p0 =	seq.s32 s4, $0xFFFFFFFF;
	v1 =	vmov s3  }
0x114: {  	s7 =	stileid.u32;
	v0 =	vperm.xlane v0, v2;
	p1 =	sne.s32 @!p0 s0, s2;
	v1 =	vperm.xlane v1, v3  }
0x115: {  	vm0 =	vcmask $0x3F04;
	s6 =	simm.s32 $0xF208;
	s0 =	simm.s32 @!p0 $0x1;
	p1 =	por !p1, p0  }
0x116: {  	s3 =	sshll.u32 s7, $0x1;
	s2 =	sshll.u32 @!p0 s4, $0x9;
	s0 =	simm.s32 @p1 $0x0;
	v0 =	vsel vm0, v1, v0  }
0x117: {  	s5 =	sor.u32 $0x1000, s3;
	s2 =	sshra.s32 @!p0 s2, $0x2;
	s0 =	sor.u32 @!p0 s0, s3;
	[tilespmem:$0xF208] =	vst v0  }
0x118: {  	[spmem:s5] =	stream.linear.scatter [tilespmem:s6], [sflag:$0x1], $0x2, $0x38;
	[tilespmem:$0x1F6E8] =	vst v63  }
0x119: {  	s2 =	sadd.s32 @!p0 $0x108, s2;
	s0 =	sshll.u32 @!p0 s0, $0x7  }
0x11a: {  	[spmem:s0] =	stream.linear.scatter @!p0 [tilespmem:s2], [sflag:$0x1], $0x80, $0x38;
	[tilespmem:$0x1F6E8] =	vst v63  }
0x11b: {  	s0 =	simm.s32 @!p0 $0x82  }
0x11c: {  	s3 =	simm.s32 $0x1;
	s0 =	simm.s32 @p0 $0x2  }
0x11d: {  	_ =	swait.ge [sflag:s3], s0  }
0x11e: {  	s0 =	ssub.s32 $0x0, s0;
	[sflag:s3] =	ssyncset.done $0x0  }
0x11f: {  	[sflag:s3] =	ssyncadd.s32 s0  }
0x120: {  	_ =	sfence.stream.spmem  }
0x121: {  	s29 =	simm.s32 $0x3;
	[bflag:$0x0] =	sbarrier.arrive $0xFFFF  }
0x122: {  	s30 =	simm.s32 $0x4;
	[sflag:s29] =	ssyncpa.u1 $0x1  }
0x123: {  	s31 =	simm.s32 $0x3C;
	[sflag:s30] =	ssyncpa.u1 $0x1  }
0x124: {  	p0 =	sne.s32 s7, $0x0;
	[sflag:s31] =	ssyncpa.u1 $0x1  }
0x125: {  	_ =	sfence @p0  }
0x126: {  	[sflag:s3] =	ssyncpa.u1 @p0 $0x1  }
0x127: {  	_ =	strace @p0 $0x90000053  }
0x128: {  	[bflag:$0x2] =	sbarrier.arrive @p0 $0xFFFF  }
0x129: {  	_ =	shalt @p0  }
.LBB2_23:
0x12a: {  	_ =	sfence.stream.spmem;
	s0 =	simm.s32 $0x5  }
0x12b: {  	s2 =	simm.s32 $0x1000;
	s3 =	simm.s32 $0xF218;
	[sflag:s0] =	ssyncpa.u1 $0x0  }
0x12c: {  	[tilespmem:s3], [sflag:$0x5] =	stream.linear.gather [spmem:s2], $0x20, $0x38;
	[tilespmem:$0x1F6E8] =	vst v63  }
0x12d: {  	s30 =	simm.s32 $0xF238;
	s2 =	simm.s32 $0x0  }
0x12e: {  	[tilespmem:s30], [sflag:$0x5] =	stream.linear.gather [spmem:s2], $0x1000, $0x38;
	[tilespmem:$0x1F6E8] =	vst v63  }
.Ltmp17:
0x12f: {  	_ = 	snop;
	(pc) =	sbr.rel .LBB2_24-.Ltmp17, $4  }
0x130: {  	_ =	swait.ge [sflag:s0], $0x1020  }
0x131: {  	[sflag:s0] =	ssyncset.done $0x0  }
0x132: {  	s31 =	simm.s32 $0x6;
	[sflag:s0] =	ssyncadd.s32 $0xFFFFEFE0  }
0x133: {  	s3 =	simm.s32 $0x0;
	[sflag:s31] =	ssyncpa.u1 $0x0  }
.LBB2_30:
0x134: {  	p0 =	slt.u32 s4, $0xC34F1  }
0x135: {  	s0 =	sand.u32 @p0 $0xFFFF8, s4  }
0x136: {  	s4 =	sand.u32 @p0 $0x7, s4;
	s5 =	simm.s32 @p0 $0xF188;
	s0 =	sadd.s32 @p0 s1, s0  }
0x137: {  	[tilespmem:s5], [sflag:$0x6] =	stream.linear.gather @p0 [hbm4b:s0+s4], $0x80, $0x38;
	[tilespmem:$0x1F6E8] =	vst v63  }
0x138: {  	s0 =	simm.s32 @p0 $0x6  }
0x139: {  	_ =	swait.ge @p0 [sflag:s0], $0x80  }
0x13a: {  	[sflag:s0] =	ssyncset.done @p0 $0x0  }
0x13b: {  	[sflag:s0] =	ssyncadd.s32 @p0 $0xFFFFFF80  }
0x13c: {  	v1 =	vld @p0 [tilespmem:$0xF188];
	_ =	sdelay $0x2  }
0x13d: {  	s0 =	sshll.u32 @p0 s3, $0x9  }
0x13e: {  	s4 =	sshrl.u32 @p0 s0, $0x2  }
0x13f: {  	[tilespmem:s4+$0xF238] =	vst.add.f32.msk @p0 $0xffff, v1  }
0x140: {  	v1 =	vld @p0 [tilespmem:$0xF198];
	_ =	sdelay $0x4  }
0x141: {  	[tilespmem:s4+$0xF248] =	vst.add.f32.msk @p0 $0xffff, v1  }
0x142: {  	v1 =	vld @p0 [tilespmem:$0xF1A8];
	_ =	sdelay $0x4  }
0x143: {  	[tilespmem:s4+$0xF258] =	vst.add.f32.msk @p0 $0xffff, v1  }
0x144: {  	v1 =	vld @p0 [tilespmem:$0xF1B8];
	_ =	sdelay $0x4  }
0x145: {  	[tilespmem:s4+$0xF268] =	vst.add.f32.msk @p0 $0xffff, v1  }
0x146: {  	v1 =	vld @p0 [tilespmem:$0xF1C8];
	_ =	sdelay $0x4  }
0x147: {  	[tilespmem:s4+$0xF278] =	vst.add.f32.msk @p0 $0xffff, v1  }
0x148: {  	v1 =	vld @p0 [tilespmem:$0xF1D8];
	_ =	sdelay $0x4  }
0x149: {  	[tilespmem:s4+$0xF288] =	vst.add.f32.msk @p0 $0xffff, v1  }
0x14a: {  	v1 =	vld @p0 [tilespmem:$0xF1E8];
	_ =	sdelay $0x4  }
0x14b: {  	[tilespmem:s4+$0xF298] =	vst.add.f32.msk @p0 $0xffff, v1  }
0x14c: {  	v1 =	vld @p0 [tilespmem:$0xF1F8];
	_ =	sdelay $0x3  }
0x14d: {  	s5 =	sshll.u32 @!p0 s3, $0x9  }
0x14e: {  	s5 =	smov.u32 @p0 s0;
	[tilespmem:s4+$0xF2A8] =	vst.add.f32.msk @p0 $0xffff, v1  }
0x14f: {  	s0 =	sshrl.u32 s5, $0x2;
	[tilespmem:s2+$0xF218] =	vst.msk $0x1, v0  }
0x150: {  	v0 =	vld [tilespmem:s0+$0xF238];
	_ =	sdelay $0x2  }
0x151: {  	s31 =	sshll.u32 s2, $0x9  }
0x152: {  	s4 =	sshra.s32 s31, $0x2  }
0x153: {  	[tilespmem:s4+$0xF238] =	vst v0  }
0x154: {  	v0 =	vld [tilespmem:s0+$0xF248];
	_ =	sdelay $0x4  }
0x155: {  	[tilespmem:s4+$0xF248] =	vst v0  }
0x156: {  	v0 =	vld [tilespmem:s0+$0xF258];
	_ =	sdelay $0x4  }
0x157: {  	[tilespmem:s4+$0xF258] =	vst v0  }
0x158: {  	v0 =	vld [tilespmem:s0+$0xF268];
	_ =	sdelay $0x4  }
0x159: {  	[tilespmem:s4+$0xF268] =	vst v0  }
0x15a: {  	v0 =	vld [tilespmem:s0+$0xF278];
	_ =	sdelay $0x4  }
0x15b: {  	[tilespmem:s4+$0xF278] =	vst v0  }
0x15c: {  	v0 =	vld [tilespmem:s0+$0xF288];
	_ =	sdelay $0x4  }
0x15d: {  	[tilespmem:s4+$0xF288] =	vst v0  }
0x15e: {  	v0 =	vld [tilespmem:s0+$0xF298];
	_ =	sdelay $0x4  }
0x15f: {  	[tilespmem:s4+$0xF298] =	vst v0  }
0x160: {  	v0 =	vld [tilespmem:s0+$0xF2A8];
	_ =	sdelay $0x4  }
0x161: {  	s2 =	sadd.s32 $0x1, s2;
	[tilespmem:s4+$0xF2A8] =	vst v0  }
.LBB2_31:
0x162: {  	s3 =	sadd.s32 $0x1, s3  }
0x163: {  	p0 =	sne.s32 s3, $0x20  }
.Ltmp18:
0x164: {  	_ = 	snop;
	(pc) =	sbr.rel @!p0 .LBB2_32-.Ltmp18, $1  }
0x165: {  	_ =	sdelay $0x3  }
.LBB2_24:
0x166: {  	v0 =	vld.msk [tilespmem:s3+$0xF218], $0x1;
	_ =	sdelay $0x4  }
0x167: {  	(v2sf) =	vpush v0, $0x0;
	_ =	sdelay $0xe  }
0x168: {  	s4 =	spop (v2sf)  }
0x169: {  	p0 =	seq.s32 s4, $0xFFFFFFFF  }
.Ltmp19:
0x16a: {  	_ = 	snop;
	(pc) =	sbr.rel @p0 .LBB2_31-.Ltmp19, $1  }
0x16b: {  	_ =	sdelay $0x3  }
0x16c: {  	p0 =	slt.s32 s2, $0x1  }
.Ltmp20:
0x16d: {  	_ = 	snop;
	(pc) =	sbr.rel @p0 .LBB2_30-.Ltmp20, $1  }
0x16e: {  	_ =	sdelay $0x3  }
0x16f: {  	s5 =	simm.s32 $0xF218;
	p0 =	por $0x0, $0x0  }
0x170: {  	v1 =	vld.msk @!p0 [tilespmem:s5+$0x0], $0x1;
	_ =	sdelay $0x4  }
0x171: {  	(v2sf) =	vpush @!p0 v1, $0x0;
	_ =	sdelay $0xd  }
0x172: {  	p2 =	sne.s32 s2, $0x1  }
.Ltmp21:
0x173: {  	s0 =	spop @!p0 (v2sf);
	(pc) =	sbr.rel @!p2 .LBB2_28-.Ltmp21, $4  }
0x174: {  	p1 =	seq.s32 @!p0 s4, s0  }
0x175: {  	s6 =	simm.s32 $0x0;
	p1 =	por !p1, p0  }
0x176: {  	s0 =	simm.s32 $0xFFFFFFFF;
	s6 =	simm.s32 @p1 $0xFFFFFFFF  }
0x177: {  	s7 =	simm.s32 $0x1;
	s6 =	smov.u32 @p0 s0  }
.LBB2_27:
0x178: {  	s0 =	smov.u32 s6;
	p0 =	sne.s32 s6, $0xFFFFFFFF  }
0x179: {  	s5 =	sadd.s32 $0x1, s5;
	s6 =	smov.u32 s7;
	s7 =	sadd.s32 $0x1, s7  }
0x17a: {  	p1 =	sne.s32 s2, s7;
	v1 =	vld.msk @!p0 [tilespmem:s5+$0x0], $0x1;
	_ =	sdelay $0x4  }
0x17b: {  	(v2sf) =	vpush @!p0 v1, $0x0;
	_ =	sdelay $0xe  }
.Ltmp22:
0x17c: {  	s8 =	spop @!p0 (v2sf);
	(pc) =	sbr.rel @p1 .LBB2_27-.Ltmp22, $4  }
0x17d: {  	p2 =	seq.s32 @!p0 s4, s8  }
0x17e: {  	p2 =	por !p2, p0  }
0x17f: {  	s6 =	simm.s32 @p2 $0xFFFFFFFF  }
0x180: {  	s6 =	smov.u32 @p0 s0  }
.LBB2_28:
0x181: {  	p0 =	seq.s32 s6, $0xFFFFFFFF  }
.Ltmp23:
0x182: {  	_ = 	snop;
	(pc) =	sbr.rel @p0 .LBB2_30-.Ltmp23, $1  }
0x183: {  	_ =	sdelay $0x3  }
0x184: {  	s0 =	sshll.u32 s3, $0x7  }
0x185: {  	s0 =	sand.u32 $0x3FFFFF80, s0  }
0x186: {  	v0 =	vld [tilespmem:s0+$0xF238];
	_ =	sdelay $0x2  }
0x187: {  	s4 =	sshll.u32 s6, $0x9  }
0x188: {  	s4 =	sshra.s32 s4, $0x2  }
0x189: {  	[tilespmem:s4+$0xF238] =	vst.add.f32.msk $0xffff, v0  }
0x18a: {  	v0 =	vld [tilespmem:s0+$0xF248];
	_ =	sdelay $0x4  }
0x18b: {  	[tilespmem:s4+$0xF248] =	vst.add.f32.msk $0xffff, v0  }
0x18c: {  	v0 =	vld [tilespmem:s0+$0xF258];
	_ =	sdelay $0x4  }
0x18d: {  	[tilespmem:s4+$0xF258] =	vst.add.f32.msk $0xffff, v0  }
0x18e: {  	v0 =	vld [tilespmem:s0+$0xF268];
	_ =	sdelay $0x4  }
0x18f: {  	[tilespmem:s4+$0xF268] =	vst.add.f32.msk $0xffff, v0  }
0x190: {  	v0 =	vld [tilespmem:s0+$0xF278];
	_ =	sdelay $0x4  }
0x191: {  	[tilespmem:s4+$0xF278] =	vst.add.f32.msk $0xffff, v0  }
0x192: {  	v0 =	vld [tilespmem:s0+$0xF288];
	_ =	sdelay $0x4  }
0x193: {  	[tilespmem:s4+$0xF288] =	vst.add.f32.msk $0xffff, v0  }
0x194: {  	v0 =	vld [tilespmem:s0+$0xF298];
	_ =	sdelay $0x4  }
0x195: {  	[tilespmem:s4+$0xF298] =	vst.add.f32.msk $0xffff, v0  }
0x196: {  	v0 =	vld [tilespmem:s0+$0xF2A8]  }
.Ltmp24:
0x197: {  	_ = 	snop;
	(pc) =	sbr.rel .LBB2_31-.Ltmp24, $2  }
0x198: {  	_ =	sdelay $0x2  }
0x199: {  	[tilespmem:s4+$0xF2A8] =	vst.add.f32.msk $0xffff, v0  }
.LBB2_32:
0x19a: {  	p0 =	slt.s32 s2, $0x1  }
.Ltmp25:
0x19b: {  	_ = 	snop;
	(pc) =	sbr.rel @p0 .LBB2_36-.Ltmp25, $3  }
0x19c: {  	_ =	sdelay $0x1  }
0x19d: {  	s0 =	simm.s32 $0x6  }
0x19e: {  	s3 =	simm.s32 $0x0;
	[sflag:s0] =	ssyncpa.u1 $0x1  }
0x19f: {  	s0 =	simm.s32 $0xF218  }
0x1a0: {  	v0 =	vld.msk [tilespmem:s0+$0x0], $0x1;
	_ =	sdelay $0x4  }
0x1a1: {  	(v2sf) =	vpush v0, $0x0;
	_ =	sdelay $0xd  }
0x1a2: {  	s2 =	sadd.s32 $0xFFFFFFFF, s2  }
0x1a3: {  	p1 =	sne.s32 s2, $0x0;
	s0 =	spop (v2sf)  }
.Ltmp26:
0x1a4: {  	p0 =	sgt.u32 s0, $0xC34F0;
	(pc) =	sbr.rel @!p1 .LBB2_35-.Ltmp26, $4  }
0x1a5: {  	s4 =	simm.s32 $0xF238;
	s5 =	sand.u32 @!p0 $0xFFFF8, s0  }
0x1a6: {  	s6 =	simm.s32 $0x0;
	s0 =	sand.u32 @!p0 $0x7, s0;
	s5 =	sadd.s32 @!p0 s1, s5  }
0x1a7: {  	[hbm4b:s5+s0] =	stream.linear.scatter @!p0 [tilespmem:s4], [sflag:$0x5], $0x80, $0x38;
	[tilespmem:$0x1F6E8] =	vst v63  }
0x1a8: {  	s6 =	simm.s32 @!p0 $0x200;
	s5 =	simm.s32 $0xF219  }
.LBB2_34:
0x1a9: {  	v0 =	vld.msk [tilespmem:s5+$0x0], $0x1;
	s2 =	sadd.s32 $0xFFFFFFFF, s2;
	s3 =	sadd.s32 s3, s6  }
0x1aa: {  	p0 =	sne.s32 s2, $0x0;
	_ =	sdelay $0x3  }
0x1ab: {  	(v2sf) =	vpush v0, $0x0;
	_ =	sdelay $0xe  }
.Ltmp27:
0x1ac: {  	s0 =	spop (v2sf);
	(pc) =	sbr.rel @p0 .LBB2_34-.Ltmp27, $4  }
0x1ad: {  	s6 =	simm.s32 $0x0;
	p1 =	sgt.u32 s0, $0xC34F0  }
0x1ae: {  	s4 =	sadd.s32 $0x80, s4;
	s6 =	simm.s32 @!p1 $0x200;
	s7 =	sand.u32 @!p1 $0xFFFF8, s0  }
0x1af: {  	s5 =	sadd.s32 $0x1, s5;
	s0 =	sand.u32 @!p1 $0x7, s0;
	s7 =	sadd.s32 @!p1 s1, s7  }
0x1b0: {  	[hbm4b:s7+s0] =	stream.linear.scatter @!p1 [tilespmem:s4], [sflag:$0x5], $0x80, $0x38;
	[tilespmem:$0x1F6E8] =	vst v63  }
.LBB2_35:
0x1b1: {  	s0 =	sadd.s32 s3, s6  }
0x1b2: {  	s3 =	sshrl.u32 s0, $0x2  }
.LBB2_36:
0x1b3: {  	s0 =	simm.s32 $0x5  }
0x1b4: {  	_ =	swait.ge [sflag:s0], s3  }
0x1b5: {  	s1 =	ssub.s32 $0x0, s3;
	[sflag:s0] =	ssyncset.done $0x0  }
0x1b6: {  	[sflag:s0] =	ssyncadd.s32 s1  }
0x1b7: {  	[sflag:s0] =	ssyncpa.u1 $0x1  }
0x1b8: {  	s30 =	simm.s32 $0x1;
	_ =	sfence  }
0x1b9: {  	[sflag:s30] =	ssyncpa.u1 $0x1  }
0x1ba: {  	_ =	strace $0x90000053  }
0x1bb: {  	[bflag:$0x2] =	sbarrier.arrive $0xFFFF  }
0x1bc: {  	s31 =	rddreg [dreg:$0x1]  }
0x1bd: {  	s0 =	sadd.s32 $0x100000, s31  }
0x1be: {  	[sflag:s0] =	ssyncadd.tile.s32 $0x1;
	_ =	shalt  }
.Lfunc_end2:
_tile_overlayer_lowered:
.L_overlay_start_2:
0x1bf: {  	(tag) =	ssettag $0x2  }
0x1c0: {  	s0 =	rddreg [dreg:$0x0];
	s2 =	stileid.u32  }
0x1c1: {  	s1 =	rddreg [dreg:$0x1];
	p0 =	sne.s32 s2, $0x0  }
0x1c2: {  	s3 =	rddreg [dreg:$0x2];
	[bflag:$0x3] =	sbarrier.arrive $0xFFFF;
	s2 =	simm.s32 @!p0 $0x1C01  }
0x1c3: {  	[timem:s3], [sflag:s2] =	dma.local @!p0 [hbm:s0], s1  }
0x1c4: {  	s0 =	simm.s32 @!p0 $0x1  }
0x1c5: {  	_ =	swait.ge @!p0 [sflag:s0], s1  }
0x1c6: {  	s1 =	ssub.s32 @!p0 $0x0, s1;
	[sflag:s0] =	ssyncset.done @!p0 $0x0  }
0x1c7: {  	[sflag:s0] =	ssyncadd.s32 @!p0 s1  }
0x1c8: {  	[bflag:$0x3] =	sbarrier.arrive $0xFFFF  }
0x1c9: {  	_ =	shalt  }

// kernel: scatter_offload_async_start
scs
__scs_entry_jumppad:
0x0: {  	(pc) =	sbr.rel $0x88, $3  }
0x1: {  	(tag) =	ssettag $0x0;
	lr =	simm.s32 $0x1  }
0x2: {  	[smem:$0x3F95] =	sst lr;
	_ =	strace $0xD0000000  }
0x3: {  	_ = 	snop  }
0x4: {  	_ = 	snop  }
0x5: {  	_ = 	snop  }
0x6: {  	_ = 	snop  }
0x7: {  	_ = 	snop  }
__scs_overlays_trampoline_lowered:
0x8: {  	[smem:$0x3FA4] =	sst s0  }
0x9: {  	[smem:$0x3FA5] =	sst s1  }
0xa: {  	[smem:$0x3FA6] =	sst s2  }
0xb: {  	[smem:$0x3FA7] =	sst s3  }
0xc: {  	[smem:$0x3FA8] =	sst s4  }
0xd: {  	[smem:$0x3FA9] =	sst s5  }
0xe: {  	[smem:$0x3FAA] =	sst s6  }
0xf: {  	[smem:$0x3FAB] =	sst s7  }
0x10: {  	[smem:$0x3FAC] =	sst s8  }
0x11: {  	[smem:$0x3FAD] =	sst s9;
	s0 =	simm.s32 @!p0 $0x0  }
0x12: {  	s1 =	sld [smem:$0x3F93];
	s0 =	simm.s32 @p0 $0x1  }
0x13: {  	[smem:$0x3FAE] =	sst s0;
	s0 =	simm.s32 @!p1 $0x0  }
0x14: {  	s2 =	sld [smem:$0x3F92];
	s0 =	simm.s32 @p1 $0x1  }
0x15: {  	[smem:$0x3FAF] =	sst s0;
	s0 =	simm.s32 @!p2 $0x0  }
0x16: {  	s3 =	sld [smem:$0x3FDB];
	s0 =	simm.s32 @p2 $0x1  }
0x17: {  	s4 =	simm.s32 $0x1BF5;
	[smem:$0x3FB1] =	sst s0  }
0x18: {  	s0 =	sld [smem:$0x3F94];
	_ =	swait.ge [sflag:s4], $0x0  }
0x19: {  	s7 =	sld [smem:$0x3F95]  }
0x1a: {  	s8 =	sadd.s32 $0xFFFFE003, lr  }
0x1b: {  	s9 =	sadd.s32 $0xFFFFFEF7, lr;
	s5 =	simm.s32 $0xFFFFFFFF;
	p2 =	slt.u32 s8, $0xFFFFF086  }
0x1c: {  	p1 =	slt.u32 s9, $0xF7A;
	s5 =	simm.s32 @!p2 $0x0  }
0x1d: {  	s5 =	simm.s32 @p1 $0x1;
	p0 =	seq.s32 s7, s2  }
0x1e: {  	s7 =	smul.u32 @!p0 $0xF7A, s2;
	p2 =	seq.s32 @!p0 s5, $0x0  }
0x1f: {  	s9 =	smul.u32 $0xF7A, s1;
	s8 =	simm.s32 @!p0 $0x1BF5;
	p2 =	por !p2, p0  }
0x20: {  	[sflag:s8] =	ssyncset.s32 @!p0 $0xFFFFF086;
	s6 =	sadd.s32 @!p0 s3, s7;
	s7 =	simm.s32 @!p0 $0x108  }
0x21: {  	s3 =	sadd.s32 s3, s9;
	s6 =	sadd.s32 @!p0 $0x88, s6;
	s7 =	simm.s32 @p2 $0x1082  }
0x22: {  	[simem:s7], [sflag:s8] =	dma.local @!p0 [hbm:s6], $0xF7A  }
0x23: {  	s9 =	sor.u32 $0xD0000000, s2;
	s6 =	simm.s32 $0x108;
	_ =	swait.ge @!p0 [sflag:s8], $0x0  }
0x24: {  	s3 =	sadd.s32 $0x88, s3;
	s6 =	simm.s32 @!p1 $0x1082;
	[sflag:s4] =	ssyncset.s32 $0xFFFFF086  }
0x25: {  	[simem:s6], [sflag:s4] =	dma.local [hbm:s3], $0xF7A  }
0x26: {  	[smem:$0x3F95] =	sst s1;
	(tag) =	ssettag s2;
	_ =	strace s9  }
0x27: {  	s1 =	sld [smem:$0x3FA5]  }
0x28: {  	s2 =	sld [smem:$0x3FA6]  }
0x29: {  	s4 =	sld [smem:$0x3FA8]  }
0x2a: {  	p0 =	seq.s32 s5, $0x0;
	s5 =	sld [smem:$0x3FA9]  }
0x2b: {  	s6 =	sld [smem:$0x3FAA]  }
0x2c: {  	s7 =	sld [smem:$0x3FAB]  }
0x2d: {  	s3 =	simm.s32 $0x108;
	s8 =	sld [smem:$0x3FAC]  }
0x2e: {  	s3 =	simm.s32 @!p0 $0x1082;
	s9 =	sld [smem:$0x3FAD]  }
0x2f: {  	lr =	sadd.s32 s0, s3;
	s0 =	sld [smem:$0x3FA4]  }
0x30: {  	s3 =	sld [smem:$0x3FA7]  }
0x31: {  	[smem:$0x3FB0] =	sst s10  }
0x32: {  	s10 =	sld [smem:$0x3FAE];
	_ =	sdelay $0x3  }
0x33: {  	p0 =	seq.s32 s10, $0x1;
	s10 =	sld [smem:$0x3FB0];
	_ =	sdelay $0x3  }
0x34: {  	[smem:$0x3FB0] =	sst s10  }
0x35: {  	s10 =	sld [smem:$0x3FAF];
	_ =	sdelay $0x3  }
0x36: {  	p1 =	seq.s32 s10, $0x1;
	s10 =	sld [smem:$0x3FB0];
	_ =	sdelay $0x3  }
0x37: {  	[smem:$0x3FB0] =	sst s10  }
0x38: {  	s10 =	sld [smem:$0x3FB1]  }
0x39: {  	_ = 	snop;
	(pc) =	sbr.ind lr, $3  }
0x3a: {  	_ = 	snop  }
0x3b: {  	_ = 	snop  }
0x3c: {  	p2 =	seq.s32 s10, $0x1;
	s10 =	sld [smem:$0x3FB0]  }
0x3d: {  	_ =	shalt  }
0x3e: {  	_ =	shalt  }
0x3f: {  	_ =	shalt  }
0x40: {  	_ =	shalt  }
0x41: {  	_ =	shalt  }
0x42: {  	_ =	shalt  }
0x43: {  	_ =	shalt  }
0x44: {  	_ =	shalt  }
0x45: {  	_ =	shalt  }
0x46: {  	_ =	shalt  }
0x47: {  	_ =	shalt  }
0x48: {  	_ =	shalt  }
0x49: {  	_ =	shalt  }
0x4a: {  	_ =	shalt  }
0x4b: {  	_ =	shalt  }
0x4c: {  	_ =	shalt  }
0x4d: {  	_ =	shalt  }
0x4e: {  	_ =	shalt  }
0x4f: {  	_ =	shalt  }
0x50: {  	_ =	shalt  }
0x51: {  	_ =	shalt  }
0x52: {  	_ =	shalt  }
0x53: {  	_ =	shalt  }
0x54: {  	_ =	shalt  }
0x55: {  	_ =	shalt  }
0x56: {  	_ =	shalt  }
0x57: {  	_ =	shalt  }
0x58: {  	_ =	shalt  }
0x59: {  	_ =	shalt  }
0x5a: {  	_ =	shalt  }
0x5b: {  	_ =	shalt  }
0x5c: {  	_ =	shalt  }
0x5d: {  	_ =	shalt  }
0x5e: {  	_ =	shalt  }
0x5f: {  	_ =	shalt  }
0x60: {  	_ =	shalt  }
0x61: {  	_ =	shalt  }
0x62: {  	_ =	shalt  }
0x63: {  	_ =	shalt  }
0x64: {  	_ =	shalt  }
0x65: {  	_ =	shalt  }
0x66: {  	_ =	shalt  }
0x67: {  	_ =	shalt  }
0x68: {  	_ =	shalt  }
0x69: {  	_ =	shalt  }
0x6a: {  	_ =	shalt  }
0x6b: {  	_ =	shalt  }
0x6c: {  	_ =	shalt  }
0x6d: {  	_ =	shalt  }
0x6e: {  	_ =	shalt  }
0x6f: {  	_ =	shalt  }
0x70: {  	_ =	shalt  }
0x71: {  	_ =	shalt  }
0x72: {  	_ =	shalt  }
0x73: {  	_ =	shalt  }
0x74: {  	_ =	shalt  }
0x75: {  	_ =	shalt  }
0x76: {  	_ =	shalt  }
0x77: {  	_ =	shalt  }
0x78: {  	_ =	shalt  }
0x79: {  	_ =	shalt  }
0x7a: {  	_ =	shalt  }
0x7b: {  	_ =	shalt  }
0x7c: {  	_ =	shalt  }
0x7d: {  	_ =	shalt  }
0x7e: {  	_ =	shalt  }
0x7f: {  	_ =	shalt  }
0x80: {  	_ =	shalt  }
0x81: {  	_ =	shalt  }
0x82: {  	_ =	shalt  }
0x83: {  	_ =	shalt  }
0x84: {  	_ =	shalt  }
0x85: {  	_ =	shalt  }
0x86: {  	_ =	shalt  }
0x87: {  	_ =	shalt  }
.Lfunc_end0:
.L_simem_size_0:
called_computation_lowered:
.L_overlay_start_0:
0x88: {  	s0 =	sld [smem:$0x3FD9]  }
0x89: {  	s1 =	sld [smem:$0x3FFE];
	_ =	sdelay $0x3  }
0x8a: {  	s0 =	sadd.s32 s1, s0  }
0x8b: {  	[smem:$0x3FBC] =	sst s0  }
0x8c: {  	_ = 	snop  }
0x8d: {  	s0 =	sld [smem:$0x3FD0];
	(tm) =	ssettm $0x1  }
0x8e: {  	s16 =	sld [smem:$0x3FFB];
	_ =	sdelay $0x3  }
0x8f: {  	_ =	strace s16  }
0x90: {  	s1 =	sld [smem:$0x3FFC];
	_ =	sdelay $0x3  }
0x91: {  	_ =	strace s1  }
0x92: {  	s1 =	sld [smem:$0x3FFD];
	_ =	sdelay $0x3  }
0x93: {  	_ =	strace s1  }
0x94: {  	_ =	strace $0x8FFFFFFF  }
0x95: {  	s17 =	sld [smem:$0x3FDB];
	_ =	sdelay $0x1  }
0x96: {  	s2 =	simm.s32 $_scs_section_size  }
0x97: {  	s3 =	simm.s32 $_size__tile_overlayer_lowered;
	s4 =	simm.s32 $_tile_overlayer_lowered  }
0x98: {  	s20 =	simm.s32 $0x1BFF;
	s19 =	sshll.u32 s4, $0x1;
	s1 =	sadd.s32 s2, s17  }
0x99: {  	s5 =	simm.s32 $0x0;
	s18 =	sshll.u32 s3, $0x1;
	s3 =	sadd.s32 s19, s1  }
0x9a: {  	[timem:s5], [sflag:s20] =	dma.local [hbm:s3], s18  }
0x9b: {  	_ =	swait.ge [sflag:s20], s18  }
0x9c: {  	s2 =	ssub.s32 $0x0, s18;
	[sflag:s20] =	ssyncset.done $0x0  }
0x9d: {  	[sflag:s20] =	ssyncadd.s32 s2;
	_ =	sdelay $0x1  }
0x9e: {  	s21 =	simm.s32 $0x1B8B  }
0x9f: {  	_ =	swait.ge [sflag:s21], $0x1  }
0xa0: {  	[sflag:s21] =	ssyncset.done $0x0  }
0xa1: {  	s23 =	simm.s32 $0x1B8E;
	s22 =	sld [smem:$0x3FFE];
	[sflag:s21] =	ssyncadd.s32 $0xFFFFFFFF  }
0xa2: {  	s24 =	simm.s32 $execute0_lowered;
	[smem:$0x3FD2] =	sst s23  }
0xa3: {  	s3 =	sshll.u32 s24, $0x1;
	_ =	strace $0x80000046;
	[dreg:$0x1] =	wrdreg $0xFFFFFFFF  }
0xa4: {  	s25 =	simm.s32 $_size_execute0_lowered;
	s1 =	sadd.s32 s1, s3;
	[dreg:$0x0] =	wrdreg $0x0  }
0xa5: {  	s3 =	sshll.u32 s25, $0x1;
	[dreg:$0x2] =	wrdreg s1  }
0xa6: {  	[dreg:$0x3] =	wrdreg s3  }
0xa7: {  	[dreg:$0x4] =	wrdreg $0xC0  }
0xa8: {  	_ =	task [dreg:s5], $0x5FFFF  }
0xa9: {  	[dreg:$0x1] =	wrdreg $0xFFFFFFFF  }
0xaa: {  	[dreg:$0x0] =	wrdreg $0x60  }
0xab: {  	[dreg:$0x2] =	wrdreg s0  }
0xac: {  	[dreg:$0x3] =	wrdreg s22  }
0xad: {  	[dreg:$0x4] =	wrdreg $0x9  }
0xae: {  	_ =	task.clear_ibuf [dreg:s5], $0x5FFFF;
	_ =	strace $0x90000046  }
0xaf: {  	s26 =	simm.s32 $0x9;
	_ =	strace $0x80000048  }
0xb0: {  	_ =	swait.ge [sflag:s26], $0x1  }
0xb1: {  	[sflag:s26] =	ssyncadd.s32 $0xFFFFFFFF  }
0xb2: {  	_ =	strace $0x90000048  }
0xb3: {  	_ =	sfence  }
0xb4: {  	s28 =	sld [smem:$0x0];
	_ =	sdelay $0x1  }
0xb5: {  	s29 =	srdreg.scid  }
0xb6: {  	s30 =	sshll.u32 s29, $0xD;
	s31 =	sshrl.u32 s29, $0x2  }
0xb7: {  	s2 =	sand.u32 $0x4000, s30;
	s1 =	sand.u32 $0x1, s29;
	s0 =	sadd.s32 s31, s28  }
0xb8: {  	s1 =	sor.u32 s2, s1;
	s0 =	sshll.u32 s0, $0x11  }
0xb9: {  	s0 =	sor.u32 s0, s1  }
0xba: {  	s0 =	sadd.s32 $0x8F2B, s0  }
0xbb: {  	[sflag:s0] =	ssyncadd.remote.s32 $0x1  }
0xbc: {  	_ =	sfence.sel $0xFFFF  }
0xbd: {  	[dreg:$0x0] =	wrdreg $0xFFFFFFFF;
	(pc) =	sbr.abs _section_cstart, $3  }
0xbe: {  	[dreg:$0x1] =	wrdreg $0xFFFFFFFF  }
0xbf: {  	_ =	task.clear_ibuf [dreg:s5], $0x2FFFF;
	_ =	strace $0x9FFFFFFF  }
0xc0: {  	(tm) =	ssettm $0x7FFFFFFF  }
0xc1: {  	_ =	shalt  }
tec
execute0_lowered:
.L_overlay_start_1:
0x0: {  	(tag) =	ssettag $0x1  }
0x1: {  	s1 =	rddreg [dreg:$0x0]  }
0x2: {  	s0 =	rddreg [dreg:$0x1];
	s6 =	stileid.u32  }
0x3: {  	_ =	strace $0x80000047;
	s9 =	simm.s32 $0x1;
	s2 =	smul.u32 $0x11, s6  }
0x4: {  	v1 =	vimm.s32 $0xFFFFFFFF;
	s3 =	smin.u32 s6, $0x3;
	[sflag:s9] =	ssyncpa.u1 $0x0  }
0x5: {  	[tilespmem:$0x10] =	vst v1;
	s2 =	sadd.s32 s3, s2  }
0x6: {  	v0 =	vimm.f32 $0.0e+00;
	p0 =	slt.u32 s6, $0x3;
	[tilespmem:$0x20] =	vst v1;
	s3 =	smul.u32 $0x1770, s2;
	s2 =	simm.s32 $0x1A5E0  }
0x7: {  	[tilespmem:$0x30] =	vst v0;
	s2 =	simm.s32 @!p0 $0x18E70  }
0x8: {  	[tilespmem:$0x40] =	vst v0;
	s2 =	sadd.s32 s2, s3  }
0x9: {  	[tilespmem:$0x50] =	vst v0;
	s4 =	smin.u32 s2, $0x192D50  }
0xa: {  	[tilespmem:$0x60] =	vst v1;
	s2 =	ssub.s32 s4, s3  }
0xb: {  	s7 =	simm.s32 $0x2;
	s8 =	simm.s32 $0x8;
	[tilespmem:$0x70] =	vst v1;
	p0 =	sgt.s32 s2, $0x0  }
0xc: {  	s31 =	simm.s32 $0x9;
	s16 =	simm.s32 $0x0;
	[tilespmem:$0x80] =	vst v1;
	s2 =	simm.s32 @!p0 $0x0  }
0xd: {  	s17 =	simm.s32 $0xF0;
	s18 =	simm.s32 $0xFFFFFFFF;
	v1 =	vimm.s32 $0x0;
	[tilespmem:$0xB0] =	vst v0;
	s5 =	smulhi.u32 $0x57619F1, s2  }
0xe: {  	s19 =	simm.s32 $0xFFFFD220;
	s20 =	simm.s32 $0xFFFFFFFE;
	s21 =	simm.s32 $0xF;
	[tilespmem:$0x90] =	vst v1  }
0xf: {  	[tilespmem:$0xA0] =	vst v1;
	[sflag:s7] =	ssyncpa.u1 $0x0;
	s7 =	simm.s32 $0x7;
	s10 =	sshrl.u32 s5, $0x7  }
0x10: {  	s25 =	simm.s32 $0x0;
	[sflag:s7] =	ssyncpa.u1 $0x0;
	s11 =	smul.u32 $0x1770, s10  }
0x11: {  	s24 =	simm.s32 $0x0;
	s14 =	sshllo.u32 s6, $0x1;
	[sflag:s8] =	ssyncpa.u1 $0x0  }
.Ltmp0:
0x12: {  	[sflag:s31] =	ssyncpa.u1 $0x0;
	p0 =	sne.s32 s2, s11;
	(pc) =	sbr.rel .LBB2_1-.Ltmp0, $4  }
0x13: {  	s5 =	sadd.s32 $0xA00, s0;
	s0 =	sadd.s32 $0x33000, s0;
	s9 =	simm.s32 @!p0 $0x0  }
0x14: {  	s23 =	smov.u32 s3;
	[dreg:$0x3] =	wrdreg s0;
	s9 =	sadd.s32 s9, s10  }
0x15: {  	vm0 =	vmmov $0xffff;
	v2 =	vlaneseq.u32;
	p0 =	por $0x0, $0x0;
	s10 =	sshll.u32 s6, $0x1;
	s11 =	sadd.s32 $0x1, s9  }
0x16: {  	vm1 =	vmxor vm1, vm1;
	vm2 =	vmmov $0x1;
	vm3 =	vcmask $0x3F3C;
	s12 =	sadd.s32 $0x2, s9;
	s13 =	sor.u32 $0x81, s10;
	s15 =	sor.u32 $0x80, s10  }
.LBB2_9:
0x17: {  	p1 =	slt.u32 s24, $0x3  }
0x18: {  	s0 =	simm.s32 @!p1 $0x2  }
0x19: {  	_ =	swait.ge @!p1 [sflag:s0], $0x1770  }
0x1a: {  	[sflag:s0] =	ssyncset.done @!p1 $0x0  }
0x1b: {  	[sflag:s0] =	ssyncadd.s32 @!p1 $0xFFFFE890;
	s0 =	simm.s32 @!p1 $0x9  }
0x1c: {  	_ =	swait.ge @!p1 [sflag:s0], $0x10  }
0x1d: {  	[sflag:s0] =	ssyncset.done @!p1 $0x0  }
0x1e: {  	[sflag:s0] =	ssyncadd.s32 @!p1 $0xFFFFFFF0;
	p1 =	sne.s32 s24, s12  }
.Ltmp1:
0x1f: {  	s2 =	sadd.s32 $0x1770, s23;
	(pc) =	sbr.rel @!p1 .LBB2_10-.Ltmp1, $4  }
0x20: {  	s6 =	smov.u32 s3;
	s31 =	sadd.s32 $0x1, s24;
	s17 =	sadd.s32 $0x1770, s17  }
0x21: {  	s18 =	sadd.s32 $0x1, s18;
	s25 =	smov.u32 s23;
	p2 =	slt.s32 s2, s4  }
0x22: {  	p0 =	por !p0, !p0;
	s19 =	sadd.s32 $0x1770, s19;
	s6 =	smov.u32 @p2 s2  }
0x23: {  	s20 =	sadd.s32 $0x1, s20;
	s23 =	smov.u32 s6;
	s24 =	smov.u32 s31  }
.LBB2_1:
0x24: {  	p1 =	sge.u32 s24, s9  }
0x25: {  	s0 =	smulhi.u32 @!p1 $0xAAAAAAAB, s24;
	_ =	sdelay $0x1  }
0x26: {  	s0 =	sshrl.u32 @!p1 s0, $0x1  }
0x27: {  	s0 =	smul.u32 @!p1 $0x3, s0;
	_ =	sdelay $0x1  }
0x28: {  	s0 =	ssub.s32 @!p1 s24, s0  }
0x29: {  	s0 =	smul.u32 @!p1 $0x5DC0, s0;
	_ =	sdelay $0x1  }
0x2a: {  	s2 =	sshrl.u32 @!p1 s23, $0x3;
	s0 =	sshrl.u32 @!p1 s0, $0x2  }
0x2b: {  	s22 =	sand.u32 @!p1 $0x7, s23;
	s2 =	sadd.s32 @!p1 s5, s2;
	s0 =	sadd.s32 @!p1 $0x100, s0  }
0x2c: {  	[tilespmem:s0], [sflag:$0x7] =	stream.linear.gather @!p1 [hbm4b:s2+s22], $0x1770, $0x38;
	[tilespmem:$0xD410] =	vst v63  }
0x2d: {  	s0 =	sadd.s32 $0xFFFFFFFF, s24  }
0x2e: {  	p1 =	sge.u32 s0, s9  }
.Ltmp2:
0x2f: {  	_ = 	snop;
	(pc) =	sbr.rel @p1 .LBB2_5-.Ltmp2, $1  }
0x30: {  	_ =	sdelay $0x3  }
0x31: {  	s2 =	smulhi.u32 $0xAAAAAAAB, s0;
	_ =	sdelay $0x1  }
0x32: {  	s2 =	sshrl.u32 s2, $0x1  }
0x33: {  	s2 =	smul.u32 $0x3, s2;
	_ =	sdelay $0x1  }
0x34: {  	s2 =	ssub.s32 s0, s2  }
0x35: {  	s2 =	smul.u32 $0x5DC0, s2  }
0x36: {  	_ =	swait.ge [sflag:s7], $0x1770  }
0x37: {  	[sflag:s7] =	ssyncset.done $0x0;
	s2 =	sshrl.u32 s2, $0x2  }
0x38: {  	[sflag:s7] =	ssyncadd.s32 $0xFFFFE890;
	(ifvalue) =	ssetifvalue $0xFFFFFFFF;
	v3 =	vld.msk [tilespmem:s2+$0x100 ss:$0x1], $0xffff;
	_ =	sdelay $0x2  }
0x39: {  	s30 =	smulhi.u32 $0xAAAAAAAB, s18;
	p1 =	sne.s32 s24, $0x1  }
0x3a: {  	v4 =	vimm.s32 @!p1 $0x0  }
0x3b: {  	s2 =	sshrl.u32 s30, $0x1;
	v4 =	vperm.xlane @!p1 v3, v4  }
0x3c: {  	s22 =	sshll.u32 s24, $0x4;
	s2 =	smul.u32 $0xFFFEE6C0, s2;
	vm4 =	vlt.u32 v3, $0xC400  }
0x3d: {  	s22 =	sand.u32 $0x10, s22;
	v3 =	vnsel vm4, $0xFFFFFFFE, v3;
	vm4 =	vlt.u32 @!p1 v4, $0xC400  }
0x3e: {  	s2 =	sshra.s32 s2, $0x2;
	[tilespmem:s22+$0x60] =	vst v3;
	v3 =	vnsel @!p1 vm4, $0xFFFFFFFE, v4  }
0x3f: {  	s28 =	sadd.s32 s2, s17;
	[tilespmem:$0x80] =	vst @!p1 v3  }
0x40: {  	v3 =	vld.msk [tilespmem:s28+$0x0 ss:$0x1], $0xffff;
	_ =	sdelay $0x4  }
0x41: {  	(xrf1) =	vunique.msk.u32 $0xffff, v3;
	_ =	sdelay $0xd  }
0x42: {  	v4 =	vimm.s32 $0xFFFFFFFF;
	v5, _, _ =	vpop (xrf1)  }
0x43: {  	vm5 =	vne.s32 v3, v4;
	vm4 =	veq.s32 v5, v2  }
0x44: {  	vm6 =	vlt.u32 v3, $0xC400;
	vm4 =	vmand vm5, vm4  }
0x45: {  	vm4 =	vmand vm6, vm4  }
0x46: {  	v4 =	vnsel vm4, $0xFFFFFFFF, v3  }
0x47: {  	s31 =	sand.u32 $0x1, s0  }
0x48: {  	s0 =	simm.s32 $0x1770;
	p1 =	seq.s32 s31, $0x1  }
0x49: {  	s0 =	simm.s32 @!p1 $0x0  }
0x4a: {  	s26 =	sadd.s32 $0x5EB0, s0;
	(ifvalue) =	ssetifvalue $0xFFFFFFFF  }
0x4b: {  	v3 =	vperm.xlane v3, v1;
	[tilespmem:s26], [sflag:$0x8] =	stream.indirect_vreg.gather [hbm4b:s1+s16], $0x1, v4, vm0, $0x4038;
	v4 =	vnsel vm6, $0xFFFFFFFE, v4;
	[tilespmem:$0xD410] =	vst v63  }
0x4c: {  	s2 =	simm.s32 $0x0;
	s22 =	sadd.s32 $0xFFFFFFF0, s28;
	[tilespmem:s28+$0x0] =	vst v4  }
.LBB2_3:
0x4d: {  	v4 =	vld.msk [tilespmem:s22+$0x0 ss:$0x1], $0xffff;
	s2 =	sadd.s32 $0x10, s2;
	v5 =	vmov v3;
	s28 =	smov.u32 s22  }
0x4e: {  	p1 =	slt.u32 s2, $0x1760;
	_ =	sdelay $0x4  }
0x4f: {  	v3 =	vperm.xlane v4, v1;
	(xrf1) =	vunique.msk.u32 $0xffff, v4;
	_ =	sdelay $0xd  }
0x50: {  	v6, _, _ =	vpop (xrf1)  }
0x51: {  	vm5 =	vne.s32 v4, v5;
	vm4 =	veq.s32 v6, v2  }
0x52: {  	vm6 =	vlt.u32 v4, $0xC400;
	vm4 =	vmand vm5, vm4  }
0x53: {  	vm4 =	vmand vm6, vm4  }
0x54: {  	v4 =	vnsel vm4, $0xFFFFFFFF, v4  }
.Ltmp3:
0x55: {  	v5 =	vnsel vm6, $0xFFFFFFFE, v4;
	(pc) =	sbr.rel @p1 .LBB2_3-.Ltmp3, $3  }
0x56: {  	_ =	sdelay $0x1  }
0x57: {  	s22 =	sadd.s32 $0xFFFFFFF0, s22;
	s26 =	sadd.s32 $0xFFFFFFF0, s26;
	(ifvalue) =	ssetifvalue $0xFFFFFFFF  }
0x58: {  	[tilespmem:s26], [sflag:$0x8] =	stream.indirect_vreg.gather [hbm4b:s1+s16], $0x1, v4, vm0, $0x4038;
	[tilespmem:s28+$0x0] =	vst v5  }
0x59: {  	s2 =	sshrl.u32 s25, $0x3;
	s6 =	rddreg [dreg:$0x3]  }
0x5a: {  	s0 =	sadd.s32 $0x7630, s0;
	s2 =	sadd.s32 s6, s2  }
0x5b: {  	[tilespmem:s0], [sflag:$0x8] =	stream.linear.gather [hbm:s2], $0x1770, $0x38;
	[tilespmem:$0xD410] =	vst v63  }
.LBB2_5:
0x5c: {  	p1 =	slt.u32 s24, $0x2  }
0x5d: {  	p2 =	sge.u32 @!p1 s24, s12  }
0x5e: {  	p1 =	por p1, p2  }
.Ltmp4:
0x5f: {  	_ = 	snop;
	(pc) =	sbr.rel @p1 .LBB2_9-.Ltmp4, $1  }
0x60: {  	_ =	sdelay $0x3  }
0x61: {  	s0 =	sadd.s32 $0xFFFFFFFE, s24  }
0x62: {  	s2 =	smulhi.u32 $0xAAAAAAAB, s0;
	_ =	sdelay $0x1  }
0x63: {  	s2 =	sshrl.u32 s2, $0x1  }
0x64: {  	s2 =	smul.u32 $0x3, s2;
	_ =	sdelay $0x1  }
0x65: {  	s0 =	ssub.s32 s0, s2  }
0x66: {  	_ =	swait.ge [sflag:s8], $0x2EE0;
	s0 =	smul.u32 $0x1770, s0  }
0x67: {  	p1 =	sne.s32 s24, s11;
	[sflag:s8] =	ssyncset.done $0x0  }
0x68: {  	[sflag:s8] =	ssyncadd.s32 $0xFFFFD120;
	s2 =	sadd.s32 @!p1 $0x186F, s0  }
0x69: {  	[spmem:s13] =	stream.linear.scatter @!p1 [tilespmem:s2], [sflag:$0x1], $0x1, $0x38;
	[tilespmem:$0xD410] =	vst v63  }
0x6a: {  	s2 =	simm.s32 @!p1 $0x1  }
0x6b: {  	_ =	swait.ge @!p1 [sflag:s2], $0x1  }
0x6c: {  	s22 =	sshll.u32 s24, $0x4;
	[sflag:s2] =	ssyncset.done @!p1 $0x0  }
0x6d: {  	s25 =	sand.u32 $0x10, s22;
	[sflag:s2] =	ssyncadd.s32 @!p1 $0xFFFFFFFF  }
0x6e: {  	s2 =	sxor.u32 $0x10, s25;
	v4 =	vld [tilespmem:s25+$0x10]  }
0x6f: {  	v5 =	vld [tilespmem:s2+$0x60]  }
0x70: {  	v3 =	vld [tilespmem:$0x80];
	_ =	sdelay $0x2  }
0x71: {  	(v2sf) =	vpush v4, $0x0  }
0x72: {  	(v2sf) =	vpush v5, $0x0  }
0x73: {  	(v2sf) =	vpush v3, $0x0;
	_ =	sdelay $0xc  }
0x74: {  	s6 =	spop (v2sf)  }
0x75: {  	s28 =	spop (v2sf)  }
0x76: {  	s26 =	spop (v2sf)  }
0x77: {  	p2 =	seq.s32 s6, s28;
	p3 =	seq.s32 s26, s6  }
0x78: {  	p3 =	por p2, p3  }
0x79: {  	s6 =	sand.u32 $0x1, s24;
	v4 =	vpsel p3, $0xFFFFFFFF, v4  }
0x7a: {  	s28 =	smul.u32 $0x1770, s6;
	[tilespmem:s25+$0x10] =	vst.msk $0x1, v4  }
0x7b: {  	v4 =	vld [tilespmem:$0x30]  }
0x7c: {  	v5 =	vld [tilespmem:s28+$0x7630]  }
0x7d: {  	v6 =	vld [tilespmem:s25+$0x40];
	_ =	sdelay $0x3  }
0x7e: {  	vm4 =	vmmov vm1;
	v5 =	vadd.f32 v5, v4  }
0x7f: {  	vm5 =	vmmov vm2;
	vm4 =	vmmov @p2 vm2;
	v4 =	vadd.f32 v6, v4  }
0x80: {  	s22 =	sshll.u32 s6, $0x4;
	vm5 =	vmmov @p3 vm1;
	[tilespmem:s28+$0x7630] =	vst.msk vm4, v5  }
0x81: {  	[tilespmem:s22+$0xD3F0] =	vst.msk vm5, v4  }
0x82: {  	v4 =	vld [tilespmem:s28+$0x5EB0];
	_ =	sdelay $0x3  }
0x83: {  	v5 =	vimm.f32 $0.0e+00  }
0x84: {  	v4 =	vshift.insert v4, v5, s21  }
0x85: {  	s29 =	sor.u32 $0x40, s2  }
0x86: {  	[tilespmem:s29+$0x0] =	vst.msk $0x1, v4  }
0x87: {  	[tilespmem:s28+$0x5EBF] =	vst.msk $0x1, v5  }
0x88: {  	v4 =	vld [tilespmem:s0+$0x1860];
	_ =	sdelay $0x1  }
0x89: {  	s29 =	smulhi.u32 $0xAAAAAAAB, s20;
	s0 =	simm.s32 $0x1  }
0x8a: {  	s0 =	simm.s32 @!p0 $0x0  }
0x8b: {  	s29 =	sshrl.u32 s29, $0x1;
	s0 =	smul.u32 $0x5DC0, s0  }
0x8c: {  	s29 =	smul.u32 $0xFFFEE6C0, s29;
	v4 =	vshift.insert v4, v1, s21  }
0x8d: {  	s0 =	sshrl.u32 s0, $0x2  }
0x8e: {  	s29 =	sshra.s32 s29, $0x2;
	s30 =	sadd.s32 $0x7630, s0;
	[tilespmem:s2+$0x10] =	vst.msk $0x1, v4  }
0x8f: {  	s6 =	sadd.s32 s29, s19;
	v6 =	vld [tilespmem:s30+$0x0]  }
0x90: {  	v7 =	vld [tilespmem:s6+$0x0];
	_ =	sdelay $0x3  }
0x91: {  	v5 =	vadd.f32 v6, v5  }
0x92: {  	vm4 =	vne.s32 v7, $0xFFFFFFFF  }
0x93: {  	(xrf2) =	vadd.seg.scan.f32 vm4, v5;
	_ =	sdelay $0x3  }
0x94: {  	s31 =	sadd.s32 $0x4750, s0;
	v5 =	vperm.xlane v4, v1  }
0x95: {  	v6 =	vld [tilespmem:s31+$0x0]  }
0x96: {  	vm5 =	veq.s32 v7, v3;
	vm6 =	veq.s32 v7, v5  }
0x97: {  	vm7 =	vgt.u32 v7, $0xFFFFFFFD;
	vm6 =	vmor vm6, vm5  }
0x98: {  	vm6 =	vmor vm6, vm7  }
0x99: {  	v9 =	vld [tilespmem:$0xA0];
	v7 =	vsel vm6, $0xFFFFFFFF, v7  }
0x9a: {  	v10 =	vld [tilespmem:$0x90];
	v6 =	vsel vm5, $0x0, v6;
	v8, _, _ =	vpop (xrf2)  }
0x9b: {  	v6 =	vadd.f32 v8, v6  }
0x9c: {  	s0 =	sadd.s32 $0xA510, s0  }
0x9d: {  	vm4 =	vmand vm4, vm3;
	[tilespmem:s0+$0x0] =	vst v6;
	(ifvalue) =	ssetifvalue $0xFFFFFFFF  }
0x9e: {  	vm6 =	veq.s32 v9, $0x1;
	[hbm4b:s1+s16] =	stream.indirect_vreg.scatter [tilespmem:s0], [sflag:$0x2], $0x1, v7, vm0, $0x4038;
	v7 =	vsel vm4, $0x0, v8;
	[tilespmem:$0xD410] =	vst v63  }
0x9f: {  	s29 =	sadd.s32 $0xD3F0, s22;
	s22 =	sadd.s32 $0x10, s6;
	s2 =	simm.s32 $0x0;
	vm4 =	vmor vm6, vm5;
	v6 =	vsel vm5, v8, v10;
	v7 =	vshift.insert v7, v0, s21  }
.LBB2_7:
0xa0: {  	v8 =	vld [tilespmem:s22+$0x0];
	s30 =	sadd.s32 $0x10, s30  }
0xa1: {  	s31 =	sadd.s32 $0x10, s31;
	v9 =	vld [tilespmem:s30+$0x0]  }
0xa2: {  	s2 =	sadd.s32 $0x10, s2;
	v10 =	vld [tilespmem:s31+$0x0]  }
0xa3: {  	p2 =	slt.u32 s2, $0x1760;
	_ =	sdelay $0x2  }
0xa4: {  	v7 =	vadd.f32 v9, v7  }
0xa5: {  	vm5 =	vne.s32 v8, $0xFFFFFFFF  }
0xa6: {  	vm6 =	vmand vm5, vm3;
	(xrf2) =	vadd.seg.scan.f32 vm5, v7;
	_ =	sdelay $0x5  }
0xa7: {  	vm7 =	veq.s32 v8, v5;
	vm5 =	veq.s32 v8, v3  }
0xa8: {  	vm8 =	vgt.u32 v8, $0xFFFFFFFD;
	vm4 =	vmor vm4, vm5;
	vm7 =	vmor vm7, vm5  }
0xa9: {  	vm7 =	vmor vm7, vm8  }
0xaa: {  	v8 =	vsel vm7, $0xFFFFFFFF, v8  }
.Ltmp5:
0xab: {  	v7 =	vsel vm5, $0x0, v10;
	v9, _, _ =	vpop (xrf2);
	(pc) =	sbr.rel @p2 .LBB2_7-.Ltmp5, $4  }
0xac: {  	v6 =	vsel vm5, v9, v6;
	v10 =	vadd.f32 v9, v7;
	v7 =	vsel vm6, $0x0, v9  }
0xad: {  	s0 =	sadd.s32 $0x10, s0;
	v7 =	vshift.insert v7, v0, s21  }
0xae: {  	s22 =	sadd.s32 $0x10, s22;
	[tilespmem:s0+$0x0] =	vst v10;
	(ifvalue) =	ssetifvalue $0xFFFFFFFF  }
0xaf: {  	[hbm4b:s1+s16] =	stream.indirect_vreg.scatter [tilespmem:s0], [sflag:$0x2], $0x1, v8, vm0, $0x4038;
	[tilespmem:$0xD410] =	vst v63  }
0xb0: {  	v3 =	vld [tilespmem:s28+$0xBC70];
	_ =	sdelay $0x4  }
0xb1: {  	v3 =	vshift.insert v3, v0, s21  }
0xb2: {  	s0 =	simm.s32 $0x30  }
0xb3: {  	[tilespmem:s0+$0x0] =	vst.msk $0x1, v3  }
0xb4: {  	v3 =	vsel vm4, $0x1, v1;
	[tilespmem:$0x90] =	vst v6  }
0xb5: {  	s0 =	sadd.s32 @!p1 $0xBC7F, s28;
	[tilespmem:$0xA0] =	vst v3  }
0xb6: {  	[spmem:s14] =	stream.linear.scatter @!p1 [tilespmem:s0], [sflag:$0x1], $0x1, $0x38;
	[tilespmem:$0xD410] =	vst v63  }
0xb7: {  	s0 =	simm.s32 @!p1 $0x1  }
0xb8: {  	v3 =	vmctz.xlane @!p1 vm4;
	_ =	swait.ge @!p1 [sflag:s0], $0x1  }
0xb9: {  	(v2sf) =	vpush @!p1 v4, $0x0  }
0xba: {  	(v2sf) =	vpush @!p1 v3, $0x0;
	_ =	sdelay $0xd  }
0xbb: {  	s2 =	spop @!p1 (v2sf)  }
0xbc: {  	s6 =	spop @!p1 (v2sf)  }
0xbd: {  	p2 =	sne.s32 @!p1 s26, s2;
	p3 =	slt.s32 @!p1 s6, $0xF  }
0xbe: {  	[sflag:s0] =	ssyncset.done @!p1 $0x0;
	p2 =	por p2, p1;
	p3 =	por !p3, p1  }
0xbf: {  	[sflag:s0] =	ssyncadd.s32 @!p1 $0xFFFFFFFF;
	v3 =	vimm.s32 @!p2 $0xFFFFFFFF;
	s6 =	simm.s32 @p3 $0xF  }
0xc0: {  	[tilespmem:$0x80] =	vst @!p2 v3;
	s2 =	sadd.s32 @!p1 $0x90, s6  }
0xc1: {  	[spmem:s10] =	stream.linear.scatter @!p1 [tilespmem:s2], [sflag:$0x1], $0x1, $0x38;
	[tilespmem:$0xD410] =	vst v63  }
0xc2: {  	_ =	swait.ge @!p1 [sflag:s0], $0x1  }
0xc3: {  	[sflag:s0] =	ssyncset.done @!p1 $0x0  }
0xc4: {  	s2 =	simm.s32 @!p1 $0x80;
	[sflag:s0] =	ssyncadd.s32 @!p1 $0xFFFFFFFF  }
0xc5: {  	[spmem:s15] =	stream.linear.scatter @!p1 [tilespmem:s2], [sflag:$0x1], $0x1, $0x38;
	[tilespmem:$0xD410] =	vst v63  }
0xc6: {  	_ =	swait.ge @!p1 [sflag:s0], $0x1  }
0xc7: {  	[sflag:s0] =	ssyncset.done @!p1 $0x0  }
0xc8: {  	[sflag:s0] =	ssyncadd.s32 @!p1 $0xFFFFFFFF;
	(ifvalue) =	ssetifvalue $0xFFFFFFFF;
	v3 =	vld [tilespmem:s25+$0x10];
	_ =	sdelay $0x3  }
.Ltmp6:
0xc9: {  	_ = 	snop;
	(pc) =	sbr.rel .LBB2_9-.Ltmp6, $3  }
0xca: {  	_ =	sdelay $0x1  }
0xcb: {  	(ifvalue) =	ssetifvalue $0xFFFFFFFF  }
0xcc: {  	[hbm4b:s1+s16] =	stream.indirect_vreg.scatter [tilespmem:s29], [sflag:$0x9], $0x1, v3, vm0, $0x4038;
	[tilespmem:$0xD410] =	vst v63  }
.LBB2_10:
0xcd: {  	_ =	sfence.sel $0x180000  }
0xce: {  	s0 =	simm.s32 $0x7;
	[bflag:$0x0] =	sbarrier.arrive $0xFFFF  }
0xcf: {  	s26 =	simm.s32 $0x8;
	[sflag:s0] =	ssyncpa.u1 $0x1  }
0xd0: {  	s28 =	simm.s32 $0x9;
	[sflag:s26] =	ssyncpa.u1 $0x1  }
0xd1: {  	[sflag:s28] =	ssyncpa.u1 $0x1  }
0xd2: {  	_ =	sfence.stream.spmem  }
0xd3: {  	s29 =	simm.s32 $0x3;
	[bflag:$0x0] =	sbarrier.arrive $0xFFFF  }
0xd4: {  	s30 =	simm.s32 $0x4;
	[sflag:s29] =	ssyncpa.u1 $0x1  }
0xd5: {  	s31 =	simm.s32 $0x3C;
	s2 =	stileid.u32;
	[sflag:s30] =	ssyncpa.u1 $0x1  }
0xd6: {  	p0 =	sne.s32 s2, $0x0;
	[sflag:s31] =	ssyncpa.u1 $0x1  }
0xd7: {  	s0 =	simm.s32 @p0 $0x1;
	_ =	sfence @p0  }
0xd8: {  	[sflag:s0] =	ssyncpa.u1 @p0 $0x1;
	s0 =	simm.s32 @p0 $0x2  }
0xd9: {  	[sflag:s0] =	ssyncpa.u1 @p0 $0x1  }
0xda: {  	_ =	strace @p0 $0x90000047  }
0xdb: {  	[bflag:$0x2] =	sbarrier.arrive @p0 $0xFFFF  }
0xdc: {  	_ =	shalt @p0  }
.LBB2_11:
0xdd: {  	_ =	sfence.stream.spmem;
	s0 =	simm.s32 $0x5  }
0xde: {  	s2 =	simm.s32 $0x80;
	s3 =	simm.s32 $0xC0;
	[sflag:s0] =	ssyncpa.u1 $0x0  }
0xdf: {  	[tilespmem:s3], [sflag:$0x5] =	stream.linear.gather [spmem:s2], $0x20, $0x38;
	[tilespmem:$0xD410] =	vst v63  }
0xe0: {  	s2 =	simm.s32 $0x0;
	s3 =	simm.s32 $0xE0  }
0xe1: {  	[tilespmem:s3], [sflag:$0x5] =	stream.linear.gather [spmem:s2], $0x20, $0x38;
	[tilespmem:$0xD410] =	vst v63  }
.Ltmp7:
0xe2: {  	_ = 	snop;
	(pc) =	sbr.rel .LBB2_12-.Ltmp7, $4  }
0xe3: {  	_ =	swait.ge [sflag:s0], $0x40  }
0xe4: {  	[sflag:s0] =	ssyncset.done $0x0  }
0xe5: {  	s31 =	simm.s32 $0x6;
	[sflag:s0] =	ssyncadd.s32 $0xFFFFFFC0  }
0xe6: {  	s4 =	simm.s32 $0x0;
	[sflag:s31] =	ssyncpa.u1 $0x0  }
.LBB2_17:
0xe7: {  	p0 =	sgt.u32 s5, $0xC3FF  }
0xe8: {  	s0 =	sshrl.u32 @!p0 s5, $0x3  }
0xe9: {  	s5 =	sand.u32 @!p0 $0x7, s5;
	s6 =	simm.s32 @!p0 $0xB0;
	s0 =	sadd.s32 @!p0 s1, s0  }
0xea: {  	[tilespmem:s6], [sflag:$0x6] =	stream.linear.gather @!p0 [hbm4b:s0+s5], $0x1, $0x38;
	[tilespmem:$0xD410] =	vst v63  }
0xeb: {  	s0 =	simm.s32 @!p0 $0x6  }
0xec: {  	_ =	swait.ge @!p0 [sflag:s0], $0x1  }
0xed: {  	[sflag:s0] =	ssyncset.done @!p0 $0x0  }
0xee: {  	[sflag:s0] =	ssyncadd.s32 @!p0 $0xFFFFFFFF  }
0xef: {  	v2 =	vmov @!p0 s4;
	v1 =	vld.msk @!p0 [tilespmem:$0xB0], $0x1;
	_ =	sdelay $0x3  }
0xf0: {  	s0 =	simm.s32 @!p0 $0xE0  }
0xf1: {  	[tilespmem:v2+s0+$0x0], v1 =	vst.idx.ret.add.f32.msk @!p0 $0x1, v1  }
0xf2: {  	[tilespmem:s2+$0xC0] =	vst.msk $0x1, v0  }
0xf3: {  	v0 =	vld.msk [tilespmem:s4+$0xE0], $0x1;
	_ =	sdelay $0x4  }
0xf4: {  	[tilespmem:s2+$0xE0] =	vst.msk $0x1, v0;
	s2 =	sadd.s32 $0x1, s2  }
.LBB2_19:
0xf5: {  	s4 =	sadd.s32 $0x1, s4  }
0xf6: {  	p0 =	sne.s32 s4, $0x20  }
.Ltmp8:
0xf7: {  	_ = 	snop;
	(pc) =	sbr.rel @!p0 .LBB2_20-.Ltmp8, $1  }
0xf8: {  	_ =	sdelay $0x3  }
.LBB2_12:
0xf9: {  	v0 =	vld.msk [tilespmem:s4+$0xC0], $0x1;
	_ =	sdelay $0x4  }
0xfa: {  	(v2sf) =	vpush v0, $0x0;
	_ =	sdelay $0xe  }
0xfb: {  	s5 =	spop (v2sf)  }
0xfc: {  	p0 =	seq.s32 s5, $0xFFFFFFFF  }
.Ltmp9:
0xfd: {  	_ = 	snop;
	(pc) =	sbr.rel @p0 .LBB2_19-.Ltmp9, $1  }
0xfe: {  	_ =	sdelay $0x3  }
0xff: {  	p0 =	slt.s32 s2, $0x1  }
.Ltmp10:
0x100: {  	_ = 	snop;
	(pc) =	sbr.rel @p0 .LBB2_17-.Ltmp10, $1  }
0x101: {  	_ =	sdelay $0x3  }
0x102: {  	s0 =	simm.s32 $0xC0;
	p0 =	por $0x0, $0x0  }
0x103: {  	v1 =	vld.msk @!p0 [tilespmem:s0+$0x0], $0x1;
	_ =	sdelay $0x4  }
0x104: {  	(v2sf) =	vpush @!p0 v1, $0x0;
	_ =	sdelay $0xd  }
0x105: {  	p2 =	sne.s32 s2, $0x1  }
.Ltmp11:
0x106: {  	s6 =	spop @!p0 (v2sf);
	(pc) =	sbr.rel @!p2 .LBB2_16-.Ltmp11, $4  }
0x107: {  	p1 =	seq.s32 @!p0 s5, s6  }
0x108: {  	s6 =	simm.s32 $0x0;
	p1 =	por !p1, p0  }
0x109: {  	s8 =	simm.s32 $0xFFFFFFFF;
	s6 =	simm.s32 @p1 $0xFFFFFFFF  }
0x10a: {  	s7 =	simm.s32 $0x1;
	s6 =	smov.u32 @p0 s8  }
.LBB2_15:
0x10b: {  	s8 =	smov.u32 s6;
	p0 =	sne.s32 s6, $0xFFFFFFFF  }
0x10c: {  	s0 =	sadd.s32 $0x1, s0;
	s6 =	smov.u32 s7;
	s7 =	sadd.s32 $0x1, s7  }
0x10d: {  	p1 =	sne.s32 s2, s7;
	v1 =	vld.msk @!p0 [tilespmem:s0+$0x0], $0x1;
	_ =	sdelay $0x4  }
0x10e: {  	(v2sf) =	vpush @!p0 v1, $0x0;
	_ =	sdelay $0xe  }
.Ltmp12:
0x10f: {  	s9 =	spop @!p0 (v2sf);
	(pc) =	sbr.rel @p1 .LBB2_15-.Ltmp12, $4  }
0x110: {  	p2 =	seq.s32 @!p0 s5, s9  }
0x111: {  	p2 =	por !p2, p0  }
0x112: {  	s6 =	simm.s32 @p2 $0xFFFFFFFF  }
0x113: {  	s6 =	smov.u32 @p0 s8  }
.LBB2_16:
0x114: {  	p0 =	sne.s32 s6, $0xFFFFFFFF  }
.Ltmp13:
0x115: {  	_ = 	snop;
	(pc) =	sbr.rel @!p0 .LBB2_17-.Ltmp13, $1  }
0x116: {  	_ =	sdelay $0x3  }
0x117: {  	v0 =	vld.msk [tilespmem:s4+$0xE0], $0x1;
	v1 =	vmov s6  }
.Ltmp14:
0x118: {  	_ = 	snop;
	(pc) =	sbr.rel .LBB2_19-.Ltmp14, $2  }
0x119: {  	_ =	sdelay $0x2  }
0x11a: {  	[tilespmem:v1+s3+$0x0], v0 =	vst.idx.ret.add.f32.msk $0x1, v0  }
.LBB2_20:
0x11b: {  	p0 =	slt.s32 s2, $0x1  }
.Ltmp15:
0x11c: {  	_ = 	snop;
	(pc) =	sbr.rel @p0 .LBB2_24-.Ltmp15, $3  }
0x11d: {  	_ =	sdelay $0x1  }
0x11e: {  	s0 =	simm.s32 $0x6  }
0x11f: {  	s3 =	simm.s32 $0x0;
	[sflag:s0] =	ssyncpa.u1 $0x1  }
0x120: {  	s0 =	simm.s32 $0xC0  }
0x121: {  	v0 =	vld.msk [tilespmem:s0+$0x0], $0x1;
	_ =	sdelay $0x4  }
0x122: {  	(v2sf) =	vpush v0, $0x0;
	_ =	sdelay $0xe  }
0x123: {  	s2 =	sadd.s32 $0xFFFFFFFF, s2;
	s4 =	spop (v2sf)  }
0x124: {  	p1 =	sne.s32 s2, $0x0;
	p0 =	sgt.u32 s4, $0xC3FF  }
.Ltmp16:
0x125: {  	s5 =	sshrl.u32 @!p0 s4, $0x3;
	(pc) =	sbr.rel @!p1 .LBB2_23-.Ltmp16, $4  }
0x126: {  	s0 =	simm.s32 $0xE0;
	s4 =	sand.u32 @!p0 $0x7, s4;
	s5 =	sadd.s32 @!p0 s1, s5  }
0x127: {  	[hbm4b:s5+s4] =	stream.linear.scatter @!p0 [tilespmem:s0], [sflag:$0x5], $0x1, $0x38;
	[tilespmem:$0xD410] =	vst v63  }
0x128: {  	s5 =	simm.s32 $0x0  }
0x129: {  	s4 =	simm.s32 $0xC1;
	s5 =	simm.s32 @!p0 $0x4  }
.LBB2_22:
0x12a: {  	v0 =	vld.msk [tilespmem:s4+$0x0], $0x1;
	s2 =	sadd.s32 $0xFFFFFFFF, s2;
	s3 =	sadd.s32 s3, s5  }
0x12b: {  	p0 =	sne.s32 s2, $0x0;
	_ =	sdelay $0x3  }
0x12c: {  	(v2sf) =	vpush v0, $0x0;
	_ =	sdelay $0xe  }
.Ltmp17:
0x12d: {  	s6 =	spop (v2sf);
	(pc) =	sbr.rel @p0 .LBB2_22-.Ltmp17, $4  }
0x12e: {  	s5 =	simm.s32 $0x0;
	p1 =	sgt.u32 s6, $0xC3FF  }
0x12f: {  	s0 =	sadd.s32 $0x1, s0;
	s5 =	simm.s32 @!p1 $0x4;
	s7 =	sshrl.u32 @!p1 s6, $0x3  }
0x130: {  	s4 =	sadd.s32 $0x1, s4;
	s6 =	sand.u32 @!p1 $0x7, s6;
	s7 =	sadd.s32 @!p1 s1, s7  }
0x131: {  	[hbm4b:s7+s6] =	stream.linear.scatter @!p1 [tilespmem:s0], [sflag:$0x5], $0x1, $0x38;
	[tilespmem:$0xD410] =	vst v63  }
.LBB2_23:
0x132: {  	s0 =	sadd.s32 s3, s5  }
0x133: {  	s3 =	sshrl.u32 s0, $0x2  }
.LBB2_24:
0x134: {  	s0 =	simm.s32 $0x5  }
0x135: {  	_ =	swait.ge [sflag:s0], s3  }
0x136: {  	s1 =	ssub.s32 $0x0, s3;
	[sflag:s0] =	ssyncset.done $0x0  }
0x137: {  	[sflag:s0] =	ssyncadd.s32 s1  }
0x138: {  	[sflag:s0] =	ssyncpa.u1 $0x1  }
0x139: {  	s29 =	simm.s32 $0x1;
	_ =	sfence  }
0x13a: {  	s30 =	simm.s32 $0x2;
	[sflag:s29] =	ssyncpa.u1 $0x1  }
0x13b: {  	[sflag:s30] =	ssyncpa.u1 $0x1  }
0x13c: {  	_ =	strace $0x90000047  }
0x13d: {  	[bflag:$0x2] =	sbarrier.arrive $0xFFFF  }
0x13e: {  	s31 =	rddreg [dreg:$0x2]  }
0x13f: {  	s0 =	sadd.s32 $0x100000, s31  }
0x140: {  	[sflag:s0] =	ssyncadd.tile.s32 $0x1;
	_ =	shalt  }
.Lfunc_end2:
_tile_overlayer_lowered:
.L_overlay_start_2:
0x141: {  	(tag) =	ssettag $0x2  }
0x142: {  	s0 =	rddreg [dreg:$0x0];
	s2 =	stileid.u32  }
0x143: {  	s1 =	rddreg [dreg:$0x1];
	p0 =	sne.s32 s2, $0x0  }
0x144: {  	s3 =	rddreg [dreg:$0x2];
	[bflag:$0x3] =	sbarrier.arrive $0xFFFF;
	s2 =	simm.s32 @!p0 $0x1C01  }
0x145: {  	[timem:s3], [sflag:s2] =	dma.local @!p0 [hbm:s0], s1  }
0x146: {  	s0 =	simm.s32 @!p0 $0x1  }
0x147: {  	_ =	swait.ge @!p0 [sflag:s0], s1  }
0x148: {  	s1 =	ssub.s32 @!p0 $0x0, s1;
	[sflag:s0] =	ssyncset.done @!p0 $0x0  }
0x149: {  	[sflag:s0] =	ssyncadd.s32 @!p0 s1  }
0x14a: {  	[bflag:$0x3] =	sbarrier.arrive $0xFFFF  }
0x14b: {  	_ =	shalt  }

</sc_bundles>
